<compile_context>
chip_gen: v7x
topology: tpu7x:2x2x1
jax: 0.10.2.dev20260603
libtpu: 0.0.44.dev20260713+nightly
codegen_flags: <defaults>
</compile_context>

<pallas_src>
import functools

import numpy as np
import jax
import jax.numpy as jnp
from jax import lax
from jax.experimental import pallas as pl
from jax.experimental.pallas import tpu as pltpu
from jax.experimental.pallas import tpu_sc as plsc

KNN = 20
EPS = 1e-5
NB_B = 4
NN = 1024
BN = NB_B * NN
CP = 128
NEG = -3.0e38
HI = lax.Precision.HIGHEST
F32 = jnp.float32
BF16 = jnp.bfloat16


def _dot(a, b, prec=None):
    return lax.dot_general(a, b, (((1,), (0,)), ((), ())), precision=prec,
                           preferred_element_type=F32)


def _dot_nt(a, b, prec=None):
    return lax.dot_general(a, b, (((1,), (1,)), ((), ())), precision=prec,
                           preferred_element_type=F32)


def _lrelu(t):
    return jnp.where(t >= 0, t, 0.2 * t)



def _topk_body(xr_ref, xa_ref, xxr_ref, xxc_ref, idx_ref, *, R):
    b = pl.program_id(0)
    xr = xr_ref[0]
    xa = xa_ref[0]
    xxr = xxr_ref[0]
    xxc = xxc_ref[0]
    G = _dot_nt(xr.astype(BF16), xa.astype(BF16))
    inner = -2.0 * G
    pd = ((-xxr) - inner) - xxc
    iota = lax.broadcasted_iota(jnp.int32, (R, NN), 1)
    ams = []
    for _ in range(KNN):
        m = jnp.max(pd, axis=1, keepdims=True)
        am = jnp.min(jnp.where(pd == m, iota, NN), axis=1, keepdims=True)
        ams.append(am)
        pd = jnp.where(iota == am, NEG, pd)
    idx_ref[0] = jnp.concatenate(ams, axis=1) + b * NN


def _topk_tc(xT, xxr, xxc):
    Bb, Nn, C = xT.shape
    R = 256
    return pl.pallas_call(
        functools.partial(_topk_body, R=R),
        grid=(Bb, Nn // R),
        in_specs=[
            pl.BlockSpec((1, R, C), lambda b, r: (b, r, 0)),
            pl.BlockSpec((1, Nn, C), lambda b, r: (b, 0, 0)),
            pl.BlockSpec((1, R, 1), lambda b, r: (b, r, 0)),
            pl.BlockSpec((1, 1, Nn), lambda b, r: (b, 0, 0)),
        ],
        out_specs=pl.BlockSpec((1, R, KNN), lambda b, r: (b, r, 0)),
        out_shape=jax.ShapeDtypeStruct((Bb, Nn, KNN), jnp.int32),
    )(xT, xT, xxr, xxc)



def _sc_rows(table, idxf):
    E = BN * KNN
    NW = 32
    PE = E // NW
    CH = 512
    NCH = PE // CH
    mesh = plsc.VectorSubcoreMesh(core_axis_name="c", subcore_axis_name="s")

    @functools.partial(
        pl.kernel, mesh=mesh,
        out_type=jax.ShapeDtypeStruct((E, CP), F32),
        scratch_types=[
            pltpu.VMEM((PE,), jnp.int32),
            pltpu.VMEM((CH, CP), F32),
            pltpu.SemaphoreType.DMA,
        ],
    )
    def sck(tab_hbm, idx_hbm, out_hbm, idx_v, buf_v, sem):
        wid = lax.axis_index("s") * 2 + lax.axis_index("c")
        base = wid * PE
        pltpu.sync_copy(idx_hbm.at[pl.ds(base, PE)], idx_v)

        def body(c, carry):
            pltpu.async_copy(
                tab_hbm.at[idx_v.at[pl.ds(c * CH, CH)]], buf_v, sem).wait()
            pltpu.sync_copy(buf_v, out_hbm.at[pl.ds(base + c * CH, CH)])
            return carry

        lax.fori_loop(0, NCH, body, 0)

    return sck(table, idxf)



def _edge_h(feat_ref, xT_ref, wt_ref, R, C):
    gf = feat_ref[0]
    xi = xT_ref[0]
    xib = xi[:, None, :]
    diffb = (gf - xib).astype(BF16)[:, :, :C]
    xkb = jnp.broadcast_to(xib, gf.shape).astype(BF16)[:, :, :C]
    f2 = jnp.concatenate([diffb, xkb], axis=2)
    F2 = f2.reshape(R * KNN, 2 * C)
    return _dot(F2, wt_ref[...].astype(BF16))


def _conva_body(feat_ref, xT_ref, wt_ref, hmax_ref, part_ref, *, R, C, O):
    h = _edge_h(feat_ref, xT_ref, wt_ref, R, C)
    hmax_ref[0] = jnp.max(h.reshape(R, KNN, O), axis=1)
    part_ref[0, 0] = jnp.sum(h, axis=0, keepdims=True)


def _convb_body(feat_ref, xT_ref, wt_ref, m_ref, part_ref, *, R, C, O):
    h = _edge_h(feat_ref, xT_ref, wt_ref, R, C)
    d = h - m_ref[...]
    part_ref[0, 0] = jnp.sum(d * d, axis=0, keepdims=True)


def _conv_a(feat, xT, wt):
    C2, O = wt.shape
    R = 128
    NBK = NN // R
    return pl.pallas_call(
        functools.partial(_conva_body, R=R, C=C2 // 2, O=O),
        grid=(NB_B, NBK),
        in_specs=[
            pl.BlockSpec((1, R, KNN, CP), lambda b, r: (b, r, 0, 0)),
            pl.BlockSpec((1, R, CP), lambda b, r: (b, r, 0)),
            pl.BlockSpec((C2, O), lambda b, r: (0, 0)),
        ],
        out_specs=[
            pl.BlockSpec((1, R, O), lambda b, r: (b, r, 0)),
            pl.BlockSpec((1, 1, 1, O), lambda b, r: (b, r, 0, 0)),
        ],
        out_shape=[
            jax.ShapeDtypeStruct((NB_B, NN, O), F32),
            jax.ShapeDtypeStruct((NB_B, NBK, 1, O), F32),
        ],
    )(feat, xT, wt)


def _conv_b(feat, xT, wt, m):
    C2, O = wt.shape
    R = 128
    NBK = NN // R
    return pl.pallas_call(
        functools.partial(_convb_body, R=R, C=C2 // 2, O=O),
        grid=(NB_B, NBK),
        in_specs=[
            pl.BlockSpec((1, R, KNN, CP), lambda b, r: (b, r, 0, 0)),
            pl.BlockSpec((1, R, CP), lambda b, r: (b, r, 0)),
            pl.BlockSpec((C2, O), lambda b, r: (0, 0)),
            pl.BlockSpec((1, O), lambda b, r: (0, 0)),
        ],
        out_specs=pl.BlockSpec((1, 1, 1, O), lambda b, r: (b, r, 0, 0)),
        out_shape=jax.ShapeDtypeStruct((NB_B, NBK, 1, O), F32),
    )(feat, xT, wt, m)



def _mean_body(part_ref, m_ref):
    cnt = np.float32(BN * KNN)
    m_ref[...] = jnp.sum(part_ref[:, 0, :], axis=0, keepdims=True) / cnt


def _mean(parts):
    M, _, O = parts.shape
    return pl.pallas_call(
        _mean_body,
        out_shape=jax.ShapeDtypeStruct((1, O), F32),
    )(parts)


def _combine_body(mx_ref, part_ref, m_ref, g_ref, b_ref, o_ref):
    cnt = np.float32(BN * KNN)
    var = jnp.sum(part_ref[:, 0, :], axis=0, keepdims=True) / cnt
    xn = (mx_ref[...] - m_ref[...]) / jnp.sqrt(var + EPS)
    t = xn * g_ref[...] + b_ref[...]
    o_ref[...] = _lrelu(t)


def _combine(mx, partsb, m, g, b):
    O = mx.shape[1]
    M = partsb.shape[0]
    CB = min(O, 128)
    return pl.pallas_call(
        _combine_body,
        grid=(O // CB,),
        in_specs=[
            pl.BlockSpec((BN, CB), lambda i: (0, i)),
            pl.BlockSpec((M, 1, CB), lambda i: (0, 0, i)),
            pl.BlockSpec((1, CB), lambda i: (0, i)),
            pl.BlockSpec((1, CB), lambda i: (0, i)),
            pl.BlockSpec((1, CB), lambda i: (0, i)),
        ],
        out_specs=pl.BlockSpec((BN, CB), lambda i: (0, i)),
        out_shape=jax.ShapeDtypeStruct((BN, O), F32),
    )(mx, partsb, m, g, b)



def _bn_rows(t, g, b):
    m = jnp.mean(t, axis=0, keepdims=True)
    v = jnp.mean((t - m) * (t - m), axis=0, keepdims=True)
    return (t - m) / jnp.sqrt(v + EPS) * g + b


def _bdot(a, b):
    return _dot(a.astype(BF16), b.astype(BF16))


def _erf(t):
    at = jnp.abs(t)
    s = jnp.where(t >= 0, 1.0, -1.0)
    w = 1.0 / (1.0 + 0.3275911 * at)
    poly = ((((1.061405429 * w - 1.453152027) * w + 1.421413741) * w
             - 0.284496736) * w + 0.254829592) * w
    return s * (1.0 - poly * jnp.exp(-at * at))


def _head_body(cat_ref, w5_ref, g5_ref, b5_ref,
               l1_ref, g6_ref, b6_ref, l2_ref, g7_ref, b7_ref,
               l21_ref, l22_ref, g8_ref, b8_ref, l3_ref,
               out_ref, y_ref):
    w5b = w5_ref[...].astype(BF16)
    ssum = jnp.zeros((1, 1024), F32)
    for b in range(NB_B):
        y = _dot(cat_ref[b].astype(BF16), w5b)
        y_ref[b] = y
        ssum = ssum + jnp.sum(y, axis=0, keepdims=True)
    cnt = np.float32(BN)
    mean = ssum / cnt
    vsum = jnp.zeros((1, 1024), F32)
    for b in range(NB_B):
        dy = y_ref[b] - mean
        vsum = vsum + jnp.sum(dy * dy, axis=0, keepdims=True)
    var = vsum / cnt
    rs = jnp.sqrt(var + EPS)
    zrows = []
    for b in range(NB_B):
        h = _lrelu((y_ref[b] - mean) / rs * g5_ref[...] + b5_ref[...])
        zmax = jnp.max(h, axis=0, keepdims=True)
        zavg = jnp.sum(h, axis=0, keepdims=True) * (1.0 / float(NN))
        zrows.append(jnp.concatenate([zmax, zavg], axis=1))
    z = jnp.concatenate(zrows, axis=0)
    z = _lrelu(_bn_rows(_bdot(z, l1_ref[...]), g6_ref[...], b6_ref[...]))
    z = _lrelu(_bn_rows(_bdot(z, l2_ref[...]), g7_ref[...], b7_ref[...]))
    z = _bdot(z, l21_ref[...])
    z = _bdot(z, l22_ref[...])
    zb = _bn_rows(z, g8_ref[...], b8_ref[...])
    ge = zb * 0.5 * (1.0 + _erf(zb * np.float32(1.0 / np.sqrt(2.0))))
    out_ref[...] = _bdot(ge, l3_ref[...])


def _head(cat, w5t, g5, b5, l1, g6, b6, l2, g7, b7, l21, l22, g8, b8, l3):
    return pl.pallas_call(
        _head_body,
        out_shape=jax.ShapeDtypeStruct((NB_B, 90), F32),
        scratch_shapes=[pltpu.VMEM((NB_B, NN, 1024), F32)],
    )(cat, w5t, g5, b5, l1, g6, b6, l2, g7, b7, l21, l22, g8, b8, l3)



def kernel(x, disc, params):
    p = params
    xT = jnp.transpose(x, (0, 2, 1))
    xT = jnp.pad(xT, ((0, 0), (0, 0), (0, CP - 6)))

    feats = []
    cur = xT
    xc = x
    cs = [6, 64, 64, 128]
    for li in range(4):
        W = p['conv%d_w' % (li + 1)]
        C = cs[li]
        O = W.shape[0]
        wt = W.T
        xx = jnp.sum(xc ** 2, axis=1, keepdims=True)
        xxr = jnp.transpose(xx, (0, 2, 1))
        idx = _topk_tc(cur, xxr, xx)
        rows = _sc_rows(cur.reshape(BN, CP), idx.reshape(BN * KNN))
        feat = rows.reshape(NB_B, NN, KNN, CP)
        hmax, parts_a = _conv_a(feat, cur, wt)
        m = _mean(parts_a.reshape(-1, 1, O))
        parts_b = _conv_b(feat, cur, wt, m)
        xn = _combine(hmax.reshape(BN, O), parts_b.reshape(-1, 1, O), m,
                      p['bn%d_g' % (li + 1)].reshape(1, O),
                      p['bn%d_b' % (li + 1)].reshape(1, O))
        xl = xn.reshape(NB_B, NN, O)
        feats.append(xl)
        if li < 3:
            cur = jnp.pad(xn, ((0, 0), (0, CP - O))).reshape(NB_B, NN, CP)
            xc = lax.optimization_barrier(jnp.transpose(xl, (0, 2, 1)))

    cat = jnp.concatenate(feats, axis=2)
    out = _head(
        cat, p['conv5_w'].T,
        p['bn5_g'].reshape(1, 1024), p['bn5_b'].reshape(1, 1024),
        p['lin1_w'].T, p['bn6_g'].reshape(1, 256), p['bn6_b'].reshape(1, 256),
        p['lin2_w'].T, p['bn7_g'].reshape(1, 128), p['bn7_b'].reshape(1, 128),
        p['lin21_w'].T, p['lin22_w'].T,
        p['bn8_g'].reshape(1, 32), p['bn8_b'].reshape(1, 32),
        p['lin3_w'].T)
    return out

# --- scband reference (transcript-rebuilt; emitter-appended) ---
"""Pipeline reference for scband-pose-correction-network-22368189677586 (READ-ONLY COPY).

The authoritative reference and input builder live on the scoring server;
editing this copy changes nothing except your own understanding.
"""

import jax, jax.numpy as jnp
import numpy as np

K = 20
EPS = 1e-5
B, CIN, N = 4, 6, 1024
EMB = 1024


def knn(x, k):
    inner = -2.0 * jnp.einsum('bcn,bcm->bnm', x, x)
    xx = jnp.sum(x ** 2, axis=1, keepdims=True)
    pd = -xx - inner - jnp.transpose(xx, (0, 2, 1))
    _, idx = jax.lax.top_k(pd, k)
    return idx


def get_graph_feature(x, k):
    b, c, n = x.shape
    idx = knn(x, k)
    idx_base = jnp.arange(b)[:, None, None] * n
    idxf = (idx + idx_base).reshape(-1)
    x_t = jnp.transpose(x, (0, 2, 1)).reshape(b * n, c)
    feature = x_t[idxf].reshape(b, n, k, c)
    xr = jnp.broadcast_to(jnp.transpose(x, (0, 2, 1)).reshape(b, n, 1, c), (b, n, k, c))
    feat = jnp.concatenate((feature - xr, xr), axis=3)
    return jnp.transpose(feat, (0, 3, 1, 2))


def bn(x, g, bta, axes):
    m = jnp.mean(x, axis=axes, keepdims=True)
    v = jnp.var(x, axis=axes, keepdims=True)
    xn = (x - m) / jnp.sqrt(v + EPS)
    shp = [1] * x.ndim
    shp[1] = x.shape[1]
    return xn * g.reshape(shp) + bta.reshape(shp)


def lrelu(x):
    return jnp.where(x >= 0, x, 0.2 * x)


def forward(x, disc, p):
    f = get_graph_feature(x, K)
    h = lrelu(bn(jnp.einsum('oi,bink->bonk', p['conv1_w'], f), p['bn1_g'], p['bn1_b'], (0, 2, 3)))
    x1 = jnp.max(h, axis=-1)
    f = get_graph_feature(x1, K)
    h = lrelu(bn(jnp.einsum('oi,bink->bonk', p['conv2_w'], f), p['bn2_g'], p['bn2_b'], (0, 2, 3)))
    x2 = jnp.max(h, axis=-1)
    f = get_graph_feature(x2, K)
    h = lrelu(bn(jnp.einsum('oi,bink->bonk', p['conv3_w'], f), p['bn3_g'], p['bn3_b'], (0, 2, 3)))
    x3 = jnp.max(h, axis=-1)
    f = get_graph_feature(x3, K)
    h = lrelu(bn(jnp.einsum('oi,bink->bonk', p['conv4_w'], f), p['bn4_g'], p['bn4_b'], (0, 2, 3)))
    x4 = jnp.max(h, axis=-1)
    cat = jnp.concatenate((x1, x2, x3, x4), axis=1)
    h = lrelu(bn(jnp.einsum('oi,bin->bon', p['conv5_w'], cat), p['bn5_g'], p['bn5_b'], (0, 2)))
    zmax = jnp.max(h, axis=-1)
    zavg = jnp.mean(h, axis=-1)
    z = jnp.concatenate((zmax, zavg), axis=1)
    z = lrelu(bn(z @ p['lin1_w'].T, p['bn6_g'], p['bn6_b'], (0,)))
    z = lrelu(bn(z @ p['lin2_w'].T, p['bn7_g'], p['bn7_b'], (0,)))
    z = z @ p['lin21_w'].T
    z = z @ p['lin22_w'].T
    z = jax.nn.gelu(bn(z, p['bn8_g'], p['bn8_b'], (0,)), approximate=False)
    return z @ p['lin3_w'].T


def _init_params(key):
    def w(k, o, i):
        return jax.random.normal(k, (o, i), dtype=jnp.float32) / np.sqrt(i).astype(np.float32)
    ks = jax.random.split(key, 10)
    p = {}
    p['conv1_w'] = w(ks[0], 64, 12)
    p['conv2_w'] = w(ks[1], 64, 128)
    p['conv3_w'] = w(ks[2], 128, 128)
    p['conv4_w'] = w(ks[3], 256, 256)
    p['conv5_w'] = w(ks[4], EMB, 512)
    p['lin1_w'] = w(ks[5], 256, EMB * 2)
    p['lin2_w'] = w(ks[6], 128, 256)
    p['lin21_w'] = w(ks[7], 64, 128)
    p['lin22_w'] = w(ks[8], 32, 64)
    p['lin3_w'] = w(ks[9], 90, 32)
    for name, c in [('bn1', 64), ('bn2', 64), ('bn3', 128), ('bn4', 256), ('bn5', EMB), ('bn6', 256), ('bn7', 128), ('bn8', 32)]:
        p[name + '_g'] = jnp.ones((c,), dtype=jnp.float32)
        p[name + '_b'] = jnp.zeros((c,), dtype=jnp.float32)
    return p


def setup_inputs(seed: int = 0):
    key = jax.random.key(seed)
    k1, k2, k3 = jax.random.split(key, 3)
    x = jax.random.normal(k1, (B, CIN, N), dtype=jnp.float32)
    disc = jax.random.normal(k2, (B,), dtype=jnp.float32)
    params = _init_params(k3)
    return {'x': x, 'disc': disc, 'params': params}


def reference(x, disc, params):
    return forward(x, disc, params)

if __name__ == "__main__":
    import jax
    _d = setup_inputs()
    print(jax.jit(kernel)(*tuple(_d.values())))

</pallas_src>

<mosaic_0001>
#map = affine_map<(d0, d1) -> (0, 0)>
#map1 = affine_map<(d0, d1) -> (0)>
module attributes {stable_mosaic.version = 14 : i64} {
  func.func @sck(%arg0: i32, %arg1: i32, %arg2: memref<4096x128xf32, #tpu.memory_space<hbm>>, %arg3: memref<81920xi32, #tpu.memory_space<hbm>>, %arg4: memref<81920x128xf32, #tpu.memory_space<hbm>>, %arg5: memref<2560xi32, #tpu.memory_space<vmem>>, %arg6: memref<512x128xf32, #tpu.memory_space<vmem>>, %arg7: memref<!tpu.dma_semaphore, #tpu.memory_space<semaphore_mem>>) attributes {dimension_semantics = [#tpu.dimension_semantics<core_parallel>, #tpu.dimension_semantics<subcore_parallel>], iteration_bounds = array<i64: 2, 16>, scalar_prefetch = 0 : i64, scratch_operands = 3 : i64, tpu.core_type = #tpu.core_type<sc_vector_subcore>, window_params = [{transform_indices = #map}, {transform_indices = #map1}, {transform_indices = #map}]} {
    %mul3A = arith.constant 2 : i32
    %mul3A_0 = arith.muli %arg1, %mul3A : i32
    %add3A = arith.addi %mul3A_0, %arg0 : i32
    %mul3A_1 = arith.constant 2560 : i32
    %mul3A_2 = arith.muli %add3A, %mul3A_1 : i32
    "tpu.region"() ({
      %run_scoped3A = tpu.sem_alloc : memref<!tpu.dma_semaphore, #tpu.memory_space<semaphore_mem>>
      %dma_start3A = tpu.memref_slice %arg3[%mul3A_2] : memref<81920xi32, #tpu.memory_space<hbm>> -> memref<2560xi32, #tpu.memory_space<hbm>>
      %dma_start3A_8 = tpu.memref_slice %arg3[%mul3A_2] : memref<81920xi32, #tpu.memory_space<hbm>> -> memref<2560xi32, #tpu.memory_space<hbm>>
      tpu.enqueue_dma source(%dma_start3A_8 : memref<2560xi32, #tpu.memory_space<hbm>>) target(%arg5 : memref<2560xi32, #tpu.memory_space<vmem>>) target_semaphore(%run_scoped3A : memref<!tpu.dma_semaphore, #tpu.memory_space<semaphore_mem>>)
      %dma_wait3A = tpu.memref_slice %arg3[%mul3A_2] : memref<81920xi32, #tpu.memory_space<hbm>> -> memref<2560xi32, #tpu.memory_space<hbm>>
      %dma_wait3A_9 = tpu.memref_slice %arg3[%mul3A_2] : memref<81920xi32, #tpu.memory_space<hbm>> -> memref<2560xi32, #tpu.memory_space<hbm>>
      tpu.wait_dma2 semaphore(%run_scoped3A : memref<!tpu.dma_semaphore, #tpu.memory_space<semaphore_mem>>) src(%dma_wait3A_9 : memref<2560xi32, #tpu.memory_space<hbm>>) dst(%arg5 : memref<2560xi32, #tpu.memory_space<vmem>>)
      tpu.yield
    }) : () -> ()
    %scan3A = arith.constant 0 : i32
    %scan3A_3 = arith.constant 0 : i32
    %scan3A_4 = arith.constant 5 : i32
    %scan3A_5 = arith.addi %scan3A_3, %scan3A_4 : i32
    %scan3A_6 = arith.constant 1 : i32
    scf.for %scan3A_8 = %scan3A_3 to %scan3A_5 step %scan3A_6  : i32 {
      %mul3A_9 = arith.constant 512 : i32
      %mul3A_10 = arith.muli %scan3A_8, %mul3A_9 : i32
      %dma_start3A = tpu.memref_slice %arg5[%mul3A_10] : memref<2560xi32, #tpu.memory_space<vmem>> -> memref<512xi32, #tpu.memory_space<vmem>>
      %dma_start3A_11 = arith.constant 0 : i32
      %dma_start3A_12 = arith.constant 0 : i32
      %dma_start3A_13 = tpu.memref_slice %arg2[%dma_start3A_11, %dma_start3A_12] : memref<4096x128xf32, #tpu.memory_space<hbm>> -> memref<4096x128xf32, #tpu.memory_space<hbm>>
      tpu.enqueue_indirect_dma source(%dma_start3A_13 : memref<4096x128xf32, #tpu.memory_space<hbm>>) target(%arg6 : memref<512x128xf32, #tpu.memory_space<vmem>>) offsets(%dma_start3A : memref<512xi32, #tpu.memory_space<vmem>>) semaphore(%arg7 : memref<!tpu.dma_semaphore, #tpu.memory_space<semaphore_mem>>)
      %dma_wait3A = tpu.memref_slice %arg5[%mul3A_10] : memref<2560xi32, #tpu.memory_space<vmem>> -> memref<512xi32, #tpu.memory_space<vmem>>
      %dma_wait3A_14 = arith.constant 0 : i32
      %dma_wait3A_15 = arith.constant 0 : i32
      %dma_wait3A_16 = tpu.memref_slice %arg2[%dma_wait3A_14, %dma_wait3A_15] : memref<4096x128xf32, #tpu.memory_space<hbm>> -> memref<4096x128xf32, #tpu.memory_space<hbm>>
      tpu.wait_indirect_dma semaphore(%arg7 : memref<!tpu.dma_semaphore, #tpu.memory_space<semaphore_mem>>) src(%dma_wait3A_16 : memref<4096x128xf32, #tpu.memory_space<hbm>>) dst(%arg6 : memref<512x128xf32, #tpu.memory_space<vmem>>)
      %mul3A_17 = arith.constant 512 : i32
      %mul3A_18 = arith.muli %scan3A_8, %mul3A_17 : i32
      %add3A_19 = arith.addi %mul3A_2, %mul3A_18 : i32
      "tpu.region"() ({
        %run_scoped3A = tpu.sem_alloc : memref<!tpu.dma_semaphore, #tpu.memory_space<semaphore_mem>>
        %dma_start3A_20 = arith.constant 0 : i32
        %dma_start3A_21 = tpu.memref_slice %arg4[%add3A_19, %dma_start3A_20] : memref<81920x128xf32, #tpu.memory_space<hbm>> -> memref<512x128xf32, #tpu.memory_space<hbm>>
        %dma_start3A_22 = arith.constant 0 : i32
        %dma_start3A_23 = tpu.memref_slice %arg4[%add3A_19, %dma_start3A_22] : memref<81920x128xf32, #tpu.memory_space<hbm>> -> memref<512x128xf32, #tpu.memory_space<hbm>>
        tpu.enqueue_dma source(%arg6 : memref<512x128xf32, #tpu.memory_space<vmem>>) target(%dma_start3A_23 : memref<512x128xf32, #tpu.memory_space<hbm>>) target_semaphore(%run_scoped3A : memref<!tpu.dma_semaphore, #tpu.memory_space<semaphore_mem>>)
        %dma_wait3A_24 = arith.constant 0 : i32
        %dma_wait3A_25 = tpu.memref_slice %arg4[%add3A_19, %dma_wait3A_24] : memref<81920x128xf32, #tpu.memory_space<hbm>> -> memref<512x128xf32, #tpu.memory_space<hbm>>
        %dma_wait3A_26 = arith.constant 0 : i32
        %dma_wait3A_27 = tpu.memref_slice %arg4[%add3A_19, %dma_wait3A_26] : memref<81920x128xf32, #tpu.memory_space<hbm>> -> memref<512x128xf32, #tpu.memory_space<hbm>>
        tpu.wait_dma2 semaphore(%run_scoped3A : memref<!tpu.dma_semaphore, #tpu.memory_space<semaphore_mem>>) src(%arg6 : memref<512x128xf32, #tpu.memory_space<vmem>>) dst(%dma_wait3A_27 : memref<512x128xf32, #tpu.memory_space<hbm>>)
        tpu.yield
      }) : () -> ()
    }
    %scan3A_7 = arith.constant 5 : i32
    return
  }
}

#map = affine_map<(d0, d1) -> (0, 0)>
#map1 = affine_map<(d0, d1) -> (0)>
module attributes {stable_mosaic.version = 14 : i64} {
  func.func @sck(%arg0: i32, %arg1: i32, %arg2: memref<4096x128xf32, #tpu.memory_space<hbm>>, %arg3: memref<81920xi32, #tpu.memory_space<hbm>>, %arg4: memref<81920x128xf32, #tpu.memory_space<hbm>>, %arg5: memref<2560xi32, #tpu.memory_space<vmem>>, %arg6: memref<512x128xf32, #tpu.memory_space<vmem>>, %arg7: memref<!tpu.dma_semaphore, #tpu.memory_space<semaphore_mem>>) attributes {dimension_semantics = [#tpu.dimension_semantics<core_parallel>, #tpu.dimension_semantics<subcore_parallel>], iteration_bounds = array<i64: 2, 16>, scalar_prefetch = 0 : i64, scratch_operands = 3 : i64, tpu.core_type = #tpu.core_type<sc_vector_subcore>, window_params = [{transform_indices = #map}, {transform_indices = #map1}, {transform_indices = #map}]} {
    %mul3A = arith.constant 2 : i32
    %mul3A_0 = arith.muli %arg1, %mul3A : i32
    %add3A = arith.addi %mul3A_0, %arg0 : i32
    %mul3A_1 = arith.constant 2560 : i32
    %mul3A_2 = arith.muli %add3A, %mul3A_1 : i32
    "tpu.region"() ({
      %run_scoped3A = tpu.sem_alloc : memref<!tpu.dma_semaphore, #tpu.memory_space<semaphore_mem>>
      %dma_start3A = tpu.memref_slice %arg3[%mul3A_2] : memref<81920xi32, #tpu.memory_space<hbm>> -> memref<2560xi32, #tpu.memory_space<hbm>>
      %dma_start3A_8 = tpu.memref_slice %arg3[%mul3A_2] : memref<81920xi32, #tpu.memory_space<hbm>> -> memref<2560xi32, #tpu.memory_space<hbm>>
      tpu.enqueue_dma source(%dma_start3A_8 : memref<2560xi32, #tpu.memory_space<hbm>>) target(%arg5 : memref<2560xi32, #tpu.memory_space<vmem>>) target_semaphore(%run_scoped3A : memref<!tpu.dma_semaphore, #tpu.memory_space<semaphore_mem>>)
      %dma_wait3A = tpu.memref_slice %arg3[%mul3A_2] : memref<81920xi32, #tpu.memory_space<hbm>> -> memref<2560xi32, #tpu.memory_space<hbm>>
      %dma_wait3A_9 = tpu.memref_slice %arg3[%mul3A_2] : memref<81920xi32, #tpu.memory_space<hbm>> -> memref<2560xi32, #tpu.memory_space<hbm>>
      tpu.wait_dma2 semaphore(%run_scoped3A : memref<!tpu.dma_semaphore, #tpu.memory_space<semaphore_mem>>) src(%dma_wait3A_9 : memref<2560xi32, #tpu.memory_space<hbm>>) dst(%arg5 : memref<2560xi32, #tpu.memory_space<vmem>>)
      tpu.yield
    }) : () -> ()
    %scan3A = arith.constant 0 : i32
    %scan3A_3 = arith.constant 0 : i32
    %scan3A_4 = arith.constant 5 : i32
    %scan3A_5 = arith.addi %scan3A_3, %scan3A_4 : i32
    %scan3A_6 = arith.constant 1 : i32
    scf.for %scan3A_8 = %scan3A_3 to %scan3A_5 step %scan3A_6  : i32 {
      %mul3A_9 = arith.constant 512 : i32
      %mul3A_10 = arith.muli %scan3A_8, %mul3A_9 : i32
      %dma_start3A = tpu.memref_slice %arg5[%mul3A_10] : memref<2560xi32, #tpu.memory_space<vmem>> -> memref<512xi32, #tpu.memory_space<vmem>>
      %dma_start3A_11 = arith.constant 0 : i32
      %dma_start3A_12 = arith.constant 0 : i32
      %dma_start3A_13 = tpu.memref_slice %arg2[%dma_start3A_11, %dma_start3A_12] : memref<4096x128xf32, #tpu.memory_space<hbm>> -> memref<4096x128xf32, #tpu.memory_space<hbm>>
      tpu.enqueue_indirect_dma source(%dma_start3A_13 : memref<4096x128xf32, #tpu.memory_space<hbm>>) target(%arg6 : memref<512x128xf32, #tpu.memory_space<vmem>>) offsets(%dma_start3A : memref<512xi32, #tpu.memory_space<vmem>>) semaphore(%arg7 : memref<!tpu.dma_semaphore, #tpu.memory_space<semaphore_mem>>)
      %dma_wait3A = tpu.memref_slice %arg5[%mul3A_10] : memref<2560xi32, #tpu.memory_space<vmem>> -> memref<512xi32, #tpu.memory_space<vmem>>
      %dma_wait3A_14 = arith.constant 0 : i32
      %dma_wait3A_15 = arith.constant 0 : i32
      %dma_wait3A_16 = tpu.memref_slice %arg2[%dma_wait3A_14, %dma_wait3A_15] : memref<4096x128xf32, #tpu.memory_space<hbm>> -> memref<4096x128xf32, #tpu.memory_space<hbm>>
      tpu.wait_indirect_dma semaphore(%arg7 : memref<!tpu.dma_semaphore, #tpu.memory_space<semaphore_mem>>) src(%dma_wait3A_16 : memref<4096x128xf32, #tpu.memory_space<hbm>>) dst(%arg6 : memref<512x128xf32, #tpu.memory_space<vmem>>)
      %mul3A_17 = arith.constant 512 : i32
      %mul3A_18 = arith.muli %scan3A_8, %mul3A_17 : i32
      %add3A_19 = arith.addi %mul3A_2, %mul3A_18 : i32
      "tpu.region"() ({
        %run_scoped3A = tpu.sem_alloc : memref<!tpu.dma_semaphore, #tpu.memory_space<semaphore_mem>>
        %dma_start3A_20 = arith.constant 0 : i32
        %dma_start3A_21 = tpu.memref_slice %arg4[%add3A_19, %dma_start3A_20] : memref<81920x128xf32, #tpu.memory_space<hbm>> -> memref<512x128xf32, #tpu.memory_space<hbm>>
        %dma_start3A_22 = arith.constant 0 : i32
        %dma_start3A_23 = tpu.memref_slice %arg4[%add3A_19, %dma_start3A_22] : memref<81920x128xf32, #tpu.memory_space<hbm>> -> memref<512x128xf32, #tpu.memory_space<hbm>>
        tpu.enqueue_dma source(%arg6 : memref<512x128xf32, #tpu.memory_space<vmem>>) target(%dma_start3A_23 : memref<512x128xf32, #tpu.memory_space<hbm>>) target_semaphore(%run_scoped3A : memref<!tpu.dma_semaphore, #tpu.memory_space<semaphore_mem>>)
        %dma_wait3A_24 = arith.constant 0 : i32
        %dma_wait3A_25 = tpu.memref_slice %arg4[%add3A_19, %dma_wait3A_24] : memref<81920x128xf32, #tpu.memory_space<hbm>> -> memref<512x128xf32, #tpu.memory_space<hbm>>
        %dma_wait3A_26 = arith.constant 0 : i32
        %dma_wait3A_27 = tpu.memref_slice %arg4[%add3A_19, %dma_wait3A_26] : memref<81920x128xf32, #tpu.memory_space<hbm>> -> memref<512x128xf32, #tpu.memory_space<hbm>>
        tpu.wait_dma2 semaphore(%run_scoped3A : memref<!tpu.dma_semaphore, #tpu.memory_space<semaphore_mem>>) src(%arg6 : memref<512x128xf32, #tpu.memory_space<vmem>>) dst(%dma_wait3A_27 : memref<512x128xf32, #tpu.memory_space<hbm>>)
        tpu.yield
      }) : () -> ()
    }
    %scan3A_7 = arith.constant 5 : i32
    return
  }
}

#map = affine_map<(d0, d1) -> (0, 0)>
#map1 = affine_map<(d0, d1) -> (0)>
module attributes {stable_mosaic.version = 14 : i64} {
  func.func @sck(%arg0: i32, %arg1: i32, %arg2: memref<4096x128xf32, #tpu.memory_space<hbm>>, %arg3: memref<81920xi32, #tpu.memory_space<hbm>>, %arg4: memref<81920x128xf32, #tpu.memory_space<hbm>>, %arg5: memref<2560xi32, #tpu.memory_space<vmem>>, %arg6: memref<512x128xf32, #tpu.memory_space<vmem>>, %arg7: memref<!tpu.dma_semaphore, #tpu.memory_space<semaphore_mem>>) attributes {dimension_semantics = [#tpu.dimension_semantics<core_parallel>, #tpu.dimension_semantics<subcore_parallel>], iteration_bounds = array<i64: 2, 16>, scalar_prefetch = 0 : i64, scratch_operands = 3 : i64, tpu.core_type = #tpu.core_type<sc_vector_subcore>, window_params = [{transform_indices = #map}, {transform_indices = #map1}, {transform_indices = #map}]} {
    %mul3A = arith.constant 2 : i32
    %mul3A_0 = arith.muli %arg1, %mul3A : i32
    %add3A = arith.addi %mul3A_0, %arg0 : i32
    %mul3A_1 = arith.constant 2560 : i32
    %mul3A_2 = arith.muli %add3A, %mul3A_1 : i32
    "tpu.region"() ({
      %run_scoped3A = tpu.sem_alloc : memref<!tpu.dma_semaphore, #tpu.memory_space<semaphore_mem>>
      %dma_start3A = tpu.memref_slice %arg3[%mul3A_2] : memref<81920xi32, #tpu.memory_space<hbm>> -> memref<2560xi32, #tpu.memory_space<hbm>>
      %dma_start3A_8 = tpu.memref_slice %arg3[%mul3A_2] : memref<81920xi32, #tpu.memory_space<hbm>> -> memref<2560xi32, #tpu.memory_space<hbm>>
      tpu.enqueue_dma source(%dma_start3A_8 : memref<2560xi32, #tpu.memory_space<hbm>>) target(%arg5 : memref<2560xi32, #tpu.memory_space<vmem>>) target_semaphore(%run_scoped3A : memref<!tpu.dma_semaphore, #tpu.memory_space<semaphore_mem>>)
      %dma_wait3A = tpu.memref_slice %arg3[%mul3A_2] : memref<81920xi32, #tpu.memory_space<hbm>> -> memref<2560xi32, #tpu.memory_space<hbm>>
      %dma_wait3A_9 = tpu.memref_slice %arg3[%mul3A_2] : memref<81920xi32, #tpu.memory_space<hbm>> -> memref<2560xi32, #tpu.memory_space<hbm>>
      tpu.wait_dma2 semaphore(%run_scoped3A : memref<!tpu.dma_semaphore, #tpu.memory_space<semaphore_mem>>) src(%dma_wait3A_9 : memref<2560xi32, #tpu.memory_space<hbm>>) dst(%arg5 : memref<2560xi32, #tpu.memory_space<vmem>>)
      tpu.yield
    }) : () -> ()
    %scan3A = arith.constant 0 : i32
    %scan3A_3 = arith.constant 0 : i32
    %scan3A_4 = arith.constant 5 : i32
    %scan3A_5 = arith.addi %scan3A_3, %scan3A_4 : i32
    %scan3A_6 = arith.constant 1 : i32
    scf.for %scan3A_8 = %scan3A_3 to %scan3A_5 step %scan3A_6  : i32 {
      %mul3A_9 = arith.constant 512 : i32
      %mul3A_10 = arith.muli %scan3A_8, %mul3A_9 : i32
      %dma_start3A = tpu.memref_slice %arg5[%mul3A_10] : memref<2560xi32, #tpu.memory_space<vmem>> -> memref<512xi32, #tpu.memory_space<vmem>>
      %dma_start3A_11 = arith.constant 0 : i32
      %dma_start3A_12 = arith.constant 0 : i32
      %dma_start3A_13 = tpu.memref_slice %arg2[%dma_start3A_11, %dma_start3A_12] : memref<4096x128xf32, #tpu.memory_space<hbm>> -> memref<4096x128xf32, #tpu.memory_space<hbm>>
      tpu.enqueue_indirect_dma source(%dma_start3A_13 : memref<4096x128xf32, #tpu.memory_space<hbm>>) target(%arg6 : memref<512x128xf32, #tpu.memory_space<vmem>>) offsets(%dma_start3A : memref<512xi32, #tpu.memory_space<vmem>>) semaphore(%arg7 : memref<!tpu.dma_semaphore, #tpu.memory_space<semaphore_mem>>)
      %dma_wait3A = tpu.memref_slice %arg5[%mul3A_10] : memref<2560xi32, #tpu.memory_space<vmem>> -> memref<512xi32, #tpu.memory_space<vmem>>
      %dma_wait3A_14 = arith.constant 0 : i32
      %dma_wait3A_15 = arith.constant 0 : i32
      %dma_wait3A_16 = tpu.memref_slice %arg2[%dma_wait3A_14, %dma_wait3A_15] : memref<4096x128xf32, #tpu.memory_space<hbm>> -> memref<4096x128xf32, #tpu.memory_space<hbm>>
      tpu.wait_indirect_dma semaphore(%arg7 : memref<!tpu.dma_semaphore, #tpu.memory_space<semaphore_mem>>) src(%dma_wait3A_16 : memref<4096x128xf32, #tpu.memory_space<hbm>>) dst(%arg6 : memref<512x128xf32, #tpu.memory_space<vmem>>)
      %mul3A_17 = arith.constant 512 : i32
      %mul3A_18 = arith.muli %scan3A_8, %mul3A_17 : i32
      %add3A_19 = arith.addi %mul3A_2, %mul3A_18 : i32
      "tpu.region"() ({
        %run_scoped3A = tpu.sem_alloc : memref<!tpu.dma_semaphore, #tpu.memory_space<semaphore_mem>>
        %dma_start3A_20 = arith.constant 0 : i32
        %dma_start3A_21 = tpu.memref_slice %arg4[%add3A_19, %dma_start3A_20] : memref<81920x128xf32, #tpu.memory_space<hbm>> -> memref<512x128xf32, #tpu.memory_space<hbm>>
        %dma_start3A_22 = arith.constant 0 : i32
        %dma_start3A_23 = tpu.memref_slice %arg4[%add3A_19, %dma_start3A_22] : memref<81920x128xf32, #tpu.memory_space<hbm>> -> memref<512x128xf32, #tpu.memory_space<hbm>>
        tpu.enqueue_dma source(%arg6 : memref<512x128xf32, #tpu.memory_space<vmem>>) target(%dma_start3A_23 : memref<512x128xf32, #tpu.memory_space<hbm>>) target_semaphore(%run_scoped3A : memref<!tpu.dma_semaphore, #tpu.memory_space<semaphore_mem>>)
        %dma_wait3A_24 = arith.constant 0 : i32
        %dma_wait3A_25 = tpu.memref_slice %arg4[%add3A_19, %dma_wait3A_24] : memref<81920x128xf32, #tpu.memory_space<hbm>> -> memref<512x128xf32, #tpu.memory_space<hbm>>
        %dma_wait3A_26 = arith.constant 0 : i32
        %dma_wait3A_27 = tpu.memref_slice %arg4[%add3A_19, %dma_wait3A_26] : memref<81920x128xf32, #tpu.memory_space<hbm>> -> memref<512x128xf32, #tpu.memory_space<hbm>>
        tpu.wait_dma2 semaphore(%run_scoped3A : memref<!tpu.dma_semaphore, #tpu.memory_space<semaphore_mem>>) src(%arg6 : memref<512x128xf32, #tpu.memory_space<vmem>>) dst(%dma_wait3A_27 : memref<512x128xf32, #tpu.memory_space<hbm>>)
        tpu.yield
      }) : () -> ()
    }
    %scan3A_7 = arith.constant 5 : i32
    return
  }
}

#map = affine_map<(d0, d1) -> (0, 0)>
#map1 = affine_map<(d0, d1) -> (0)>
module attributes {stable_mosaic.version = 14 : i64} {
  func.func @sck(%arg0: i32, %arg1: i32, %arg2: memref<4096x128xf32, #tpu.memory_space<hbm>>, %arg3: memref<81920xi32, #tpu.memory_space<hbm>>, %arg4: memref<81920x128xf32, #tpu.memory_space<hbm>>, %arg5: memref<2560xi32, #tpu.memory_space<vmem>>, %arg6: memref<512x128xf32, #tpu.memory_space<vmem>>, %arg7: memref<!tpu.dma_semaphore, #tpu.memory_space<semaphore_mem>>) attributes {dimension_semantics = [#tpu.dimension_semantics<core_parallel>, #tpu.dimension_semantics<subcore_parallel>], iteration_bounds = array<i64: 2, 16>, scalar_prefetch = 0 : i64, scratch_operands = 3 : i64, tpu.core_type = #tpu.core_type<sc_vector_subcore>, window_params = [{transform_indices = #map}, {transform_indices = #map1}, {transform_indices = #map}]} {
    %mul3A = arith.constant 2 : i32
    %mul3A_0 = arith.muli %arg1, %mul3A : i32
    %add3A = arith.addi %mul3A_0, %arg0 : i32
    %mul3A_1 = arith.constant 2560 : i32
    %mul3A_2 = arith.muli %add3A, %mul3A_1 : i32
    "tpu.region"() ({
      %run_scoped3A = tpu.sem_alloc : memref<!tpu.dma_semaphore, #tpu.memory_space<semaphore_mem>>
      %dma_start3A = tpu.memref_slice %arg3[%mul3A_2] : memref<81920xi32, #tpu.memory_space<hbm>> -> memref<2560xi32, #tpu.memory_space<hbm>>
      %dma_start3A_8 = tpu.memref_slice %arg3[%mul3A_2] : memref<81920xi32, #tpu.memory_space<hbm>> -> memref<2560xi32, #tpu.memory_space<hbm>>
      tpu.enqueue_dma source(%dma_start3A_8 : memref<2560xi32, #tpu.memory_space<hbm>>) target(%arg5 : memref<2560xi32, #tpu.memory_space<vmem>>) target_semaphore(%run_scoped3A : memref<!tpu.dma_semaphore, #tpu.memory_space<semaphore_mem>>)
      %dma_wait3A = tpu.memref_slice %arg3[%mul3A_2] : memref<81920xi32, #tpu.memory_space<hbm>> -> memref<2560xi32, #tpu.memory_space<hbm>>
      %dma_wait3A_9 = tpu.memref_slice %arg3[%mul3A_2] : memref<81920xi32, #tpu.memory_space<hbm>> -> memref<2560xi32, #tpu.memory_space<hbm>>
      tpu.wait_dma2 semaphore(%run_scoped3A : memref<!tpu.dma_semaphore, #tpu.memory_space<semaphore_mem>>) src(%dma_wait3A_9 : memref<2560xi32, #tpu.memory_space<hbm>>) dst(%arg5 : memref<2560xi32, #tpu.memory_space<vmem>>)
      tpu.yield
    }) : () -> ()
    %scan3A = arith.constant 0 : i32
    %scan3A_3 = arith.constant 0 : i32
    %scan3A_4 = arith.constant 5 : i32
    %scan3A_5 = arith.addi %scan3A_3, %scan3A_4 : i32
    %scan3A_6 = arith.constant 1 : i32
    scf.for %scan3A_8 = %scan3A_3 to %scan3A_5 step %scan3A_6  : i32 {
      %mul3A_9 = arith.constant 512 : i32
      %mul3A_10 = arith.muli %scan3A_8, %mul3A_9 : i32
      %dma_start3A = tpu.memref_slice %arg5[%mul3A_10] : memref<2560xi32, #tpu.memory_space<vmem>> -> memref<512xi32, #tpu.memory_space<vmem>>
      %dma_start3A_11 = arith.constant 0 : i32
      %dma_start3A_12 = arith.constant 0 : i32
      %dma_start3A_13 = tpu.memref_slice %arg2[%dma_start3A_11, %dma_start3A_12] : memref<4096x128xf32, #tpu.memory_space<hbm>> -> memref<4096x128xf32, #tpu.memory_space<hbm>>
      tpu.enqueue_indirect_dma source(%dma_start3A_13 : memref<4096x128xf32, #tpu.memory_space<hbm>>) target(%arg6 : memref<512x128xf32, #tpu.memory_space<vmem>>) offsets(%dma_start3A : memref<512xi32, #tpu.memory_space<vmem>>) semaphore(%arg7 : memref<!tpu.dma_semaphore, #tpu.memory_space<semaphore_mem>>)
      %dma_wait3A = tpu.memref_slice %arg5[%mul3A_10] : memref<2560xi32, #tpu.memory_space<vmem>> -> memref<512xi32, #tpu.memory_space<vmem>>
      %dma_wait3A_14 = arith.constant 0 : i32
      %dma_wait3A_15 = arith.constant 0 : i32
      %dma_wait3A_16 = tpu.memref_slice %arg2[%dma_wait3A_14, %dma_wait3A_15] : memref<4096x128xf32, #tpu.memory_space<hbm>> -> memref<4096x128xf32, #tpu.memory_space<hbm>>
      tpu.wait_indirect_dma semaphore(%arg7 : memref<!tpu.dma_semaphore, #tpu.memory_space<semaphore_mem>>) src(%dma_wait3A_16 : memref<4096x128xf32, #tpu.memory_space<hbm>>) dst(%arg6 : memref<512x128xf32, #tpu.memory_space<vmem>>)
      %mul3A_17 = arith.constant 512 : i32
      %mul3A_18 = arith.muli %scan3A_8, %mul3A_17 : i32
      %add3A_19 = arith.addi %mul3A_2, %mul3A_18 : i32
      "tpu.region"() ({
        %run_scoped3A = tpu.sem_alloc : memref<!tpu.dma_semaphore, #tpu.memory_space<semaphore_mem>>
        %dma_start3A_20 = arith.constant 0 : i32
        %dma_start3A_21 = tpu.memref_slice %arg4[%add3A_19, %dma_start3A_20] : memref<81920x128xf32, #tpu.memory_space<hbm>> -> memref<512x128xf32, #tpu.memory_space<hbm>>
        %dma_start3A_22 = arith.constant 0 : i32
        %dma_start3A_23 = tpu.memref_slice %arg4[%add3A_19, %dma_start3A_22] : memref<81920x128xf32, #tpu.memory_space<hbm>> -> memref<512x128xf32, #tpu.memory_space<hbm>>
        tpu.enqueue_dma source(%arg6 : memref<512x128xf32, #tpu.memory_space<vmem>>) target(%dma_start3A_23 : memref<512x128xf32, #tpu.memory_space<hbm>>) target_semaphore(%run_scoped3A : memref<!tpu.dma_semaphore, #tpu.memory_space<semaphore_mem>>)
        %dma_wait3A_24 = arith.constant 0 : i32
        %dma_wait3A_25 = tpu.memref_slice %arg4[%add3A_19, %dma_wait3A_24] : memref<81920x128xf32, #tpu.memory_space<hbm>> -> memref<512x128xf32, #tpu.memory_space<hbm>>
        %dma_wait3A_26 = arith.constant 0 : i32
        %dma_wait3A_27 = tpu.memref_slice %arg4[%add3A_19, %dma_wait3A_26] : memref<81920x128xf32, #tpu.memory_space<hbm>> -> memref<512x128xf32, #tpu.memory_space<hbm>>
        tpu.wait_dma2 semaphore(%run_scoped3A : memref<!tpu.dma_semaphore, #tpu.memory_space<semaphore_mem>>) src(%arg6 : memref<512x128xf32, #tpu.memory_space<vmem>>) dst(%dma_wait3A_27 : memref<512x128xf32, #tpu.memory_space<hbm>>)
        tpu.yield
      }) : () -> ()
    }
    %scan3A_7 = arith.constant 5 : i32
    return
  }
}

module attributes {stable_mosaic.version = 14 : i64} {
  func.func @_topk_body(%arg0: i32, %arg1: i32, %arg2: memref<1x256x128xf32, #tpu.memory_space<vmem>>, %arg3: memref<1x1024x128xf32, #tpu.memory_space<vmem>>, %arg4: memref<1x256x1xf32, #tpu.memory_space<vmem>>, %arg5: memref<1x1x1024xf32, #tpu.memory_space<vmem>>, %arg6: memref<1x256x20xi32, #tpu.memory_space<vmem>>) attributes {dimension_semantics = [#tpu.dimension_semantics<arbitrary>, #tpu.dimension_semantics<arbitrary>], iteration_bounds = array<i64: 4, 4>, scalar_prefetch = 0 : i64, scratch_operands = 0 : i64, tpu.core_type = #tpu.core_type<tc>, window_params = [{transform_indices = @transform_0, window_bounds = array<i64: 1, 256, 128>}, {transform_indices = @transform_1, window_bounds = array<i64: 1, 1024, 128>}, {transform_indices = @transform_2, window_bounds = array<i64: 1, 256, 1>}, {transform_indices = @transform_3, window_bounds = array<i64: 1, 1, 1024>}, {transform_indices = @transform_4, window_bounds = array<i64: 1, 256, 20>}]} {
    %get3A = arith.constant 0 : index
    %get3A_0 = arith.constant 0 : index
    %get3A_1 = arith.constant 0 : index
    %get3A_2 = vector.load %arg2[%get3A, %get3A_0, %get3A_1] : memref<1x256x128xf32, #tpu.memory_space<vmem>>, vector<1x256x128xf32>
    %get3A_3 = vector.shape_cast %get3A_2 : vector<1x256x128xf32> to vector<256x128xf32>
    %get3A_4 = arith.constant 0 : index
    %get3A_5 = arith.constant 0 : index
    %get3A_6 = arith.constant 0 : index
    %get3A_7 = vector.load %arg3[%get3A_4, %get3A_5, %get3A_6] : memref<1x1024x128xf32, #tpu.memory_space<vmem>>, vector<1x1024x128xf32>
    %get3A_8 = vector.shape_cast %get3A_7 : vector<1x1024x128xf32> to vector<1024x128xf32>
    %get3A_9 = arith.constant 0 : index
    %get3A_10 = arith.constant 0 : index
    %get3A_11 = arith.constant 0 : index
    %get3A_12 = vector.load %arg4[%get3A_9, %get3A_10, %get3A_11] : memref<1x256x1xf32, #tpu.memory_space<vmem>>, vector<1x256x1xf32>
    %get3A_13 = vector.shape_cast %get3A_12 : vector<1x256x1xf32> to vector<256x1xf32>
    %get3A_14 = arith.constant 0 : index
    %get3A_15 = arith.constant 0 : index
    %get3A_16 = arith.constant 0 : index
    %get3A_17 = vector.load %arg5[%get3A_14, %get3A_15, %get3A_16] : memref<1x1x1024xf32, #tpu.memory_space<vmem>>, vector<1x1x1024xf32>
    %get3A_18 = vector.shape_cast %get3A_17 : vector<1x1x1024xf32> to vector<1x1024xf32>
    %convert_element_type3A = arith.truncf %get3A_3 : vector<256x128xf32> to vector<256x128xbf16>
    %convert_element_type3A_19 = arith.truncf %get3A_8 : vector<1024x128xf32> to vector<1024x128xbf16>
    %dot_general3A = arith.constant dense<0.000000e+00> : vector<256x1024xf32>
    %dot_general3A_20 = tpu.matmul %convert_element_type3A, %convert_element_type3A_19, %dot_general3A {dimension_numbers = #tpu.dot_dimension_numbers<[1], [1], [0], [0], [0, 0, 1, 0], [], []>, transpose_lhs_hint = false} : vector<256x128xbf16>, vector<1024x128xbf16>, vector<256x1024xf32> -> vector<256x1024xf32>
    %mul3A = arith.constant -2.000000e+00 : f32
    %mul3A_21 = vector.broadcast %mul3A : f32 to vector<256x1024xf32>
    %mul3A_22 = arith.mulf %mul3A_21, %dot_general3A_20 : vector<256x1024xf32>
    %neg3A = arith.constant 0.000000e+00 : f32
    %neg3A_23 = vector.broadcast %neg3A : f32 to vector<256x1xf32>
    %neg3A_24 = arith.subf %neg3A_23, %get3A_13 : vector<256x1xf32>
    %sub3A = vector.broadcast %neg3A_24 : vector<256x1xf32> to vector<256x1024xf32>
    %sub3A_25 = arith.subf %sub3A, %mul3A_22 : vector<256x1024xf32>
    %sub3A_26 = vector.broadcast %get3A_18 : vector<1x1024xf32> to vector<256x1024xf32>
    %sub3A_27 = arith.subf %sub3A_25, %sub3A_26 : vector<256x1024xf32>
    %iota3A = tpu.iota {dimensions = array<i32: 1>} : vector<256x1024xi32>
    %reduce_max3A = arith.constant dense<0xFF800000> : vector<256xf32>
    %reduce_max3A_28 = vector.multi_reduction <maximumf>, %sub3A_27, %reduce_max3A [1] : vector<256x1024xf32> to vector<256xf32>
    %broadcast_in_dim3A = vector.shape_cast %reduce_max3A_28 : vector<256xf32> to vector<256x1xf32>
    %eq3A = vector.broadcast %broadcast_in_dim3A : vector<256x1xf32> to vector<256x1024xf32>
    %eq3A_29 = arith.cmpf oeq, %sub3A_27, %eq3A : vector<256x1024xf32>
    %jit3A = arith.constant 1024 : i32
    %broadcast_in_dim3A_30 = vector.broadcast %jit3A : i32 to vector<256x1024xi32>
    %select_n3A = arith.select %eq3A_29, %iota3A, %broadcast_in_dim3A_30 : vector<256x1024xi1>, vector<256x1024xi32>
    %reduce_min3A = arith.constant dense<2147483647> : vector<256xi32>
    %reduce_min3A_31 = vector.multi_reduction <minsi>, %select_n3A, %reduce_min3A [1] : vector<256x1024xi32> to vector<256xi32>
    %broadcast_in_dim3A_32 = vector.shape_cast %reduce_min3A_31 : vector<256xi32> to vector<256x1xi32>
    %eq3A_33 = vector.broadcast %broadcast_in_dim3A_32 : vector<256x1xi32> to vector<256x1024xi32>
    %eq3A_34 = arith.cmpi eq, %iota3A, %eq3A_33 : vector<256x1024xi32>
    %jit3A_35 = arith.constant -3.000000e+38 : f32
    %broadcast_in_dim3A_36 = vector.broadcast %jit3A_35 : f32 to vector<256x1024xf32>
    %select_n3A_37 = arith.select %eq3A_34, %broadcast_in_dim3A_36, %sub3A_27 : vector<256x1024xi1>, vector<256x1024xf32>
    %reduce_max3A_38 = arith.constant dense<0xFF800000> : vector<256xf32>
    %reduce_max3A_39 = vector.multi_reduction <maximumf>, %select_n3A_37, %reduce_max3A_38 [1] : vector<256x1024xf32> to vector<256xf32>
    %broadcast_in_dim3A_40 = vector.shape_cast %reduce_max3A_39 : vector<256xf32> to vector<256x1xf32>
    %eq3A_41 = vector.broadcast %broadcast_in_dim3A_40 : vector<256x1xf32> to vector<256x1024xf32>
    %eq3A_42 = arith.cmpf oeq, %select_n3A_37, %eq3A_41 : vector<256x1024xf32>
    %jit3A_43 = arith.constant 1024 : i32
    %broadcast_in_dim3A_44 = vector.broadcast %jit3A_43 : i32 to vector<256x1024xi32>
    %select_n3A_45 = arith.select %eq3A_42, %iota3A, %broadcast_in_dim3A_44 : vector<256x1024xi1>, vector<256x1024xi32>
    %reduce_min3A_46 = arith.constant dense<2147483647> : vector<256xi32>
    %reduce_min3A_47 = vector.multi_reduction <minsi>, %select_n3A_45, %reduce_min3A_46 [1] : vector<256x1024xi32> to vector<256xi32>
    %broadcast_in_dim3A_48 = vector.shape_cast %reduce_min3A_47 : vector<256xi32> to vector<256x1xi32>
    %eq3A_49 = vector.broadcast %broadcast_in_dim3A_48 : vector<256x1xi32> to vector<256x1024xi32>
    %eq3A_50 = arith.cmpi eq, %iota3A, %eq3A_49 : vector<256x1024xi32>
    %jit3A_51 = arith.constant -3.000000e+38 : f32
    %broadcast_in_dim3A_52 = vector.broadcast %jit3A_51 : f32 to vector<256x1024xf32>
    %select_n3A_53 = arith.select %eq3A_50, %broadcast_in_dim3A_52, %select_n3A_37 : vector<256x1024xi1>, vector<256x1024xf32>
    %reduce_max3A_54 = arith.constant dense<0xFF800000> : vector<256xf32>
    %reduce_max3A_55 = vector.multi_reduction <maximumf>, %select_n3A_53, %reduce_max3A_54 [1] : vector<256x1024xf32> to vector<256xf32>
    %broadcast_in_dim3A_56 = vector.shape_cast %reduce_max3A_55 : vector<256xf32> to vector<256x1xf32>
    %eq3A_57 = vector.broadcast %broadcast_in_dim3A_56 : vector<256x1xf32> to vector<256x1024xf32>
    %eq3A_58 = arith.cmpf oeq, %select_n3A_53, %eq3A_57 : vector<256x1024xf32>
    %jit3A_59 = arith.constant 1024 : i32
    %broadcast_in_dim3A_60 = vector.broadcast %jit3A_59 : i32 to vector<256x1024xi32>
    %select_n3A_61 = arith.select %eq3A_58, %iota3A, %broadcast_in_dim3A_60 : vector<256x1024xi1>, vector<256x1024xi32>
    %reduce_min3A_62 = arith.constant dense<2147483647> : vector<256xi32>
    %reduce_min3A_63 = vector.multi_reduction <minsi>, %select_n3A_61, %reduce_min3A_62 [1] : vector<256x1024xi32> to vector<256xi32>
    %broadcast_in_dim3A_64 = vector.shape_cast %reduce_min3A_63 : vector<256xi32> to vector<256x1xi32>
    %eq3A_65 = vector.broadcast %broadcast_in_dim3A_64 : vector<256x1xi32> to vector<256x1024xi32>
    %eq3A_66 = arith.cmpi eq, %iota3A, %eq3A_65 : vector<256x1024xi32>
    %jit3A_67 = arith.constant -3.000000e+38 : f32
    %broadcast_in_dim3A_68 = vector.broadcast %jit3A_67 : f32 to vector<256x1024xf32>
    %select_n3A_69 = arith.select %eq3A_66, %broadcast_in_dim3A_68, %select_n3A_53 : vector<256x1024xi1>, vector<256x1024xf32>
    %reduce_max3A_70 = arith.constant dense<0xFF800000> : vector<256xf32>
    %reduce_max3A_71 = vector.multi_reduction <maximumf>, %select_n3A_69, %reduce_max3A_70 [1] : vector<256x1024xf32> to vector<256xf32>
    %broadcast_in_dim3A_72 = vector.shape_cast %reduce_max3A_71 : vector<256xf32> to vector<256x1xf32>
    %eq3A_73 = vector.broadcast %broadcast_in_dim3A_72 : vector<256x1xf32> to vector<256x1024xf32>
    %eq3A_74 = arith.cmpf oeq, %select_n3A_69, %eq3A_73 : vector<256x1024xf32>
    %jit3A_75 = arith.constant 1024 : i32
    %broadcast_in_dim3A_76 = vector.broadcast %jit3A_75 : i32 to vector<256x1024xi32>
    %select_n3A_77 = arith.select %eq3A_74, %iota3A, %broadcast_in_dim3A_76 : vector<256x1024xi1>, vector<256x1024xi32>
    %reduce_min3A_78 = arith.constant dense<2147483647> : vector<256xi32>
    %reduce_min3A_79 = vector.multi_reduction <minsi>, %select_n3A_77, %reduce_min3A_78 [1] : vector<256x1024xi32> to vector<256xi32>
    %broadcast_in_dim3A_80 = vector.shape_cast %reduce_min3A_79 : vector<256xi32> to vector<256x1xi32>
    %eq3A_81 = vector.broadcast %broadcast_in_dim3A_80 : vector<256x1xi32> to vector<256x1024xi32>
    %eq3A_82 = arith.cmpi eq, %iota3A, %eq3A_81 : vector<256x1024xi32>
    %jit3A_83 = arith.constant -3.000000e+38 : f32
    %broadcast_in_dim3A_84 = vector.broadcast %jit3A_83 : f32 to vector<256x1024xf32>
    %select_n3A_85 = arith.select %eq3A_82, %broadcast_in_dim3A_84, %select_n3A_69 : vector<256x1024xi1>, vector<256x1024xf32>
    %reduce_max3A_86 = arith.constant dense<0xFF800000> : vector<256xf32>
    %reduce_max3A_87 = vector.multi_reduction <maximumf>, %select_n3A_85, %reduce_max3A_86 [1] : vector<256x1024xf32> to vector<256xf32>
    %broadcast_in_dim3A_88 = vector.shape_cast %reduce_max3A_87 : vector<256xf32> to vector<256x1xf32>
    %eq3A_89 = vector.broadcast %broadcast_in_dim3A_88 : vector<256x1xf32> to vector<256x1024xf32>
    %eq3A_90 = arith.cmpf oeq, %select_n3A_85, %eq3A_89 : vector<256x1024xf32>
    %jit3A_91 = arith.constant 1024 : i32
    %broadcast_in_dim3A_92 = vector.broadcast %jit3A_91 : i32 to vector<256x1024xi32>
    %select_n3A_93 = arith.select %eq3A_90, %iota3A, %broadcast_in_dim3A_92 : vector<256x1024xi1>, vector<256x1024xi32>
    %reduce_min3A_94 = arith.constant dense<2147483647> : vector<256xi32>
    %reduce_min3A_95 = vector.multi_reduction <minsi>, %select_n3A_93, %reduce_min3A_94 [1] : vector<256x1024xi32> to vector<256xi32>
    %broadcast_in_dim3A_96 = vector.shape_cast %reduce_min3A_95 : vector<256xi32> to vector<256x1xi32>
    %eq3A_97 = vector.broadcast %broadcast_in_dim3A_96 : vector<256x1xi32> to vector<256x1024xi32>
    %eq3A_98 = arith.cmpi eq, %iota3A, %eq3A_97 : vector<256x1024xi32>
    %jit3A_99 = arith.constant -3.000000e+38 : f32
    %broadcast_in_dim3A_100 = vector.broadcast %jit3A_99 : f32 to vector<256x1024xf32>
    %select_n3A_101 = arith.select %eq3A_98, %broadcast_in_dim3A_100, %select_n3A_85 : vector<256x1024xi1>, vector<256x1024xf32>
    %reduce_max3A_102 = arith.constant dense<0xFF800000> : vector<256xf32>
    %reduce_max3A_103 = vector.multi_reduction <maximumf>, %select_n3A_101, %reduce_max3A_102 [1] : vector<256x1024xf32> to vector<256xf32>
    %broadcast_in_dim3A_104 = vector.shape_cast %reduce_max3A_103 : vector<256xf32> to vector<256x1xf32>
    %eq3A_105 = vector.broadcast %broadcast_in_dim3A_104 : vector<256x1xf32> to vector<256x1024xf32>
    %eq3A_106 = arith.cmpf oeq, %select_n3A_101, %eq3A_105 : vector<256x1024xf32>
    %jit3A_107 = arith.constant 1024 : i32
    %broadcast_in_dim3A_108 = vector.broadcast %jit3A_107 : i32 to vector<256x1024xi32>
    %select_n3A_109 = arith.select %eq3A_106, %iota3A, %broadcast_in_dim3A_108 : vector<256x1024xi1>, vector<256x1024xi32>
    %reduce_min3A_110 = arith.constant dense<2147483647> : vector<256xi32>
    %reduce_min3A_111 = vector.multi_reduction <minsi>, %select_n3A_109, %reduce_min3A_110 [1] : vector<256x1024xi32> to vector<256xi32>
    %broadcast_in_dim3A_112 = vector.shape_cast %reduce_min3A_111 : vector<256xi32> to vector<256x1xi32>
    %eq3A_113 = vector.broadcast %broadcast_in_dim3A_112 : vector<256x1xi32> to vector<256x1024xi32>
    %eq3A_114 = arith.cmpi eq, %iota3A, %eq3A_113 : vector<256x1024xi32>
    %jit3A_115 = arith.constant -3.000000e+38 : f32
    %broadcast_in_dim3A_116 = vector.broadcast %jit3A_115 : f32 to vector<256x1024xf32>
    %select_n3A_117 = arith.select %eq3A_114, %broadcast_in_dim3A_116, %select_n3A_101 : vector<256x1024xi1>, vector<256x1024xf32>
    %reduce_max3A_118 = arith.constant dense<0xFF800000> : vector<256xf32>
    %reduce_max3A_119 = vector.multi_reduction <maximumf>, %select_n3A_117, %reduce_max3A_118 [1] : vector<256x1024xf32> to vector<256xf32>
    %broadcast_in_dim3A_120 = vector.shape_cast %reduce_max3A_119 : vector<256xf32> to vector<256x1xf32>
    %eq3A_121 = vector.broadcast %broadcast_in_dim3A_120 : vector<256x1xf32> to vector<256x1024xf32>
    %eq3A_122 = arith.cmpf oeq, %select_n3A_117, %eq3A_121 : vector<256x1024xf32>
    %jit3A_123 = arith.constant 1024 : i32
    %broadcast_in_dim3A_124 = vector.broadcast %jit3A_123 : i32 to vector<256x1024xi32>
    %select_n3A_125 = arith.select %eq3A_122, %iota3A, %broadcast_in_dim3A_124 : vector<256x1024xi1>, vector<256x1024xi32>
    %reduce_min3A_126 = arith.constant dense<2147483647> : vector<256xi32>
    %reduce_min3A_127 = vector.multi_reduction <minsi>, %select_n3A_125, %reduce_min3A_126 [1] : vector<256x1024xi32> to vector<256xi32>
    %broadcast_in_dim3A_128 = vector.shape_cast %reduce_min3A_127 : vector<256xi32> to vector<256x1xi32>
    %eq3A_129 = vector.broadcast %broadcast_in_dim3A_128 : vector<256x1xi32> to vector<256x1024xi32>
    %eq3A_130 = arith.cmpi eq, %iota3A, %eq3A_129 : vector<256x1024xi32>
    %jit3A_131 = arith.constant -3.000000e+38 : f32
    %broadcast_in_dim3A_132 = vector.broadcast %jit3A_131 : f32 to vector<256x1024xf32>
    %select_n3A_133 = arith.select %eq3A_130, %broadcast_in_dim3A_132, %select_n3A_117 : vector<256x1024xi1>, vector<256x1024xf32>
    %reduce_max3A_134 = arith.constant dense<0xFF800000> : vector<256xf32>
    %reduce_max3A_135 = vector.multi_reduction <maximumf>, %select_n3A_133, %reduce_max3A_134 [1] : vector<256x1024xf32> to vector<256xf32>
    %broadcast_in_dim3A_136 = vector.shape_cast %reduce_max3A_135 : vector<256xf32> to vector<256x1xf32>
    %eq3A_137 = vector.broadcast %broadcast_in_dim3A_136 : vector<256x1xf32> to vector<256x1024xf32>
    %eq3A_138 = arith.cmpf oeq, %select_n3A_133, %eq3A_137 : vector<256x1024xf32>
    %jit3A_139 = arith.constant 1024 : i32
    %broadcast_in_dim3A_140 = vector.broadcast %jit3A_139 : i32 to vector<256x1024xi32>
    %select_n3A_141 = arith.select %eq3A_138, %iota3A, %broadcast_in_dim3A_140 : vector<256x1024xi1>, vector<256x1024xi32>
    %reduce_min3A_142 = arith.constant dense<2147483647> : vector<256xi32>
    %reduce_min3A_143 = vector.multi_reduction <minsi>, %select_n3A_141, %reduce_min3A_142 [1] : vector<256x1024xi32> to vector<256xi32>
    %broadcast_in_dim3A_144 = vector.shape_cast %reduce_min3A_143 : vector<256xi32> to vector<256x1xi32>
    %eq3A_145 = vector.broadcast %broadcast_in_dim3A_144 : vector<256x1xi32> to vector<256x1024xi32>
    %eq3A_146 = arith.cmpi eq, %iota3A, %eq3A_145 : vector<256x1024xi32>
    %jit3A_147 = arith.constant -3.000000e+38 : f32
    %broadcast_in_dim3A_148 = vector.broadcast %jit3A_147 : f32 to vector<256x1024xf32>
    %select_n3A_149 = arith.select %eq3A_146, %broadcast_in_dim3A_148, %select_n3A_133 : vector<256x1024xi1>, vector<256x1024xf32>
    %reduce_max3A_150 = arith.constant dense<0xFF800000> : vector<256xf32>
    %reduce_max3A_151 = vector.multi_reduction <maximumf>, %select_n3A_149, %reduce_max3A_150 [1] : vector<256x1024xf32> to vector<256xf32>
    %broadcast_in_dim3A_152 = vector.shape_cast %reduce_max3A_151 : vector<256xf32> to vector<256x1xf32>
    %eq3A_153 = vector.broadcast %broadcast_in_dim3A_152 : vector<256x1xf32> to vector<256x1024xf32>
    %eq3A_154 = arith.cmpf oeq, %select_n3A_149, %eq3A_153 : vector<256x1024xf32>
    %jit3A_155 = arith.constant 1024 : i32
    %broadcast_in_dim3A_156 = vector.broadcast %jit3A_155 : i32 to vector<256x1024xi32>
    %select_n3A_157 = arith.select %eq3A_154, %iota3A, %broadcast_in_dim3A_156 : vector<256x1024xi1>, vector<256x1024xi32>
    %reduce_min3A_158 = arith.constant dense<2147483647> : vector<256xi32>
    %reduce_min3A_159 = vector.multi_reduction <minsi>, %select_n3A_157, %reduce_min3A_158 [1] : vector<256x1024xi32> to vector<256xi32>
    %broadcast_in_dim3A_160 = vector.shape_cast %reduce_min3A_159 : vector<256xi32> to vector<256x1xi32>
    %eq3A_161 = vector.broadcast %broadcast_in_dim3A_160 : vector<256x1xi32> to vector<256x1024xi32>
    %eq3A_162 = arith.cmpi eq, %iota3A, %eq3A_161 : vector<256x1024xi32>
    %jit3A_163 = arith.constant -3.000000e+38 : f32
    %broadcast_in_dim3A_164 = vector.broadcast %jit3A_163 : f32 to vector<256x1024xf32>
    %select_n3A_165 = arith.select %eq3A_162, %broadcast_in_dim3A_164, %select_n3A_149 : vector<256x1024xi1>, vector<256x1024xf32>
    %reduce_max3A_166 = arith.constant dense<0xFF800000> : vector<256xf32>
    %reduce_max3A_167 = vector.multi_reduction <maximumf>, %select_n3A_165, %reduce_max3A_166 [1] : vector<256x1024xf32> to vector<256xf32>
    %broadcast_in_dim3A_168 = vector.shape_cast %reduce_max3A_167 : vector<256xf32> to vector<256x1xf32>
    %eq3A_169 = vector.broadcast %broadcast_in_dim3A_168 : vector<256x1xf32> to vector<256x1024xf32>
    %eq3A_170 = arith.cmpf oeq, %select_n3A_165, %eq3A_169 : vector<256x1024xf32>
    %jit3A_171 = arith.constant 1024 : i32
    %broadcast_in_dim3A_172 = vector.broadcast %jit3A_171 : i32 to vector<256x1024xi32>
    %select_n3A_173 = arith.select %eq3A_170, %iota3A, %broadcast_in_dim3A_172 : vector<256x1024xi1>, vector<256x1024xi32>
    %reduce_min3A_174 = arith.constant dense<2147483647> : vector<256xi32>
    %reduce_min3A_175 = vector.multi_reduction <minsi>, %select_n3A_173, %reduce_min3A_174 [1] : vector<256x1024xi32> to vector<256xi32>
    %broadcast_in_dim3A_176 = vector.shape_cast %reduce_min3A_175 : vector<256xi32> to vector<256x1xi32>
    %eq3A_177 = vector.broadcast %broadcast_in_dim3A_176 : vector<256x1xi32> to vector<256x1024xi32>
    %eq3A_178 = arith.cmpi eq, %iota3A, %eq3A_177 : vector<256x1024xi32>
    %jit3A_179 = arith.constant -3.000000e+38 : f32
    %broadcast_in_dim3A_180 = vector.broadcast %jit3A_179 : f32 to vector<256x1024xf32>
    %select_n3A_181 = arith.select %eq3A_178, %broadcast_in_dim3A_180, %select_n3A_165 : vector<256x1024xi1>, vector<256x1024xf32>
    %reduce_max3A_182 = arith.constant dense<0xFF800000> : vector<256xf32>
    %reduce_max3A_183 = vector.multi_reduction <maximumf>, %select_n3A_181, %reduce_max3A_182 [1] : vector<256x1024xf32> to vector<256xf32>
    %broadcast_in_dim3A_184 = vector.shape_cast %reduce_max3A_183 : vector<256xf32> to vector<256x1xf32>
    %eq3A_185 = vector.broadcast %broadcast_in_dim3A_184 : vector<256x1xf32> to vector<256x1024xf32>
    %eq3A_186 = arith.cmpf oeq, %select_n3A_181, %eq3A_185 : vector<256x1024xf32>
    %jit3A_187 = arith.constant 1024 : i32
    %broadcast_in_dim3A_188 = vector.broadcast %jit3A_187 : i32 to vector<256x1024xi32>
    %select_n3A_189 = arith.select %eq3A_186, %iota3A, %broadcast_in_dim3A_188 : vector<256x1024xi1>, vector<256x1024xi32>
    %reduce_min3A_190 = arith.constant dense<2147483647> : vector<256xi32>
    %reduce_min3A_191 = vector.multi_reduction <minsi>, %select_n3A_189, %reduce_min3A_190 [1] : vector<256x1024xi32> to vector<256xi32>
    %broadcast_in_dim3A_192 = vector.shape_cast %reduce_min3A_191 : vector<256xi32> to vector<256x1xi32>
    %eq3A_193 = vector.broadcast %broadcast_in_dim3A_192 : vector<256x1xi32> to vector<256x1024xi32>
    %eq3A_194 = arith.cmpi eq, %iota3A, %eq3A_193 : vector<256x1024xi32>
    %jit3A_195 = arith.constant -3.000000e+38 : f32
    %broadcast_in_dim3A_196 = vector.broadcast %jit3A_195 : f32 to vector<256x1024xf32>
    %select_n3A_197 = arith.select %eq3A_194, %broadcast_in_dim3A_196, %select_n3A_181 : vector<256x1024xi1>, vector<256x1024xf32>
    %reduce_max3A_198 = arith.constant dense<0xFF800000> : vector<256xf32>
    %reduce_max3A_199 = vector.multi_reduction <maximumf>, %select_n3A_197, %reduce_max3A_198 [1] : vector<256x1024xf32> to vector<256xf32>
    %broadcast_in_dim3A_200 = vector.shape_cast %reduce_max3A_199 : vector<256xf32> to vector<256x1xf32>
    %eq3A_201 = vector.broadcast %broadcast_in_dim3A_200 : vector<256x1xf32> to vector<256x1024xf32>
    %eq3A_202 = arith.cmpf oeq, %select_n3A_197, %eq3A_201 : vector<256x1024xf32>
    %jit3A_203 = arith.constant 1024 : i32
    %broadcast_in_dim3A_204 = vector.broadcast %jit3A_203 : i32 to vector<256x1024xi32>
    %select_n3A_205 = arith.select %eq3A_202, %iota3A, %broadcast_in_dim3A_204 : vector<256x1024xi1>, vector<256x1024xi32>
    %reduce_min3A_206 = arith.constant dense<2147483647> : vector<256xi32>
    %reduce_min3A_207 = vector.multi_reduction <minsi>, %select_n3A_205, %reduce_min3A_206 [1] : vector<256x1024xi32> to vector<256xi32>
    %broadcast_in_dim3A_208 = vector.shape_cast %reduce_min3A_207 : vector<256xi32> to vector<256x1xi32>
    %eq3A_209 = vector.broadcast %broadcast_in_dim3A_208 : vector<256x1xi32> to vector<256x1024xi32>
    %eq3A_210 = arith.cmpi eq, %iota3A, %eq3A_209 : vector<256x1024xi32>
    %jit3A_211 = arith.constant -3.000000e+38 : f32
    %broadcast_in_dim3A_212 = vector.broadcast %jit3A_211 : f32 to vector<256x1024xf32>
    %select_n3A_213 = arith.select %eq3A_210, %broadcast_in_dim3A_212, %select_n3A_197 : vector<256x1024xi1>, vector<256x1024xf32>
    %reduce_max3A_214 = arith.constant dense<0xFF800000> : vector<256xf32>
    %reduce_max3A_215 = vector.multi_reduction <maximumf>, %select_n3A_213, %reduce_max3A_214 [1] : vector<256x1024xf32> to vector<256xf32>
    %broadcast_in_dim3A_216 = vector.shape_cast %reduce_max3A_215 : vector<256xf32> to vector<256x1xf32>
    %eq3A_217 = vector.broadcast %broadcast_in_dim3A_216 : vector<256x1xf32> to vector<256x1024xf32>
    %eq3A_218 = arith.cmpf oeq, %select_n3A_213, %eq3A_217 : vector<256x1024xf32>
    %jit3A_219 = arith.constant 1024 : i32
    %broadcast_in_dim3A_220 = vector.broadcast %jit3A_219 : i32 to vector<256x1024xi32>
    %select_n3A_221 = arith.select %eq3A_218, %iota3A, %broadcast_in_dim3A_220 : vector<256x1024xi1>, vector<256x1024xi32>
    %reduce_min3A_222 = arith.constant dense<2147483647> : vector<256xi32>
    %reduce_min3A_223 = vector.multi_reduction <minsi>, %select_n3A_221, %reduce_min3A_222 [1] : vector<256x1024xi32> to vector<256xi32>
    %broadcast_in_dim3A_224 = vector.shape_cast %reduce_min3A_223 : vector<256xi32> to vector<256x1xi32>
    %eq3A_225 = vector.broadcast %broadcast_in_dim3A_224 : vector<256x1xi32> to vector<256x1024xi32>
    %eq3A_226 = arith.cmpi eq, %iota3A, %eq3A_225 : vector<256x1024xi32>
    %jit3A_227 = arith.constant -3.000000e+38 : f32
    %broadcast_in_dim3A_228 = vector.broadcast %jit3A_227 : f32 to vector<256x1024xf32>
    %select_n3A_229 = arith.select %eq3A_226, %broadcast_in_dim3A_228, %select_n3A_213 : vector<256x1024xi1>, vector<256x1024xf32>
    %reduce_max3A_230 = arith.constant dense<0xFF800000> : vector<256xf32>
    %reduce_max3A_231 = vector.multi_reduction <maximumf>, %select_n3A_229, %reduce_max3A_230 [1] : vector<256x1024xf32> to vector<256xf32>
    %broadcast_in_dim3A_232 = vector.shape_cast %reduce_max3A_231 : vector<256xf32> to vector<256x1xf32>
    %eq3A_233 = vector.broadcast %broadcast_in_dim3A_232 : vector<256x1xf32> to vector<256x1024xf32>
    %eq3A_234 = arith.cmpf oeq, %select_n3A_229, %eq3A_233 : vector<256x1024xf32>
    %jit3A_235 = arith.constant 1024 : i32
    %broadcast_in_dim3A_236 = vector.broadcast %jit3A_235 : i32 to vector<256x1024xi32>
    %select_n3A_237 = arith.select %eq3A_234, %iota3A, %broadcast_in_dim3A_236 : vector<256x1024xi1>, vector<256x1024xi32>
    %reduce_min3A_238 = arith.constant dense<2147483647> : vector<256xi32>
    %reduce_min3A_239 = vector.multi_reduction <minsi>, %select_n3A_237, %reduce_min3A_238 [1] : vector<256x1024xi32> to vector<256xi32>
    %broadcast_in_dim3A_240 = vector.shape_cast %reduce_min3A_239 : vector<256xi32> to vector<256x1xi32>
    %eq3A_241 = vector.broadcast %broadcast_in_dim3A_240 : vector<256x1xi32> to vector<256x1024xi32>
    %eq3A_242 = arith.cmpi eq, %iota3A, %eq3A_241 : vector<256x1024xi32>
    %jit3A_243 = arith.constant -3.000000e+38 : f32
    %broadcast_in_dim3A_244 = vector.broadcast %jit3A_243 : f32 to vector<256x1024xf32>
    %select_n3A_245 = arith.select %eq3A_242, %broadcast_in_dim3A_244, %select_n3A_229 : vector<256x1024xi1>, vector<256x1024xf32>
    %reduce_max3A_246 = arith.constant dense<0xFF800000> : vector<256xf32>
    %reduce_max3A_247 = vector.multi_reduction <maximumf>, %select_n3A_245, %reduce_max3A_246 [1] : vector<256x1024xf32> to vector<256xf32>
    %broadcast_in_dim3A_248 = vector.shape_cast %reduce_max3A_247 : vector<256xf32> to vector<256x1xf32>
    %eq3A_249 = vector.broadcast %broadcast_in_dim3A_248 : vector<256x1xf32> to vector<256x1024xf32>
    %eq3A_250 = arith.cmpf oeq, %select_n3A_245, %eq3A_249 : vector<256x1024xf32>
    %jit3A_251 = arith.constant 1024 : i32
    %broadcast_in_dim3A_252 = vector.broadcast %jit3A_251 : i32 to vector<256x1024xi32>
    %select_n3A_253 = arith.select %eq3A_250, %iota3A, %broadcast_in_dim3A_252 : vector<256x1024xi1>, vector<256x1024xi32>
    %reduce_min3A_254 = arith.constant dense<2147483647> : vector<256xi32>
    %reduce_min3A_255 = vector.multi_reduction <minsi>, %select_n3A_253, %reduce_min3A_254 [1] : vector<256x1024xi32> to vector<256xi32>
    %broadcast_in_dim3A_256 = vector.shape_cast %reduce_min3A_255 : vector<256xi32> to vector<256x1xi32>
    %eq3A_257 = vector.broadcast %broadcast_in_dim3A_256 : vector<256x1xi32> to vector<256x1024xi32>
    %eq3A_258 = arith.cmpi eq, %iota3A, %eq3A_257 : vector<256x1024xi32>
    %jit3A_259 = arith.constant -3.000000e+38 : f32
    %broadcast_in_dim3A_260 = vector.broadcast %jit3A_259 : f32 to vector<256x1024xf32>
    %select_n3A_261 = arith.select %eq3A_258, %broadcast_in_dim3A_260, %select_n3A_245 : vector<256x1024xi1>, vector<256x1024xf32>
    %reduce_max3A_262 = arith.constant dense<0xFF800000> : vector<256xf32>
    %reduce_max3A_263 = vector.multi_reduction <maximumf>, %select_n3A_261, %reduce_max3A_262 [1] : vector<256x1024xf32> to vector<256xf32>
    %broadcast_in_dim3A_264 = vector.shape_cast %reduce_max3A_263 : vector<256xf32> to vector<256x1xf32>
    %eq3A_265 = vector.broadcast %broadcast_in_dim3A_264 : vector<256x1xf32> to vector<256x1024xf32>
    %eq3A_266 = arith.cmpf oeq, %select_n3A_261, %eq3A_265 : vector<256x1024xf32>
    %jit3A_267 = arith.constant 1024 : i32
    %broadcast_in_dim3A_268 = vector.broadcast %jit3A_267 : i32 to vector<256x1024xi32>
    %select_n3A_269 = arith.select %eq3A_266, %iota3A, %broadcast_in_dim3A_268 : vector<256x1024xi1>, vector<256x1024xi32>
    %reduce_min3A_270 = arith.constant dense<2147483647> : vector<256xi32>
    %reduce_min3A_271 = vector.multi_reduction <minsi>, %select_n3A_269, %reduce_min3A_270 [1] : vector<256x1024xi32> to vector<256xi32>
    %broadcast_in_dim3A_272 = vector.shape_cast %reduce_min3A_271 : vector<256xi32> to vector<256x1xi32>
    %eq3A_273 = vector.broadcast %broadcast_in_dim3A_272 : vector<256x1xi32> to vector<256x1024xi32>
    %eq3A_274 = arith.cmpi eq, %iota3A, %eq3A_273 : vector<256x1024xi32>
    %jit3A_275 = arith.constant -3.000000e+38 : f32
    %broadcast_in_dim3A_276 = vector.broadcast %jit3A_275 : f32 to vector<256x1024xf32>
    %select_n3A_277 = arith.select %eq3A_274, %broadcast_in_dim3A_276, %select_n3A_261 : vector<256x1024xi1>, vector<256x1024xf32>
    %reduce_max3A_278 = arith.constant dense<0xFF800000> : vector<256xf32>
    %reduce_max3A_279 = vector.multi_reduction <maximumf>, %select_n3A_277, %reduce_max3A_278 [1] : vector<256x1024xf32> to vector<256xf32>
    %broadcast_in_dim3A_280 = vector.shape_cast %reduce_max3A_279 : vector<256xf32> to vector<256x1xf32>
    %eq3A_281 = vector.broadcast %broadcast_in_dim3A_280 : vector<256x1xf32> to vector<256x1024xf32>
    %eq3A_282 = arith.cmpf oeq, %select_n3A_277, %eq3A_281 : vector<256x1024xf32>
    %jit3A_283 = arith.constant 1024 : i32
    %broadcast_in_dim3A_284 = vector.broadcast %jit3A_283 : i32 to vector<256x1024xi32>
    %select_n3A_285 = arith.select %eq3A_282, %iota3A, %broadcast_in_dim3A_284 : vector<256x1024xi1>, vector<256x1024xi32>
    %reduce_min3A_286 = arith.constant dense<2147483647> : vector<256xi32>
    %reduce_min3A_287 = vector.multi_reduction <minsi>, %select_n3A_285, %reduce_min3A_286 [1] : vector<256x1024xi32> to vector<256xi32>
    %broadcast_in_dim3A_288 = vector.shape_cast %reduce_min3A_287 : vector<256xi32> to vector<256x1xi32>
    %eq3A_289 = vector.broadcast %broadcast_in_dim3A_288 : vector<256x1xi32> to vector<256x1024xi32>
    %eq3A_290 = arith.cmpi eq, %iota3A, %eq3A_289 : vector<256x1024xi32>
    %jit3A_291 = arith.constant -3.000000e+38 : f32
    %broadcast_in_dim3A_292 = vector.broadcast %jit3A_291 : f32 to vector<256x1024xf32>
    %select_n3A_293 = arith.select %eq3A_290, %broadcast_in_dim3A_292, %select_n3A_277 : vector<256x1024xi1>, vector<256x1024xf32>
    %reduce_max3A_294 = arith.constant dense<0xFF800000> : vector<256xf32>
    %reduce_max3A_295 = vector.multi_reduction <maximumf>, %select_n3A_293, %reduce_max3A_294 [1] : vector<256x1024xf32> to vector<256xf32>
    %broadcast_in_dim3A_296 = vector.shape_cast %reduce_max3A_295 : vector<256xf32> to vector<256x1xf32>
    %eq3A_297 = vector.broadcast %broadcast_in_dim3A_296 : vector<256x1xf32> to vector<256x1024xf32>
    %eq3A_298 = arith.cmpf oeq, %select_n3A_293, %eq3A_297 : vector<256x1024xf32>
    %jit3A_299 = arith.constant 1024 : i32
    %broadcast_in_dim3A_300 = vector.broadcast %jit3A_299 : i32 to vector<256x1024xi32>
    %select_n3A_301 = arith.select %eq3A_298, %iota3A, %broadcast_in_dim3A_300 : vector<256x1024xi1>, vector<256x1024xi32>
    %reduce_min3A_302 = arith.constant dense<2147483647> : vector<256xi32>
    %reduce_min3A_303 = vector.multi_reduction <minsi>, %select_n3A_301, %reduce_min3A_302 [1] : vector<256x1024xi32> to vector<256xi32>
    %broadcast_in_dim3A_304 = vector.shape_cast %reduce_min3A_303 : vector<256xi32> to vector<256x1xi32>
    %eq3A_305 = vector.broadcast %broadcast_in_dim3A_304 : vector<256x1xi32> to vector<256x1024xi32>
    %eq3A_306 = arith.cmpi eq, %iota3A, %eq3A_305 : vector<256x1024xi32>
    %jit3A_307 = arith.constant -3.000000e+38 : f32
    %broadcast_in_dim3A_308 = vector.broadcast %jit3A_307 : f32 to vector<256x1024xf32>
    %select_n3A_309 = arith.select %eq3A_306, %broadcast_in_dim3A_308, %select_n3A_293 : vector<256x1024xi1>, vector<256x1024xf32>
    %reduce_max3A_310 = arith.constant dense<0xFF800000> : vector<256xf32>
    %reduce_max3A_311 = vector.multi_reduction <maximumf>, %select_n3A_309, %reduce_max3A_310 [1] : vector<256x1024xf32> to vector<256xf32>
    %broadcast_in_dim3A_312 = vector.shape_cast %reduce_max3A_311 : vector<256xf32> to vector<256x1xf32>
    %eq3A_313 = vector.broadcast %broadcast_in_dim3A_312 : vector<256x1xf32> to vector<256x1024xf32>
    %eq3A_314 = arith.cmpf oeq, %select_n3A_309, %eq3A_313 : vector<256x1024xf32>
    %jit3A_315 = arith.constant 1024 : i32
    %broadcast_in_dim3A_316 = vector.broadcast %jit3A_315 : i32 to vector<256x1024xi32>
    %select_n3A_317 = arith.select %eq3A_314, %iota3A, %broadcast_in_dim3A_316 : vector<256x1024xi1>, vector<256x1024xi32>
    %reduce_min3A_318 = arith.constant dense<2147483647> : vector<256xi32>
    %reduce_min3A_319 = vector.multi_reduction <minsi>, %select_n3A_317, %reduce_min3A_318 [1] : vector<256x1024xi32> to vector<256xi32>
    %broadcast_in_dim3A_320 = vector.shape_cast %reduce_min3A_319 : vector<256xi32> to vector<256x1xi32>
    %eq3A_321 = vector.broadcast %broadcast_in_dim3A_320 : vector<256x1xi32> to vector<256x1024xi32>
    %eq3A_322 = arith.cmpi eq, %iota3A, %eq3A_321 : vector<256x1024xi32>
    %jit3A_323 = arith.constant -3.000000e+38 : f32
    %broadcast_in_dim3A_324 = vector.broadcast %jit3A_323 : f32 to vector<256x1024xf32>
    %select_n3A_325 = arith.select %eq3A_322, %broadcast_in_dim3A_324, %select_n3A_309 : vector<256x1024xi1>, vector<256x1024xf32>
    %reduce_max3A_326 = arith.constant dense<0xFF800000> : vector<256xf32>
    %reduce_max3A_327 = vector.multi_reduction <maximumf>, %select_n3A_325, %reduce_max3A_326 [1] : vector<256x1024xf32> to vector<256xf32>
    %broadcast_in_dim3A_328 = vector.shape_cast %reduce_max3A_327 : vector<256xf32> to vector<256x1xf32>
    %eq3A_329 = vector.broadcast %broadcast_in_dim3A_328 : vector<256x1xf32> to vector<256x1024xf32>
    %eq3A_330 = arith.cmpf oeq, %select_n3A_325, %eq3A_329 : vector<256x1024xf32>
    %jit3A_331 = arith.constant 1024 : i32
    %broadcast_in_dim3A_332 = vector.broadcast %jit3A_331 : i32 to vector<256x1024xi32>
    %select_n3A_333 = arith.select %eq3A_330, %iota3A, %broadcast_in_dim3A_332 : vector<256x1024xi1>, vector<256x1024xi32>
    %reduce_min3A_334 = arith.constant dense<2147483647> : vector<256xi32>
    %reduce_min3A_335 = vector.multi_reduction <minsi>, %select_n3A_333, %reduce_min3A_334 [1] : vector<256x1024xi32> to vector<256xi32>
    %broadcast_in_dim3A_336 = vector.shape_cast %reduce_min3A_335 : vector<256xi32> to vector<256x1xi32>
    %concatenate3A = tpu.concatenate %broadcast_in_dim3A_32, %broadcast_in_dim3A_48, %broadcast_in_dim3A_64, %broadcast_in_dim3A_80, %broadcast_in_dim3A_96, %broadcast_in_dim3A_112, %broadcast_in_dim3A_128, %broadcast_in_dim3A_144, %broadcast_in_dim3A_160, %broadcast_in_dim3A_176, %broadcast_in_dim3A_192, %broadcast_in_dim3A_208, %broadcast_in_dim3A_224, %broadcast_in_dim3A_240, %broadcast_in_dim3A_256, %broadcast_in_dim3A_272, %broadcast_in_dim3A_288, %broadcast_in_dim3A_304, %broadcast_in_dim3A_320, %broadcast_in_dim3A_336 in 1 : vector<256x1xi32>, vector<256x1xi32>, vector<256x1xi32>, vector<256x1xi32>, vector<256x1xi32>, vector<256x1xi32>, vector<256x1xi32>, vector<256x1xi32>, vector<256x1xi32>, vector<256x1xi32>, vector<256x1xi32>, vector<256x1xi32>, vector<256x1xi32>, vector<256x1xi32>, vector<256x1xi32>, vector<256x1xi32>, vector<256x1xi32>, vector<256x1xi32>, vector<256x1xi32>, vector<256x1xi32> -> vector<256x20xi32>
    %mul3A_337 = arith.constant 1024 : i32
    %mul3A_338 = arith.muli %arg0, %mul3A_337 : i32
    %add3A = vector.broadcast %mul3A_338 : i32 to vector<256x20xi32>
    %add3A_339 = arith.addi %concatenate3A, %add3A : vector<256x20xi32>
    %swap3A = arith.constant 0 : index
    %swap3A_340 = arith.constant 0 : index
    %swap3A_341 = arith.constant 0 : index
    %swap3A_342 = vector.load %arg6[%swap3A, %swap3A_340, %swap3A_341] : memref<1x256x20xi32, #tpu.memory_space<vmem>>, vector<1x256x20xi32>
    %swap3A_343 = vector.shape_cast %swap3A_342 : vector<1x256x20xi32> to vector<256x20xi32>
    %swap3A_344 = vector.shape_cast %add3A_339 : vector<256x20xi32> to vector<1x256x20xi32>
    tpu.vector_store %arg6[%swap3A, %swap3A_340, %swap3A_341], %swap3A_344 {strides = array<i32>} : memref<1x256x20xi32, #tpu.memory_space<vmem>>, vector<1x256x20xi32>,
    return
  }
  func.func @transform_0(%arg0: i32, %arg1: i32) -> (i32, i32, i32) {
    %c0_i32 = arith.constant 0 : i32
    %c0_i32_0 = arith.constant 0 : i32
    return %arg0, %arg1, %c0_i32 : i32, i32, i32
  }
  func.func @transform_1(%arg0: i32, %arg1: i32) -> (i32, i32, i32) {
    %c0_i32 = arith.constant 0 : i32
    %c0_i32_0 = arith.constant 0 : i32
    %c0_i32_1 = arith.constant 0 : i32
    return %arg0, %c0_i32, %c0_i32_0 : i32, i32, i32
  }
  func.func @transform_2(%arg0: i32, %arg1: i32) -> (i32, i32, i32) {
    %c0_i32 = arith.constant 0 : i32
    %c0_i32_0 = arith.constant 0 : i32
    return %arg0, %arg1, %c0_i32 : i32, i32, i32
  }
  func.func @transform_3(%arg0: i32, %arg1: i32) -> (i32, i32, i32) {
    %c0_i32 = arith.constant 0 : i32
    %c0_i32_0 = arith.constant 0 : i32
    %c0_i32_1 = arith.constant 0 : i32
    return %arg0, %c0_i32, %c0_i32_0 : i32, i32, i32
  }
  func.func @transform_4(%arg0: i32, %arg1: i32) -> (i32, i32, i32) {
    %c0_i32 = arith.constant 0 : i32
    %c0_i32_0 = arith.constant 0 : i32
    return %arg0, %arg1, %c0_i32 : i32, i32, i32
  }
}

module attributes {stable_mosaic.version = 14 : i64} {
  func.func @_conva_body(%arg0: i32, %arg1: i32, %arg2: memref<1x128x20x128xf32, #tpu.memory_space<vmem>>, %arg3: memref<1x128x128xf32, #tpu.memory_space<vmem>>, %arg4: memref<12x64xf32, #tpu.memory_space<vmem>>, %arg5: memref<1x128x64xf32, #tpu.memory_space<vmem>>, %arg6: memref<1x1x1x64xf32, #tpu.memory_space<vmem>>) attributes {dimension_semantics = [#tpu.dimension_semantics<arbitrary>, #tpu.dimension_semantics<arbitrary>], iteration_bounds = array<i64: 4, 8>, scalar_prefetch = 0 : i64, scratch_operands = 0 : i64, tpu.core_type = #tpu.core_type<tc>, window_params = [{transform_indices = @transform_0, window_bounds = array<i64: 1, 128, 20, 128>}, {transform_indices = @transform_1, window_bounds = array<i64: 1, 128, 128>}, {pipeline_mode = #tpu.pipeline_mode<synchronous>, transform_indices = @transform_2, window_bounds = array<i64: 12, 64>}, {transform_indices = @transform_3, window_bounds = array<i64: 1, 128, 64>}, {transform_indices = @transform_4, window_bounds = array<i64: 1, 1, 1, 64>}]} {
    %get3A = arith.constant 0 : index
    %get3A_0 = arith.constant 0 : index
    %get3A_1 = arith.constant 0 : index
    %get3A_2 = arith.constant 0 : index
    %get3A_3 = vector.load %arg2[%get3A, %get3A_0, %get3A_1, %get3A_2] : memref<1x128x20x128xf32, #tpu.memory_space<vmem>>, vector<1x128x20x128xf32>
    %get3A_4 = vector.shape_cast %get3A_3 : vector<1x128x20x128xf32> to vector<128x20x128xf32>
    %get3A_5 = arith.constant 0 : index
    %get3A_6 = arith.constant 0 : index
    %get3A_7 = arith.constant 0 : index
    %get3A_8 = vector.load %arg3[%get3A_5, %get3A_6, %get3A_7] : memref<1x128x128xf32, #tpu.memory_space<vmem>>, vector<1x128x128xf32>
    %get3A_9 = vector.shape_cast %get3A_8 : vector<1x128x128xf32> to vector<128x128xf32>
    %broadcast_in_dim3A = vector.shape_cast %get3A_9 : vector<128x128xf32> to vector<128x1x128xf32>
    %sub3A = vector.broadcast %broadcast_in_dim3A : vector<128x1x128xf32> to vector<128x20x128xf32>
    %sub3A_10 = arith.subf %get3A_4, %sub3A : vector<128x20x128xf32>
    %convert_element_type3A = arith.truncf %sub3A_10 : vector<128x20x128xf32> to vector<128x20x128xbf16>
    %slice3A = vector.extract_strided_slice %convert_element_type3A {offsets = [0, 0, 0], sizes = [128, 20, 6], strides = [1, 1, 1]} : vector<128x20x128xbf16> to vector<128x20x6xbf16>
    %broadcast_in_dim3A_11 = vector.shape_cast %broadcast_in_dim3A : vector<128x1x128xf32> to vector<128x1x128xf32>
    %broadcast_in_dim3A_12 = vector.broadcast %broadcast_in_dim3A_11 : vector<128x1x128xf32> to vector<128x20x128xf32>
    %convert_element_type3A_13 = arith.truncf %broadcast_in_dim3A_12 : vector<128x20x128xf32> to vector<128x20x128xbf16>
    %slice3A_14 = vector.extract_strided_slice %convert_element_type3A_13 {offsets = [0, 0, 0], sizes = [128, 20, 6], strides = [1, 1, 1]} : vector<128x20x128xbf16> to vector<128x20x6xbf16>
    %concatenate3A = tpu.concatenate %slice3A, %slice3A_14 in 2 : vector<128x20x6xbf16>, vector<128x20x6xbf16> -> vector<128x20x12xbf16>
    %reshape3A = vector.shape_cast %concatenate3A : vector<128x20x12xbf16> to vector<2560x12xbf16>
    %get3A_15 = arith.constant 0 : index
    %get3A_16 = arith.constant 0 : index
    %get3A_17 = vector.load %arg4[%get3A_15, %get3A_16] : memref<12x64xf32, #tpu.memory_space<vmem>>, vector<12x64xf32>
    %convert_element_type3A_18 = arith.truncf %get3A_17 : vector<12x64xf32> to vector<12x64xbf16>
    %dot_general3A = arith.constant dense<0.000000e+00> : vector<2560x64xf32>
    %dot_general3A_19 = tpu.matmul %reshape3A, %convert_element_type3A_18, %dot_general3A {dimension_numbers = #tpu.dot_dimension_numbers<[1], [0], [0], [1], [0, 0, 1, 1], [], []>, transpose_lhs_hint = false} : vector<2560x12xbf16>, vector<12x64xbf16>, vector<2560x64xf32> -> vector<2560x64xf32>
    %reshape3A_20 = vector.shape_cast %dot_general3A_19 : vector<2560x64xf32> to vector<128x20x64xf32>
    %reduce_max3A = arith.constant dense<0xFF800000> : vector<128x64xf32>
    %reduce_max3A_21 = vector.multi_reduction <maximumf>, %reshape3A_20, %reduce_max3A [1] : vector<128x20x64xf32> to vector<128x64xf32>
    %swap3A = arith.constant 0 : index
    %swap3A_22 = arith.constant 0 : index
    %swap3A_23 = arith.constant 0 : index
    %swap3A_24 = vector.load %arg5[%swap3A, %swap3A_22, %swap3A_23] : memref<1x128x64xf32, #tpu.memory_space<vmem>>, vector<1x128x64xf32>
    %swap3A_25 = vector.shape_cast %swap3A_24 : vector<1x128x64xf32> to vector<128x64xf32>
    %swap3A_26 = vector.shape_cast %reduce_max3A_21 : vector<128x64xf32> to vector<1x128x64xf32>
    tpu.vector_store %arg5[%swap3A, %swap3A_22, %swap3A_23], %swap3A_26 {strides = array<i32>} : memref<1x128x64xf32, #tpu.memory_space<vmem>>, vector<1x128x64xf32>,
    %reduce_sum3A = arith.constant dense<0.000000e+00> : vector<64xf32>
    %reduce_sum3A_27 = vector.multi_reduction <add>, %dot_general3A_19, %reduce_sum3A [0] : vector<2560x64xf32> to vector<64xf32>
    %broadcast_in_dim3A_28 = vector.shape_cast %reduce_sum3A_27 : vector<64xf32> to vector<1x64xf32>
    %swap3A_29 = arith.constant 0 : index
    %swap3A_30 = arith.constant 0 : index
    %swap3A_31 = arith.constant 0 : index
    %swap3A_32 = arith.constant 0 : index
    %swap3A_33 = vector.load %arg6[%swap3A_29, %swap3A_30, %swap3A_31, %swap3A_32] : memref<1x1x1x64xf32, #tpu.memory_space<vmem>>, vector<1x1x1x64xf32>
    %swap3A_34 = vector.shape_cast %swap3A_33 : vector<1x1x1x64xf32> to vector<1x64xf32>
    %swap3A_35 = vector.shape_cast %broadcast_in_dim3A_28 : vector<1x64xf32> to vector<1x1x1x64xf32>
    tpu.vector_store %arg6[%swap3A_29, %swap3A_30, %swap3A_31, %swap3A_32], %swap3A_35 {strides = array<i32>} : memref<1x1x1x64xf32, #tpu.memory_space<vmem>>, vector<1x1x1x64xf32>,
    return
  }
  func.func @transform_0(%arg0: i32, %arg1: i32) -> (i32, i32, i32, i32) {
    %c0_i32 = arith.constant 0 : i32
    %c0_i32_0 = arith.constant 0 : i32
    %c0_i32_1 = arith.constant 0 : i32
    return %arg0, %arg1, %c0_i32, %c0_i32_0 : i32, i32, i32, i32
  }
  func.func @transform_1(%arg0: i32, %arg1: i32) -> (i32, i32, i32) {
    %c0_i32 = arith.constant 0 : i32
    %c0_i32_0 = arith.constant 0 : i32
    return %arg0, %arg1, %c0_i32 : i32, i32, i32
  }
  func.func @transform_2(%arg0: i32, %arg1: i32) -> (i32, i32) {
    %c0_i32 = arith.constant 0 : i32
    %c0_i32_0 = arith.constant 0 : i32
    %c0_i32_1 = arith.constant 0 : i32
    return %c0_i32, %c0_i32_0 : i32, i32
  }
  func.func @transform_3(%arg0: i32, %arg1: i32) -> (i32, i32, i32) {
    %c0_i32 = arith.constant 0 : i32
    %c0_i32_0 = arith.constant 0 : i32
    return %arg0, %arg1, %c0_i32 : i32, i32, i32
  }
  func.func @transform_4(%arg0: i32, %arg1: i32) -> (i32, i32, i32, i32) {
    %c0_i32 = arith.constant 0 : i32
    %c0_i32_0 = arith.constant 0 : i32
    %c0_i32_1 = arith.constant 0 : i32
    return %arg0, %arg1, %c0_i32, %c0_i32_0 : i32, i32, i32, i32
  }
}

module attributes {stable_mosaic.version = 14 : i64} {
  func.func @_mean_body(%arg0: memref<32x1x64xf32, #tpu.memory_space<vmem>>, %arg1: memref<1x64xf32, #tpu.memory_space<vmem>>) attributes {dimension_semantics = [], scalar_prefetch = 0 : i64, scratch_operands = 0 : i64, tpu.core_type = #tpu.core_type<tc>} {
    %get3A = arith.constant 0 : index
    %get3A_0 = arith.constant 0 : index
    %get3A_1 = arith.constant 0 : index
    %get3A_2 = vector.load %arg0[%get3A, %get3A_0, %get3A_1] : memref<32x1x64xf32, #tpu.memory_space<vmem>>, vector<32x1x64xf32>
    %get3A_3 = vector.shape_cast %get3A_2 : vector<32x1x64xf32> to vector<32x64xf32>
    %reduce_sum3A = arith.constant dense<0.000000e+00> : vector<64xf32>
    %reduce_sum3A_4 = vector.multi_reduction <add>, %get3A_3, %reduce_sum3A [0] : vector<32x64xf32> to vector<64xf32>
    %broadcast_in_dim3A = vector.shape_cast %reduce_sum3A_4 : vector<64xf32> to vector<1x64xf32>
    %div3A = arith.constant 8.192000e+04 : f32
    %div3A_5 = vector.broadcast %div3A : f32 to vector<1x64xf32>
    %div3A_6 = arith.divf %broadcast_in_dim3A, %div3A_5 : vector<1x64xf32>
    %swap3A = arith.constant 0 : index
    %swap3A_7 = arith.constant 0 : index
    %swap3A_8 = vector.load %arg1[%swap3A, %swap3A_7] : memref<1x64xf32, #tpu.memory_space<vmem>>, vector<1x64xf32>
    tpu.vector_store %arg1[%swap3A, %swap3A_7], %div3A_6 {strides = array<i32>} : memref<1x64xf32, #tpu.memory_space<vmem>>, vector<1x64xf32>,
    return
  }
}

module attributes {stable_mosaic.version = 14 : i64} {
  func.func @_convb_body(%arg0: i32, %arg1: i32, %arg2: memref<1x128x20x128xf32, #tpu.memory_space<vmem>>, %arg3: memref<1x128x128xf32, #tpu.memory_space<vmem>>, %arg4: memref<12x64xf32, #tpu.memory_space<vmem>>, %arg5: memref<1x64xf32, #tpu.memory_space<vmem>>, %arg6: memref<1x1x1x64xf32, #tpu.memory_space<vmem>>) attributes {dimension_semantics = [#tpu.dimension_semantics<arbitrary>, #tpu.dimension_semantics<arbitrary>], iteration_bounds = array<i64: 4, 8>, scalar_prefetch = 0 : i64, scratch_operands = 0 : i64, tpu.core_type = #tpu.core_type<tc>, window_params = [{transform_indices = @transform_0, window_bounds = array<i64: 1, 128, 20, 128>}, {transform_indices = @transform_1, window_bounds = array<i64: 1, 128, 128>}, {pipeline_mode = #tpu.pipeline_mode<synchronous>, transform_indices = @transform_2, window_bounds = array<i64: 12, 64>}, {pipeline_mode = #tpu.pipeline_mode<synchronous>, transform_indices = @transform_3, window_bounds = array<i64: 1, 64>}, {transform_indices = @transform_4, window_bounds = array<i64: 1, 1, 1, 64>}]} {
    %get3A = arith.constant 0 : index
    %get3A_0 = arith.constant 0 : index
    %get3A_1 = arith.constant 0 : index
    %get3A_2 = arith.constant 0 : index
    %get3A_3 = vector.load %arg2[%get3A, %get3A_0, %get3A_1, %get3A_2] : memref<1x128x20x128xf32, #tpu.memory_space<vmem>>, vector<1x128x20x128xf32>
    %get3A_4 = vector.shape_cast %get3A_3 : vector<1x128x20x128xf32> to vector<128x20x128xf32>
    %get3A_5 = arith.constant 0 : index
    %get3A_6 = arith.constant 0 : index
    %get3A_7 = arith.constant 0 : index
    %get3A_8 = vector.load %arg3[%get3A_5, %get3A_6, %get3A_7] : memref<1x128x128xf32, #tpu.memory_space<vmem>>, vector<1x128x128xf32>
    %get3A_9 = vector.shape_cast %get3A_8 : vector<1x128x128xf32> to vector<128x128xf32>
    %broadcast_in_dim3A = vector.shape_cast %get3A_9 : vector<128x128xf32> to vector<128x1x128xf32>
    %sub3A = vector.broadcast %broadcast_in_dim3A : vector<128x1x128xf32> to vector<128x20x128xf32>
    %sub3A_10 = arith.subf %get3A_4, %sub3A : vector<128x20x128xf32>
    %convert_element_type3A = arith.truncf %sub3A_10 : vector<128x20x128xf32> to vector<128x20x128xbf16>
    %slice3A = vector.extract_strided_slice %convert_element_type3A {offsets = [0, 0, 0], sizes = [128, 20, 6], strides = [1, 1, 1]} : vector<128x20x128xbf16> to vector<128x20x6xbf16>
    %broadcast_in_dim3A_11 = vector.shape_cast %broadcast_in_dim3A : vector<128x1x128xf32> to vector<128x1x128xf32>
    %broadcast_in_dim3A_12 = vector.broadcast %broadcast_in_dim3A_11 : vector<128x1x128xf32> to vector<128x20x128xf32>
    %convert_element_type3A_13 = arith.truncf %broadcast_in_dim3A_12 : vector<128x20x128xf32> to vector<128x20x128xbf16>
    %slice3A_14 = vector.extract_strided_slice %convert_element_type3A_13 {offsets = [0, 0, 0], sizes = [128, 20, 6], strides = [1, 1, 1]} : vector<128x20x128xbf16> to vector<128x20x6xbf16>
    %concatenate3A = tpu.concatenate %slice3A, %slice3A_14 in 2 : vector<128x20x6xbf16>, vector<128x20x6xbf16> -> vector<128x20x12xbf16>
    %reshape3A = vector.shape_cast %concatenate3A : vector<128x20x12xbf16> to vector<2560x12xbf16>
    %get3A_15 = arith.constant 0 : index
    %get3A_16 = arith.constant 0 : index
    %get3A_17 = vector.load %arg4[%get3A_15, %get3A_16] : memref<12x64xf32, #tpu.memory_space<vmem>>, vector<12x64xf32>
    %convert_element_type3A_18 = arith.truncf %get3A_17 : vector<12x64xf32> to vector<12x64xbf16>
    %dot_general3A = arith.constant dense<0.000000e+00> : vector<2560x64xf32>
    %dot_general3A_19 = tpu.matmul %reshape3A, %convert_element_type3A_18, %dot_general3A {dimension_numbers = #tpu.dot_dimension_numbers<[1], [0], [0], [1], [0, 0, 1, 1], [], []>, transpose_lhs_hint = false} : vector<2560x12xbf16>, vector<12x64xbf16>, vector<2560x64xf32> -> vector<2560x64xf32>
    %get3A_20 = arith.constant 0 : index
    %get3A_21 = arith.constant 0 : index
    %get3A_22 = vector.load %arg5[%get3A_20, %get3A_21] : memref<1x64xf32, #tpu.memory_space<vmem>>, vector<1x64xf32>
    %sub3A_23 = vector.broadcast %get3A_22 : vector<1x64xf32> to vector<2560x64xf32>
    %sub3A_24 = arith.subf %dot_general3A_19, %sub3A_23 : vector<2560x64xf32>
    %mul3A = arith.mulf %sub3A_24, %sub3A_24 : vector<2560x64xf32>
    %reduce_sum3A = arith.constant dense<0.000000e+00> : vector<64xf32>
    %reduce_sum3A_25 = vector.multi_reduction <add>, %mul3A, %reduce_sum3A [0] : vector<2560x64xf32> to vector<64xf32>
    %broadcast_in_dim3A_26 = vector.shape_cast %reduce_sum3A_25 : vector<64xf32> to vector<1x64xf32>
    %swap3A = arith.constant 0 : index
    %swap3A_27 = arith.constant 0 : index
    %swap3A_28 = arith.constant 0 : index
    %swap3A_29 = arith.constant 0 : index
    %swap3A_30 = vector.load %arg6[%swap3A, %swap3A_27, %swap3A_28, %swap3A_29] : memref<1x1x1x64xf32, #tpu.memory_space<vmem>>, vector<1x1x1x64xf32>
    %swap3A_31 = vector.shape_cast %swap3A_30 : vector<1x1x1x64xf32> to vector<1x64xf32>
    %swap3A_32 = vector.shape_cast %broadcast_in_dim3A_26 : vector<1x64xf32> to vector<1x1x1x64xf32>
    tpu.vector_store %arg6[%swap3A, %swap3A_27, %swap3A_28, %swap3A_29], %swap3A_32 {strides = array<i32>} : memref<1x1x1x64xf32, #tpu.memory_space<vmem>>, vector<1x1x1x64xf32>,
    return
  }
  func.func @transform_0(%arg0: i32, %arg1: i32) -> (i32, i32, i32, i32) {
    %c0_i32 = arith.constant 0 : i32
    %c0_i32_0 = arith.constant 0 : i32
    %c0_i32_1 = arith.constant 0 : i32
    return %arg0, %arg1, %c0_i32, %c0_i32_0 : i32, i32, i32, i32
  }
  func.func @transform_1(%arg0: i32, %arg1: i32) -> (i32, i32, i32) {
    %c0_i32 = arith.constant 0 : i32
    %c0_i32_0 = arith.constant 0 : i32
    return %arg0, %arg1, %c0_i32 : i32, i32, i32
  }
  func.func @transform_2(%arg0: i32, %arg1: i32) -> (i32, i32) {
    %c0_i32 = arith.constant 0 : i32
    %c0_i32_0 = arith.constant 0 : i32
    %c0_i32_1 = arith.constant 0 : i32
    return %c0_i32, %c0_i32_0 : i32, i32
  }
  func.func @transform_3(%arg0: i32, %arg1: i32) -> (i32, i32) {
    %c0_i32 = arith.constant 0 : i32
    %c0_i32_0 = arith.constant 0 : i32
    %c0_i32_1 = arith.constant 0 : i32
    return %c0_i32, %c0_i32_0 : i32, i32
  }
  func.func @transform_4(%arg0: i32, %arg1: i32) -> (i32, i32, i32, i32) {
    %c0_i32 = arith.constant 0 : i32
    %c0_i32_0 = arith.constant 0 : i32
    %c0_i32_1 = arith.constant 0 : i32
    return %arg0, %arg1, %c0_i32, %c0_i32_0 : i32, i32, i32, i32
  }
}

module attributes {stable_mosaic.version = 14 : i64} {
  func.func @_combine_body(%arg0: i32, %arg1: memref<4096x64xf32, #tpu.memory_space<vmem>>, %arg2: memref<32x1x64xf32, #tpu.memory_space<vmem>>, %arg3: memref<1x64xf32, #tpu.memory_space<vmem>>, %arg4: memref<1x64xf32, #tpu.memory_space<vmem>>, %arg5: memref<1x64xf32, #tpu.memory_space<vmem>>, %arg6: memref<4096x64xf32, #tpu.memory_space<vmem>>) attributes {dimension_semantics = [#tpu.dimension_semantics<arbitrary>], iteration_bounds = array<i64: 1>, scalar_prefetch = 0 : i64, scratch_operands = 0 : i64, tpu.core_type = #tpu.core_type<tc>, window_params = [{transform_indices = @transform_0, window_bounds = array<i64: 4096, 64>}, {transform_indices = @transform_1, window_bounds = array<i64: 32, 1, 64>}, {transform_indices = @transform_2, window_bounds = array<i64: 1, 64>}, {transform_indices = @transform_3, window_bounds = array<i64: 1, 64>}, {transform_indices = @transform_4, window_bounds = array<i64: 1, 64>}, {transform_indices = @transform_5, window_bounds = array<i64: 4096, 64>}]} {
    %get3A = arith.constant 0 : index
    %get3A_0 = arith.constant 0 : index
    %get3A_1 = arith.constant 0 : index
    %get3A_2 = vector.load %arg2[%get3A, %get3A_0, %get3A_1] : memref<32x1x64xf32, #tpu.memory_space<vmem>>, vector<32x1x64xf32>
    %get3A_3 = vector.shape_cast %get3A_2 : vector<32x1x64xf32> to vector<32x64xf32>
    %reduce_sum3A = arith.constant dense<0.000000e+00> : vector<64xf32>
    %reduce_sum3A_4 = vector.multi_reduction <add>, %get3A_3, %reduce_sum3A [0] : vector<32x64xf32> to vector<64xf32>
    %broadcast_in_dim3A = vector.shape_cast %reduce_sum3A_4 : vector<64xf32> to vector<1x64xf32>
    %div3A = arith.constant 8.192000e+04 : f32
    %div3A_5 = vector.broadcast %div3A : f32 to vector<1x64xf32>
    %div3A_6 = arith.divf %broadcast_in_dim3A, %div3A_5 : vector<1x64xf32>
    %get3A_7 = arith.constant 0 : index
    %get3A_8 = arith.constant 0 : index
    %get3A_9 = vector.load %arg1[%get3A_7, %get3A_8] : memref<4096x64xf32, #tpu.memory_space<vmem>>, vector<4096x64xf32>
    %get3A_10 = arith.constant 0 : index
    %get3A_11 = arith.constant 0 : index
    %get3A_12 = vector.load %arg3[%get3A_10, %get3A_11] : memref<1x64xf32, #tpu.memory_space<vmem>>, vector<1x64xf32>
    %sub3A = vector.broadcast %get3A_12 : vector<1x64xf32> to vector<4096x64xf32>
    %sub3A_13 = arith.subf %get3A_9, %sub3A : vector<4096x64xf32>
    %add3A = arith.constant 9.99999974E-6 : f32
    %add3A_14 = vector.broadcast %add3A : f32 to vector<1x64xf32>
    %add3A_15 = arith.addf %div3A_6, %add3A_14 : vector<1x64xf32>
    %sqrt3A = math.sqrt %add3A_15 : vector<1x64xf32>
    %div3A_16 = vector.broadcast %sqrt3A : vector<1x64xf32> to vector<4096x64xf32>
    %div3A_17 = arith.divf %sub3A_13, %div3A_16 : vector<4096x64xf32>
    %get3A_18 = arith.constant 0 : index
    %get3A_19 = arith.constant 0 : index
    %get3A_20 = vector.load %arg4[%get3A_18, %get3A_19] : memref<1x64xf32, #tpu.memory_space<vmem>>, vector<1x64xf32>
    %mul3A = vector.broadcast %get3A_20 : vector<1x64xf32> to vector<4096x64xf32>
    %mul3A_21 = arith.mulf %div3A_17, %mul3A : vector<4096x64xf32>
    %get3A_22 = arith.constant 0 : index
    %get3A_23 = arith.constant 0 : index
    %get3A_24 = vector.load %arg5[%get3A_22, %get3A_23] : memref<1x64xf32, #tpu.memory_space<vmem>>, vector<1x64xf32>
    %add3A_25 = vector.broadcast %get3A_24 : vector<1x64xf32> to vector<4096x64xf32>
    %add3A_26 = arith.addf %mul3A_21, %add3A_25 : vector<4096x64xf32>
    %ge3A = arith.constant 0.000000e+00 : f32
    %ge3A_27 = vector.broadcast %ge3A : f32 to vector<4096x64xf32>
    %ge3A_28 = arith.cmpf oge, %add3A_26, %ge3A_27 : vector<4096x64xf32>
    %mul3A_29 = arith.constant 2.000000e-01 : f32
    %mul3A_30 = vector.broadcast %mul3A_29 : f32 to vector<4096x64xf32>
    %mul3A_31 = arith.mulf %mul3A_30, %add3A_26 : vector<4096x64xf32>
    %select_n3A = arith.select %ge3A_28, %add3A_26, %mul3A_31 : vector<4096x64xi1>, vector<4096x64xf32>
    %swap3A = arith.constant 0 : index
    %swap3A_32 = arith.constant 0 : index
    %swap3A_33 = vector.load %arg6[%swap3A, %swap3A_32] : memref<4096x64xf32, #tpu.memory_space<vmem>>, vector<4096x64xf32>
    tpu.vector_store %arg6[%swap3A, %swap3A_32], %select_n3A {strides = array<i32>} : memref<4096x64xf32, #tpu.memory_space<vmem>>, vector<4096x64xf32>,
    return
  }
  func.func @transform_0(%arg0: i32) -> (i32, i32) {
    %c0_i32 = arith.constant 0 : i32
    %c0_i32_0 = arith.constant 0 : i32
    return %c0_i32, %arg0 : i32, i32
  }
  func.func @transform_1(%arg0: i32) -> (i32, i32, i32) {
    %c0_i32 = arith.constant 0 : i32
    %c0_i32_0 = arith.constant 0 : i32
    %c0_i32_1 = arith.constant 0 : i32
    return %c0_i32, %c0_i32_0, %arg0 : i32, i32, i32
  }
  func.func @transform_2(%arg0: i32) -> (i32, i32) {
    %c0_i32 = arith.constant 0 : i32
    %c0_i32_0 = arith.constant 0 : i32
    return %c0_i32, %arg0 : i32, i32
  }
  func.func @transform_3(%arg0: i32) -> (i32, i32) {
    %c0_i32 = arith.constant 0 : i32
    %c0_i32_0 = arith.constant 0 : i32
    return %c0_i32, %arg0 : i32, i32
  }
  func.func @transform_4(%arg0: i32) -> (i32, i32) {
    %c0_i32 = arith.constant 0 : i32
    %c0_i32_0 = arith.constant 0 : i32
    return %c0_i32, %arg0 : i32, i32
  }
  func.func @transform_5(%arg0: i32) -> (i32, i32) {
    %c0_i32 = arith.constant 0 : i32
    %c0_i32_0 = arith.constant 0 : i32
    return %c0_i32, %arg0 : i32, i32
  }
}

module attributes {stable_mosaic.version = 14 : i64} {
  func.func @_conva_body(%arg0: i32, %arg1: i32, %arg2: memref<1x128x20x128xf32, #tpu.memory_space<vmem>>, %arg3: memref<1x128x128xf32, #tpu.memory_space<vmem>>, %arg4: memref<128x64xf32, #tpu.memory_space<vmem>>, %arg5: memref<1x128x64xf32, #tpu.memory_space<vmem>>, %arg6: memref<1x1x1x64xf32, #tpu.memory_space<vmem>>) attributes {dimension_semantics = [#tpu.dimension_semantics<arbitrary>, #tpu.dimension_semantics<arbitrary>], iteration_bounds = array<i64: 4, 8>, scalar_prefetch = 0 : i64, scratch_operands = 0 : i64, tpu.core_type = #tpu.core_type<tc>, window_params = [{transform_indices = @transform_0, window_bounds = array<i64: 1, 128, 20, 128>}, {transform_indices = @transform_1, window_bounds = array<i64: 1, 128, 128>}, {pipeline_mode = #tpu.pipeline_mode<synchronous>, transform_indices = @transform_2, window_bounds = array<i64: 128, 64>}, {transform_indices = @transform_3, window_bounds = array<i64: 1, 128, 64>}, {transform_indices = @transform_4, window_bounds = array<i64: 1, 1, 1, 64>}]} {
    %get3A = arith.constant 0 : index
    %get3A_0 = arith.constant 0 : index
    %get3A_1 = arith.constant 0 : index
    %get3A_2 = arith.constant 0 : index
    %get3A_3 = vector.load %arg2[%get3A, %get3A_0, %get3A_1, %get3A_2] : memref<1x128x20x128xf32, #tpu.memory_space<vmem>>, vector<1x128x20x128xf32>
    %get3A_4 = vector.shape_cast %get3A_3 : vector<1x128x20x128xf32> to vector<128x20x128xf32>
    %get3A_5 = arith.constant 0 : index
    %get3A_6 = arith.constant 0 : index
    %get3A_7 = arith.constant 0 : index
    %get3A_8 = vector.load %arg3[%get3A_5, %get3A_6, %get3A_7] : memref<1x128x128xf32, #tpu.memory_space<vmem>>, vector<1x128x128xf32>
    %get3A_9 = vector.shape_cast %get3A_8 : vector<1x128x128xf32> to vector<128x128xf32>
    %broadcast_in_dim3A = vector.shape_cast %get3A_9 : vector<128x128xf32> to vector<128x1x128xf32>
    %sub3A = vector.broadcast %broadcast_in_dim3A : vector<128x1x128xf32> to vector<128x20x128xf32>
    %sub3A_10 = arith.subf %get3A_4, %sub3A : vector<128x20x128xf32>
    %convert_element_type3A = arith.truncf %sub3A_10 : vector<128x20x128xf32> to vector<128x20x128xbf16>
    %slice3A = vector.extract_strided_slice %convert_element_type3A {offsets = [0, 0, 0], sizes = [128, 20, 64], strides = [1, 1, 1]} : vector<128x20x128xbf16> to vector<128x20x64xbf16>
    %broadcast_in_dim3A_11 = vector.shape_cast %broadcast_in_dim3A : vector<128x1x128xf32> to vector<128x1x128xf32>
    %broadcast_in_dim3A_12 = vector.broadcast %broadcast_in_dim3A_11 : vector<128x1x128xf32> to vector<128x20x128xf32>
    %convert_element_type3A_13 = arith.truncf %broadcast_in_dim3A_12 : vector<128x20x128xf32> to vector<128x20x128xbf16>
    %slice3A_14 = vector.extract_strided_slice %convert_element_type3A_13 {offsets = [0, 0, 0], sizes = [128, 20, 64], strides = [1, 1, 1]} : vector<128x20x128xbf16> to vector<128x20x64xbf16>
    %concatenate3A = tpu.concatenate %slice3A, %slice3A_14 in 2 : vector<128x20x64xbf16>, vector<128x20x64xbf16> -> vector<128x20x128xbf16>
    %reshape3A = vector.shape_cast %concatenate3A : vector<128x20x128xbf16> to vector<2560x128xbf16>
    %get3A_15 = arith.constant 0 : index
    %get3A_16 = arith.constant 0 : index
    %get3A_17 = vector.load %arg4[%get3A_15, %get3A_16] : memref<128x64xf32, #tpu.memory_space<vmem>>, vector<128x64xf32>
    %convert_element_type3A_18 = arith.truncf %get3A_17 : vector<128x64xf32> to vector<128x64xbf16>
    %dot_general3A = arith.constant dense<0.000000e+00> : vector<2560x64xf32>
    %dot_general3A_19 = tpu.matmul %reshape3A, %convert_element_type3A_18, %dot_general3A {dimension_numbers = #tpu.dot_dimension_numbers<[1], [0], [0], [1], [0, 0, 1, 1], [], []>, transpose_lhs_hint = false} : vector<2560x128xbf16>, vector<128x64xbf16>, vector<2560x64xf32> -> vector<2560x64xf32>
    %reshape3A_20 = vector.shape_cast %dot_general3A_19 : vector<2560x64xf32> to vector<128x20x64xf32>
    %reduce_max3A = arith.constant dense<0xFF800000> : vector<128x64xf32>
    %reduce_max3A_21 = vector.multi_reduction <maximumf>, %reshape3A_20, %reduce_max3A [1] : vector<128x20x64xf32> to vector<128x64xf32>
    %swap3A = arith.constant 0 : index
    %swap3A_22 = arith.constant 0 : index
    %swap3A_23 = arith.constant 0 : index
    %swap3A_24 = vector.load %arg5[%swap3A, %swap3A_22, %swap3A_23] : memref<1x128x64xf32, #tpu.memory_space<vmem>>, vector<1x128x64xf32>
    %swap3A_25 = vector.shape_cast %swap3A_24 : vector<1x128x64xf32> to vector<128x64xf32>
    %swap3A_26 = vector.shape_cast %reduce_max3A_21 : vector<128x64xf32> to vector<1x128x64xf32>
    tpu.vector_store %arg5[%swap3A, %swap3A_22, %swap3A_23], %swap3A_26 {strides = array<i32>} : memref<1x128x64xf32, #tpu.memory_space<vmem>>, vector<1x128x64xf32>,
    %reduce_sum3A = arith.constant dense<0.000000e+00> : vector<64xf32>
    %reduce_sum3A_27 = vector.multi_reduction <add>, %dot_general3A_19, %reduce_sum3A [0] : vector<2560x64xf32> to vector<64xf32>
    %broadcast_in_dim3A_28 = vector.shape_cast %reduce_sum3A_27 : vector<64xf32> to vector<1x64xf32>
    %swap3A_29 = arith.constant 0 : index
    %swap3A_30 = arith.constant 0 : index
    %swap3A_31 = arith.constant 0 : index
    %swap3A_32 = arith.constant 0 : index
    %swap3A_33 = vector.load %arg6[%swap3A_29, %swap3A_30, %swap3A_31, %swap3A_32] : memref<1x1x1x64xf32, #tpu.memory_space<vmem>>, vector<1x1x1x64xf32>
    %swap3A_34 = vector.shape_cast %swap3A_33 : vector<1x1x1x64xf32> to vector<1x64xf32>
    %swap3A_35 = vector.shape_cast %broadcast_in_dim3A_28 : vector<1x64xf32> to vector<1x1x1x64xf32>
    tpu.vector_store %arg6[%swap3A_29, %swap3A_30, %swap3A_31, %swap3A_32], %swap3A_35 {strides = array<i32>} : memref<1x1x1x64xf32, #tpu.memory_space<vmem>>, vector<1x1x1x64xf32>,
    return
  }
  func.func @transform_0(%arg0: i32, %arg1: i32) -> (i32, i32, i32, i32) {
    %c0_i32 = arith.constant 0 : i32
    %c0_i32_0 = arith.constant 0 : i32
    %c0_i32_1 = arith.constant 0 : i32
    return %arg0, %arg1, %c0_i32, %c0_i32_0 : i32, i32, i32, i32
  }
  func.func @transform_1(%arg0: i32, %arg1: i32) -> (i32, i32, i32) {
    %c0_i32 = arith.constant 0 : i32
    %c0_i32_0 = arith.constant 0 : i32
    return %arg0, %arg1, %c0_i32 : i32, i32, i32
  }
  func.func @transform_2(%arg0: i32, %arg1: i32) -> (i32, i32) {
    %c0_i32 = arith.constant 0 : i32
    %c0_i32_0 = arith.constant 0 : i32
    %c0_i32_1 = arith.constant 0 : i32
    return %c0_i32, %c0_i32_0 : i32, i32
  }
  func.func @transform_3(%arg0: i32, %arg1: i32) -> (i32, i32, i32) {
    %c0_i32 = arith.constant 0 : i32
    %c0_i32_0 = arith.constant 0 : i32
    return %arg0, %arg1, %c0_i32 : i32, i32, i32
  }
  func.func @transform_4(%arg0: i32, %arg1: i32) -> (i32, i32, i32, i32) {
    %c0_i32 = arith.constant 0 : i32
    %c0_i32_0 = arith.constant 0 : i32
    %c0_i32_1 = arith.constant 0 : i32
    return %arg0, %arg1, %c0_i32, %c0_i32_0 : i32, i32, i32, i32
  }
}

module attributes {stable_mosaic.version = 14 : i64} {
  func.func @_convb_body(%arg0: i32, %arg1: i32, %arg2: memref<1x128x20x128xf32, #tpu.memory_space<vmem>>, %arg3: memref<1x128x128xf32, #tpu.memory_space<vmem>>, %arg4: memref<128x64xf32, #tpu.memory_space<vmem>>, %arg5: memref<1x64xf32, #tpu.memory_space<vmem>>, %arg6: memref<1x1x1x64xf32, #tpu.memory_space<vmem>>) attributes {dimension_semantics = [#tpu.dimension_semantics<arbitrary>, #tpu.dimension_semantics<arbitrary>], iteration_bounds = array<i64: 4, 8>, scalar_prefetch = 0 : i64, scratch_operands = 0 : i64, tpu.core_type = #tpu.core_type<tc>, window_params = [{transform_indices = @transform_0, window_bounds = array<i64: 1, 128, 20, 128>}, {transform_indices = @transform_1, window_bounds = array<i64: 1, 128, 128>}, {pipeline_mode = #tpu.pipeline_mode<synchronous>, transform_indices = @transform_2, window_bounds = array<i64: 128, 64>}, {pipeline_mode = #tpu.pipeline_mode<synchronous>, transform_indices = @transform_3, window_bounds = array<i64: 1, 64>}, {transform_indices = @transform_4, window_bounds = array<i64: 1, 1, 1, 64>}]} {
    %get3A = arith.constant 0 : index
    %get3A_0 = arith.constant 0 : index
    %get3A_1 = arith.constant 0 : index
    %get3A_2 = arith.constant 0 : index
    %get3A_3 = vector.load %arg2[%get3A, %get3A_0, %get3A_1, %get3A_2] : memref<1x128x20x128xf32, #tpu.memory_space<vmem>>, vector<1x128x20x128xf32>
    %get3A_4 = vector.shape_cast %get3A_3 : vector<1x128x20x128xf32> to vector<128x20x128xf32>
    %get3A_5 = arith.constant 0 : index
    %get3A_6 = arith.constant 0 : index
    %get3A_7 = arith.constant 0 : index
    %get3A_8 = vector.load %arg3[%get3A_5, %get3A_6, %get3A_7] : memref<1x128x128xf32, #tpu.memory_space<vmem>>, vector<1x128x128xf32>
    %get3A_9 = vector.shape_cast %get3A_8 : vector<1x128x128xf32> to vector<128x128xf32>
    %broadcast_in_dim3A = vector.shape_cast %get3A_9 : vector<128x128xf32> to vector<128x1x128xf32>
    %sub3A = vector.broadcast %broadcast_in_dim3A : vector<128x1x128xf32> to vector<128x20x128xf32>
    %sub3A_10 = arith.subf %get3A_4, %sub3A : vector<128x20x128xf32>
    %convert_element_type3A = arith.truncf %sub3A_10 : vector<128x20x128xf32> to vector<128x20x128xbf16>
    %slice3A = vector.extract_strided_slice %convert_element_type3A {offsets = [0, 0, 0], sizes = [128, 20, 64], strides = [1, 1, 1]} : vector<128x20x128xbf16> to vector<128x20x64xbf16>
    %broadcast_in_dim3A_11 = vector.shape_cast %broadcast_in_dim3A : vector<128x1x128xf32> to vector<128x1x128xf32>
    %broadcast_in_dim3A_12 = vector.broadcast %broadcast_in_dim3A_11 : vector<128x1x128xf32> to vector<128x20x128xf32>
    %convert_element_type3A_13 = arith.truncf %broadcast_in_dim3A_12 : vector<128x20x128xf32> to vector<128x20x128xbf16>
    %slice3A_14 = vector.extract_strided_slice %convert_element_type3A_13 {offsets = [0, 0, 0], sizes = [128, 20, 64], strides = [1, 1, 1]} : vector<128x20x128xbf16> to vector<128x20x64xbf16>
    %concatenate3A = tpu.concatenate %slice3A, %slice3A_14 in 2 : vector<128x20x64xbf16>, vector<128x20x64xbf16> -> vector<128x20x128xbf16>
    %reshape3A = vector.shape_cast %concatenate3A : vector<128x20x128xbf16> to vector<2560x128xbf16>
    %get3A_15 = arith.constant 0 : index
    %get3A_16 = arith.constant 0 : index
    %get3A_17 = vector.load %arg4[%get3A_15, %get3A_16] : memref<128x64xf32, #tpu.memory_space<vmem>>, vector<128x64xf32>
    %convert_element_type3A_18 = arith.truncf %get3A_17 : vector<128x64xf32> to vector<128x64xbf16>
    %dot_general3A = arith.constant dense<0.000000e+00> : vector<2560x64xf32>
    %dot_general3A_19 = tpu.matmul %reshape3A, %convert_element_type3A_18, %dot_general3A {dimension_numbers = #tpu.dot_dimension_numbers<[1], [0], [0], [1], [0, 0, 1, 1], [], []>, transpose_lhs_hint = false} : vector<2560x128xbf16>, vector<128x64xbf16>, vector<2560x64xf32> -> vector<2560x64xf32>
    %get3A_20 = arith.constant 0 : index
    %get3A_21 = arith.constant 0 : index
    %get3A_22 = vector.load %arg5[%get3A_20, %get3A_21] : memref<1x64xf32, #tpu.memory_space<vmem>>, vector<1x64xf32>
    %sub3A_23 = vector.broadcast %get3A_22 : vector<1x64xf32> to vector<2560x64xf32>
    %sub3A_24 = arith.subf %dot_general3A_19, %sub3A_23 : vector<2560x64xf32>
    %mul3A = arith.mulf %sub3A_24, %sub3A_24 : vector<2560x64xf32>
    %reduce_sum3A = arith.constant dense<0.000000e+00> : vector<64xf32>
    %reduce_sum3A_25 = vector.multi_reduction <add>, %mul3A, %reduce_sum3A [0] : vector<2560x64xf32> to vector<64xf32>
    %broadcast_in_dim3A_26 = vector.shape_cast %reduce_sum3A_25 : vector<64xf32> to vector<1x64xf32>
    %swap3A = arith.constant 0 : index
    %swap3A_27 = arith.constant 0 : index
    %swap3A_28 = arith.constant 0 : index
    %swap3A_29 = arith.constant 0 : index
    %swap3A_30 = vector.load %arg6[%swap3A, %swap3A_27, %swap3A_28, %swap3A_29] : memref<1x1x1x64xf32, #tpu.memory_space<vmem>>, vector<1x1x1x64xf32>
    %swap3A_31 = vector.shape_cast %swap3A_30 : vector<1x1x1x64xf32> to vector<1x64xf32>
    %swap3A_32 = vector.shape_cast %broadcast_in_dim3A_26 : vector<1x64xf32> to vector<1x1x1x64xf32>
    tpu.vector_store %arg6[%swap3A, %swap3A_27, %swap3A_28, %swap3A_29], %swap3A_32 {strides = array<i32>} : memref<1x1x1x64xf32, #tpu.memory_space<vmem>>, vector<1x1x1x64xf32>,
    return
  }
  func.func @transform_0(%arg0: i32, %arg1: i32) -> (i32, i32, i32, i32) {
    %c0_i32 = arith.constant 0 : i32
    %c0_i32_0 = arith.constant 0 : i32
    %c0_i32_1 = arith.constant 0 : i32
    return %arg0, %arg1, %c0_i32, %c0_i32_0 : i32, i32, i32, i32
  }
  func.func @transform_1(%arg0: i32, %arg1: i32) -> (i32, i32, i32) {
    %c0_i32 = arith.constant 0 : i32
    %c0_i32_0 = arith.constant 0 : i32
    return %arg0, %arg1, %c0_i32 : i32, i32, i32
  }
  func.func @transform_2(%arg0: i32, %arg1: i32) -> (i32, i32) {
    %c0_i32 = arith.constant 0 : i32
    %c0_i32_0 = arith.constant 0 : i32
    %c0_i32_1 = arith.constant 0 : i32
    return %c0_i32, %c0_i32_0 : i32, i32
  }
  func.func @transform_3(%arg0: i32, %arg1: i32) -> (i32, i32) {
    %c0_i32 = arith.constant 0 : i32
    %c0_i32_0 = arith.constant 0 : i32
    %c0_i32_1 = arith.constant 0 : i32
    return %c0_i32, %c0_i32_0 : i32, i32
  }
  func.func @transform_4(%arg0: i32, %arg1: i32) -> (i32, i32, i32, i32) {
    %c0_i32 = arith.constant 0 : i32
    %c0_i32_0 = arith.constant 0 : i32
    %c0_i32_1 = arith.constant 0 : i32
    return %arg0, %arg1, %c0_i32, %c0_i32_0 : i32, i32, i32, i32
  }
}

module attributes {stable_mosaic.version = 14 : i64} {
  func.func @_mean_body(%arg0: memref<32x1x128xf32, #tpu.memory_space<vmem>>, %arg1: memref<1x128xf32, #tpu.memory_space<vmem>>) attributes {dimension_semantics = [], scalar_prefetch = 0 : i64, scratch_operands = 0 : i64, tpu.core_type = #tpu.core_type<tc>} {
    %get3A = arith.constant 0 : index
    %get3A_0 = arith.constant 0 : index
    %get3A_1 = arith.constant 0 : index
    %get3A_2 = vector.load %arg0[%get3A, %get3A_0, %get3A_1] : memref<32x1x128xf32, #tpu.memory_space<vmem>>, vector<32x1x128xf32>
    %get3A_3 = vector.shape_cast %get3A_2 : vector<32x1x128xf32> to vector<32x128xf32>
    %reduce_sum3A = arith.constant dense<0.000000e+00> : vector<128xf32>
    %reduce_sum3A_4 = vector.multi_reduction <add>, %get3A_3, %reduce_sum3A [0] : vector<32x128xf32> to vector<128xf32>
    %broadcast_in_dim3A = vector.shape_cast %reduce_sum3A_4 : vector<128xf32> to vector<1x128xf32>
    %div3A = arith.constant 8.192000e+04 : f32
    %div3A_5 = vector.broadcast %div3A : f32 to vector<1x128xf32>
    %div3A_6 = arith.divf %broadcast_in_dim3A, %div3A_5 : vector<1x128xf32>
    %swap3A = arith.constant 0 : index
    %swap3A_7 = arith.constant 0 : index
    %swap3A_8 = vector.load %arg1[%swap3A, %swap3A_7] : memref<1x128xf32, #tpu.memory_space<vmem>>, vector<1x128xf32>
    tpu.vector_store %arg1[%swap3A, %swap3A_7], %div3A_6 {strides = array<i32>} : memref<1x128xf32, #tpu.memory_space<vmem>>, vector<1x128xf32>,
    return
  }
}

module attributes {stable_mosaic.version = 14 : i64} {
  func.func @_conva_body(%arg0: i32, %arg1: i32, %arg2: memref<1x128x20x128xf32, #tpu.memory_space<vmem>>, %arg3: memref<1x128x128xf32, #tpu.memory_space<vmem>>, %arg4: memref<128x128xf32, #tpu.memory_space<vmem>>, %arg5: memref<1x128x128xf32, #tpu.memory_space<vmem>>, %arg6: memref<1x1x1x128xf32, #tpu.memory_space<vmem>>) attributes {dimension_semantics = [#tpu.dimension_semantics<arbitrary>, #tpu.dimension_semantics<arbitrary>], iteration_bounds = array<i64: 4, 8>, scalar_prefetch = 0 : i64, scratch_operands = 0 : i64, tpu.core_type = #tpu.core_type<tc>, window_params = [{transform_indices = @transform_0, window_bounds = array<i64: 1, 128, 20, 128>}, {transform_indices = @transform_1, window_bounds = array<i64: 1, 128, 128>}, {pipeline_mode = #tpu.pipeline_mode<synchronous>, transform_indices = @transform_2, window_bounds = array<i64: 128, 128>}, {transform_indices = @transform_3, window_bounds = array<i64: 1, 128, 128>}, {transform_indices = @transform_4, window_bounds = array<i64: 1, 1, 1, 128>}]} {
    %get3A = arith.constant 0 : index
    %get3A_0 = arith.constant 0 : index
    %get3A_1 = arith.constant 0 : index
    %get3A_2 = arith.constant 0 : index
    %get3A_3 = vector.load %arg2[%get3A, %get3A_0, %get3A_1, %get3A_2] : memref<1x128x20x128xf32, #tpu.memory_space<vmem>>, vector<1x128x20x128xf32>
    %get3A_4 = vector.shape_cast %get3A_3 : vector<1x128x20x128xf32> to vector<128x20x128xf32>
    %get3A_5 = arith.constant 0 : index
    %get3A_6 = arith.constant 0 : index
    %get3A_7 = arith.constant 0 : index
    %get3A_8 = vector.load %arg3[%get3A_5, %get3A_6, %get3A_7] : memref<1x128x128xf32, #tpu.memory_space<vmem>>, vector<1x128x128xf32>
    %get3A_9 = vector.shape_cast %get3A_8 : vector<1x128x128xf32> to vector<128x128xf32>
    %broadcast_in_dim3A = vector.shape_cast %get3A_9 : vector<128x128xf32> to vector<128x1x128xf32>
    %sub3A = vector.broadcast %broadcast_in_dim3A : vector<128x1x128xf32> to vector<128x20x128xf32>
    %sub3A_10 = arith.subf %get3A_4, %sub3A : vector<128x20x128xf32>
    %convert_element_type3A = arith.truncf %sub3A_10 : vector<128x20x128xf32> to vector<128x20x128xbf16>
    %slice3A = vector.extract_strided_slice %convert_element_type3A {offsets = [0, 0, 0], sizes = [128, 20, 64], strides = [1, 1, 1]} : vector<128x20x128xbf16> to vector<128x20x64xbf16>
    %broadcast_in_dim3A_11 = vector.shape_cast %broadcast_in_dim3A : vector<128x1x128xf32> to vector<128x1x128xf32>
    %broadcast_in_dim3A_12 = vector.broadcast %broadcast_in_dim3A_11 : vector<128x1x128xf32> to vector<128x20x128xf32>
    %convert_element_type3A_13 = arith.truncf %broadcast_in_dim3A_12 : vector<128x20x128xf32> to vector<128x20x128xbf16>
    %slice3A_14 = vector.extract_strided_slice %convert_element_type3A_13 {offsets = [0, 0, 0], sizes = [128, 20, 64], strides = [1, 1, 1]} : vector<128x20x128xbf16> to vector<128x20x64xbf16>
    %concatenate3A = tpu.concatenate %slice3A, %slice3A_14 in 2 : vector<128x20x64xbf16>, vector<128x20x64xbf16> -> vector<128x20x128xbf16>
    %reshape3A = vector.shape_cast %concatenate3A : vector<128x20x128xbf16> to vector<2560x128xbf16>
    %get3A_15 = arith.constant 0 : index
    %get3A_16 = arith.constant 0 : index
    %get3A_17 = vector.load %arg4[%get3A_15, %get3A_16] : memref<128x128xf32, #tpu.memory_space<vmem>>, vector<128x128xf32>
    %convert_element_type3A_18 = arith.truncf %get3A_17 : vector<128x128xf32> to vector<128x128xbf16>
    %dot_general3A = arith.constant dense<0.000000e+00> : vector<2560x128xf32>
    %dot_general3A_19 = tpu.matmul %reshape3A, %convert_element_type3A_18, %dot_general3A {dimension_numbers = #tpu.dot_dimension_numbers<[1], [0], [0], [1], [0, 0, 1, 1], [], []>, transpose_lhs_hint = false} : vector<2560x128xbf16>, vector<128x128xbf16>, vector<2560x128xf32> -> vector<2560x128xf32>
    %reshape3A_20 = vector.shape_cast %dot_general3A_19 : vector<2560x128xf32> to vector<128x20x128xf32>
    %reduce_max3A = arith.constant dense<0xFF800000> : vector<128x128xf32>
    %reduce_max3A_21 = vector.multi_reduction <maximumf>, %reshape3A_20, %reduce_max3A [1] : vector<128x20x128xf32> to vector<128x128xf32>
    %swap3A = arith.constant 0 : index
    %swap3A_22 = arith.constant 0 : index
    %swap3A_23 = arith.constant 0 : index
    %swap3A_24 = vector.load %arg5[%swap3A, %swap3A_22, %swap3A_23] : memref<1x128x128xf32, #tpu.memory_space<vmem>>, vector<1x128x128xf32>
    %swap3A_25 = vector.shape_cast %swap3A_24 : vector<1x128x128xf32> to vector<128x128xf32>
    %swap3A_26 = vector.shape_cast %reduce_max3A_21 : vector<128x128xf32> to vector<1x128x128xf32>
    tpu.vector_store %arg5[%swap3A, %swap3A_22, %swap3A_23], %swap3A_26 {strides = array<i32>} : memref<1x128x128xf32, #tpu.memory_space<vmem>>, vector<1x128x128xf32>,
    %reduce_sum3A = arith.constant dense<0.000000e+00> : vector<128xf32>
    %reduce_sum3A_27 = vector.multi_reduction <add>, %dot_general3A_19, %reduce_sum3A [0] : vector<2560x128xf32> to vector<128xf32>
    %broadcast_in_dim3A_28 = vector.shape_cast %reduce_sum3A_27 : vector<128xf32> to vector<1x128xf32>
    %swap3A_29 = arith.constant 0 : index
    %swap3A_30 = arith.constant 0 : index
    %swap3A_31 = arith.constant 0 : index
    %swap3A_32 = arith.constant 0 : index
    %swap3A_33 = vector.load %arg6[%swap3A_29, %swap3A_30, %swap3A_31, %swap3A_32] : memref<1x1x1x128xf32, #tpu.memory_space<vmem>>, vector<1x1x1x128xf32>
    %swap3A_34 = vector.shape_cast %swap3A_33 : vector<1x1x1x128xf32> to vector<1x128xf32>
    %swap3A_35 = vector.shape_cast %broadcast_in_dim3A_28 : vector<1x128xf32> to vector<1x1x1x128xf32>
    tpu.vector_store %arg6[%swap3A_29, %swap3A_30, %swap3A_31, %swap3A_32], %swap3A_35 {strides = array<i32>} : memref<1x1x1x128xf32, #tpu.memory_space<vmem>>, vector<1x1x1x128xf32>,
    return
  }
  func.func @transform_0(%arg0: i32, %arg1: i32) -> (i32, i32, i32, i32) {
    %c0_i32 = arith.constant 0 : i32
    %c0_i32_0 = arith.constant 0 : i32
    %c0_i32_1 = arith.constant 0 : i32
    return %arg0, %arg1, %c0_i32, %c0_i32_0 : i32, i32, i32, i32
  }
  func.func @transform_1(%arg0: i32, %arg1: i32) -> (i32, i32, i32) {
    %c0_i32 = arith.constant 0 : i32
    %c0_i32_0 = arith.constant 0 : i32
    return %arg0, %arg1, %c0_i32 : i32, i32, i32
  }
  func.func @transform_2(%arg0: i32, %arg1: i32) -> (i32, i32) {
    %c0_i32 = arith.constant 0 : i32
    %c0_i32_0 = arith.constant 0 : i32
    %c0_i32_1 = arith.constant 0 : i32
    return %c0_i32, %c0_i32_0 : i32, i32
  }
  func.func @transform_3(%arg0: i32, %arg1: i32) -> (i32, i32, i32) {
    %c0_i32 = arith.constant 0 : i32
    %c0_i32_0 = arith.constant 0 : i32
    return %arg0, %arg1, %c0_i32 : i32, i32, i32
  }
  func.func @transform_4(%arg0: i32, %arg1: i32) -> (i32, i32, i32, i32) {
    %c0_i32 = arith.constant 0 : i32
    %c0_i32_0 = arith.constant 0 : i32
    %c0_i32_1 = arith.constant 0 : i32
    return %arg0, %arg1, %c0_i32, %c0_i32_0 : i32, i32, i32, i32
  }
}

module attributes {stable_mosaic.version = 14 : i64} {
  func.func @_convb_body(%arg0: i32, %arg1: i32, %arg2: memref<1x128x20x128xf32, #tpu.memory_space<vmem>>, %arg3: memref<1x128x128xf32, #tpu.memory_space<vmem>>, %arg4: memref<128x128xf32, #tpu.memory_space<vmem>>, %arg5: memref<1x128xf32, #tpu.memory_space<vmem>>, %arg6: memref<1x1x1x128xf32, #tpu.memory_space<vmem>>) attributes {dimension_semantics = [#tpu.dimension_semantics<arbitrary>, #tpu.dimension_semantics<arbitrary>], iteration_bounds = array<i64: 4, 8>, scalar_prefetch = 0 : i64, scratch_operands = 0 : i64, tpu.core_type = #tpu.core_type<tc>, window_params = [{transform_indices = @transform_0, window_bounds = array<i64: 1, 128, 20, 128>}, {transform_indices = @transform_1, window_bounds = array<i64: 1, 128, 128>}, {pipeline_mode = #tpu.pipeline_mode<synchronous>, transform_indices = @transform_2, window_bounds = array<i64: 128, 128>}, {pipeline_mode = #tpu.pipeline_mode<synchronous>, transform_indices = @transform_3, window_bounds = array<i64: 1, 128>}, {transform_indices = @transform_4, window_bounds = array<i64: 1, 1, 1, 128>}]} {
    %get3A = arith.constant 0 : index
    %get3A_0 = arith.constant 0 : index
    %get3A_1 = arith.constant 0 : index
    %get3A_2 = arith.constant 0 : index
    %get3A_3 = vector.load %arg2[%get3A, %get3A_0, %get3A_1, %get3A_2] : memref<1x128x20x128xf32, #tpu.memory_space<vmem>>, vector<1x128x20x128xf32>
    %get3A_4 = vector.shape_cast %get3A_3 : vector<1x128x20x128xf32> to vector<128x20x128xf32>
    %get3A_5 = arith.constant 0 : index
    %get3A_6 = arith.constant 0 : index
    %get3A_7 = arith.constant 0 : index
    %get3A_8 = vector.load %arg3[%get3A_5, %get3A_6, %get3A_7] : memref<1x128x128xf32, #tpu.memory_space<vmem>>, vector<1x128x128xf32>
    %get3A_9 = vector.shape_cast %get3A_8 : vector<1x128x128xf32> to vector<128x128xf32>
    %broadcast_in_dim3A = vector.shape_cast %get3A_9 : vector<128x128xf32> to vector<128x1x128xf32>
    %sub3A = vector.broadcast %broadcast_in_dim3A : vector<128x1x128xf32> to vector<128x20x128xf32>
    %sub3A_10 = arith.subf %get3A_4, %sub3A : vector<128x20x128xf32>
    %convert_element_type3A = arith.truncf %sub3A_10 : vector<128x20x128xf32> to vector<128x20x128xbf16>
    %slice3A = vector.extract_strided_slice %convert_element_type3A {offsets = [0, 0, 0], sizes = [128, 20, 64], strides = [1, 1, 1]} : vector<128x20x128xbf16> to vector<128x20x64xbf16>
    %broadcast_in_dim3A_11 = vector.shape_cast %broadcast_in_dim3A : vector<128x1x128xf32> to vector<128x1x128xf32>
    %broadcast_in_dim3A_12 = vector.broadcast %broadcast_in_dim3A_11 : vector<128x1x128xf32> to vector<128x20x128xf32>
    %convert_element_type3A_13 = arith.truncf %broadcast_in_dim3A_12 : vector<128x20x128xf32> to vector<128x20x128xbf16>
    %slice3A_14 = vector.extract_strided_slice %convert_element_type3A_13 {offsets = [0, 0, 0], sizes = [128, 20, 64], strides = [1, 1, 1]} : vector<128x20x128xbf16> to vector<128x20x64xbf16>
    %concatenate3A = tpu.concatenate %slice3A, %slice3A_14 in 2 : vector<128x20x64xbf16>, vector<128x20x64xbf16> -> vector<128x20x128xbf16>
    %reshape3A = vector.shape_cast %concatenate3A : vector<128x20x128xbf16> to vector<2560x128xbf16>
    %get3A_15 = arith.constant 0 : index
    %get3A_16 = arith.constant 0 : index
    %get3A_17 = vector.load %arg4[%get3A_15, %get3A_16] : memref<128x128xf32, #tpu.memory_space<vmem>>, vector<128x128xf32>
    %convert_element_type3A_18 = arith.truncf %get3A_17 : vector<128x128xf32> to vector<128x128xbf16>
    %dot_general3A = arith.constant dense<0.000000e+00> : vector<2560x128xf32>
    %dot_general3A_19 = tpu.matmul %reshape3A, %convert_element_type3A_18, %dot_general3A {dimension_numbers = #tpu.dot_dimension_numbers<[1], [0], [0], [1], [0, 0, 1, 1], [], []>, transpose_lhs_hint = false} : vector<2560x128xbf16>, vector<128x128xbf16>, vector<2560x128xf32> -> vector<2560x128xf32>
    %get3A_20 = arith.constant 0 : index
    %get3A_21 = arith.constant 0 : index
    %get3A_22 = vector.load %arg5[%get3A_20, %get3A_21] : memref<1x128xf32, #tpu.memory_space<vmem>>, vector<1x128xf32>
    %sub3A_23 = vector.broadcast %get3A_22 : vector<1x128xf32> to vector<2560x128xf32>
    %sub3A_24 = arith.subf %dot_general3A_19, %sub3A_23 : vector<2560x128xf32>
    %mul3A = arith.mulf %sub3A_24, %sub3A_24 : vector<2560x128xf32>
    %reduce_sum3A = arith.constant dense<0.000000e+00> : vector<128xf32>
    %reduce_sum3A_25 = vector.multi_reduction <add>, %mul3A, %reduce_sum3A [0] : vector<2560x128xf32> to vector<128xf32>
    %broadcast_in_dim3A_26 = vector.shape_cast %reduce_sum3A_25 : vector<128xf32> to vector<1x128xf32>
    %swap3A = arith.constant 0 : index
    %swap3A_27 = arith.constant 0 : index
    %swap3A_28 = arith.constant 0 : index
    %swap3A_29 = arith.constant 0 : index
    %swap3A_30 = vector.load %arg6[%swap3A, %swap3A_27, %swap3A_28, %swap3A_29] : memref<1x1x1x128xf32, #tpu.memory_space<vmem>>, vector<1x1x1x128xf32>
    %swap3A_31 = vector.shape_cast %swap3A_30 : vector<1x1x1x128xf32> to vector<1x128xf32>
    %swap3A_32 = vector.shape_cast %broadcast_in_dim3A_26 : vector<1x128xf32> to vector<1x1x1x128xf32>
    tpu.vector_store %arg6[%swap3A, %swap3A_27, %swap3A_28, %swap3A_29], %swap3A_32 {strides = array<i32>} : memref<1x1x1x128xf32, #tpu.memory_space<vmem>>, vector<1x1x1x128xf32>,
    return
  }
  func.func @transform_0(%arg0: i32, %arg1: i32) -> (i32, i32, i32, i32) {
    %c0_i32 = arith.constant 0 : i32
    %c0_i32_0 = arith.constant 0 : i32
    %c0_i32_1 = arith.constant 0 : i32
    return %arg0, %arg1, %c0_i32, %c0_i32_0 : i32, i32, i32, i32
  }
  func.func @transform_1(%arg0: i32, %arg1: i32) -> (i32, i32, i32) {
    %c0_i32 = arith.constant 0 : i32
    %c0_i32_0 = arith.constant 0 : i32
    return %arg0, %arg1, %c0_i32 : i32, i32, i32
  }
  func.func @transform_2(%arg0: i32, %arg1: i32) -> (i32, i32) {
    %c0_i32 = arith.constant 0 : i32
    %c0_i32_0 = arith.constant 0 : i32
    %c0_i32_1 = arith.constant 0 : i32
    return %c0_i32, %c0_i32_0 : i32, i32
  }
  func.func @transform_3(%arg0: i32, %arg1: i32) -> (i32, i32) {
    %c0_i32 = arith.constant 0 : i32
    %c0_i32_0 = arith.constant 0 : i32
    %c0_i32_1 = arith.constant 0 : i32
    return %c0_i32, %c0_i32_0 : i32, i32
  }
  func.func @transform_4(%arg0: i32, %arg1: i32) -> (i32, i32, i32, i32) {
    %c0_i32 = arith.constant 0 : i32
    %c0_i32_0 = arith.constant 0 : i32
    %c0_i32_1 = arith.constant 0 : i32
    return %arg0, %arg1, %c0_i32, %c0_i32_0 : i32, i32, i32, i32
  }
}

module attributes {stable_mosaic.version = 14 : i64} {
  func.func @_combine_body(%arg0: i32, %arg1: memref<4096x128xf32, #tpu.memory_space<vmem>>, %arg2: memref<32x1x128xf32, #tpu.memory_space<vmem>>, %arg3: memref<1x128xf32, #tpu.memory_space<vmem>>, %arg4: memref<1x128xf32, #tpu.memory_space<vmem>>, %arg5: memref<1x128xf32, #tpu.memory_space<vmem>>, %arg6: memref<4096x128xf32, #tpu.memory_space<vmem>>) attributes {dimension_semantics = [#tpu.dimension_semantics<arbitrary>], iteration_bounds = array<i64: 1>, scalar_prefetch = 0 : i64, scratch_operands = 0 : i64, tpu.core_type = #tpu.core_type<tc>, window_params = [{transform_indices = @transform_0, window_bounds = array<i64: 4096, 128>}, {transform_indices = @transform_1, window_bounds = array<i64: 32, 1, 128>}, {transform_indices = @transform_2, window_bounds = array<i64: 1, 128>}, {transform_indices = @transform_3, window_bounds = array<i64: 1, 128>}, {transform_indices = @transform_4, window_bounds = array<i64: 1, 128>}, {transform_indices = @transform_5, window_bounds = array<i64: 4096, 128>}]} {
    %get3A = arith.constant 0 : index
    %get3A_0 = arith.constant 0 : index
    %get3A_1 = arith.constant 0 : index
    %get3A_2 = vector.load %arg2[%get3A, %get3A_0, %get3A_1] : memref<32x1x128xf32, #tpu.memory_space<vmem>>, vector<32x1x128xf32>
    %get3A_3 = vector.shape_cast %get3A_2 : vector<32x1x128xf32> to vector<32x128xf32>
    %reduce_sum3A = arith.constant dense<0.000000e+00> : vector<128xf32>
    %reduce_sum3A_4 = vector.multi_reduction <add>, %get3A_3, %reduce_sum3A [0] : vector<32x128xf32> to vector<128xf32>
    %broadcast_in_dim3A = vector.shape_cast %reduce_sum3A_4 : vector<128xf32> to vector<1x128xf32>
    %div3A = arith.constant 8.192000e+04 : f32
    %div3A_5 = vector.broadcast %div3A : f32 to vector<1x128xf32>
    %div3A_6 = arith.divf %broadcast_in_dim3A, %div3A_5 : vector<1x128xf32>
    %get3A_7 = arith.constant 0 : index
    %get3A_8 = arith.constant 0 : index
    %get3A_9 = vector.load %arg1[%get3A_7, %get3A_8] : memref<4096x128xf32, #tpu.memory_space<vmem>>, vector<4096x128xf32>
    %get3A_10 = arith.constant 0 : index
    %get3A_11 = arith.constant 0 : index
    %get3A_12 = vector.load %arg3[%get3A_10, %get3A_11] : memref<1x128xf32, #tpu.memory_space<vmem>>, vector<1x128xf32>
    %sub3A = vector.broadcast %get3A_12 : vector<1x128xf32> to vector<4096x128xf32>
    %sub3A_13 = arith.subf %get3A_9, %sub3A : vector<4096x128xf32>
    %add3A = arith.constant 9.99999974E-6 : f32
    %add3A_14 = vector.broadcast %add3A : f32 to vector<1x128xf32>
    %add3A_15 = arith.addf %div3A_6, %add3A_14 : vector<1x128xf32>
    %sqrt3A = math.sqrt %add3A_15 : vector<1x128xf32>
    %div3A_16 = vector.broadcast %sqrt3A : vector<1x128xf32> to vector<4096x128xf32>
    %div3A_17 = arith.divf %sub3A_13, %div3A_16 : vector<4096x128xf32>
    %get3A_18 = arith.constant 0 : index
    %get3A_19 = arith.constant 0 : index
    %get3A_20 = vector.load %arg4[%get3A_18, %get3A_19] : memref<1x128xf32, #tpu.memory_space<vmem>>, vector<1x128xf32>
    %mul3A = vector.broadcast %get3A_20 : vector<1x128xf32> to vector<4096x128xf32>
    %mul3A_21 = arith.mulf %div3A_17, %mul3A : vector<4096x128xf32>
    %get3A_22 = arith.constant 0 : index
    %get3A_23 = arith.constant 0 : index
    %get3A_24 = vector.load %arg5[%get3A_22, %get3A_23] : memref<1x128xf32, #tpu.memory_space<vmem>>, vector<1x128xf32>
    %add3A_25 = vector.broadcast %get3A_24 : vector<1x128xf32> to vector<4096x128xf32>
    %add3A_26 = arith.addf %mul3A_21, %add3A_25 : vector<4096x128xf32>
    %ge3A = arith.constant 0.000000e+00 : f32
    %ge3A_27 = vector.broadcast %ge3A : f32 to vector<4096x128xf32>
    %ge3A_28 = arith.cmpf oge, %add3A_26, %ge3A_27 : vector<4096x128xf32>
    %mul3A_29 = arith.constant 2.000000e-01 : f32
    %mul3A_30 = vector.broadcast %mul3A_29 : f32 to vector<4096x128xf32>
    %mul3A_31 = arith.mulf %mul3A_30, %add3A_26 : vector<4096x128xf32>
    %select_n3A = arith.select %ge3A_28, %add3A_26, %mul3A_31 : vector<4096x128xi1>, vector<4096x128xf32>
    %swap3A = arith.constant 0 : index
    %swap3A_32 = arith.constant 0 : index
    %swap3A_33 = vector.load %arg6[%swap3A, %swap3A_32] : memref<4096x128xf32, #tpu.memory_space<vmem>>, vector<4096x128xf32>
    tpu.vector_store %arg6[%swap3A, %swap3A_32], %select_n3A {strides = array<i32>} : memref<4096x128xf32, #tpu.memory_space<vmem>>, vector<4096x128xf32>,
    return
  }
  func.func @transform_0(%arg0: i32) -> (i32, i32) {
    %c0_i32 = arith.constant 0 : i32
    %c0_i32_0 = arith.constant 0 : i32
    return %c0_i32, %arg0 : i32, i32
  }
  func.func @transform_1(%arg0: i32) -> (i32, i32, i32) {
    %c0_i32 = arith.constant 0 : i32
    %c0_i32_0 = arith.constant 0 : i32
    %c0_i32_1 = arith.constant 0 : i32
    return %c0_i32, %c0_i32_0, %arg0 : i32, i32, i32
  }
  func.func @transform_2(%arg0: i32) -> (i32, i32) {
    %c0_i32 = arith.constant 0 : i32
    %c0_i32_0 = arith.constant 0 : i32
    return %c0_i32, %arg0 : i32, i32
  }
  func.func @transform_3(%arg0: i32) -> (i32, i32) {
    %c0_i32 = arith.constant 0 : i32
    %c0_i32_0 = arith.constant 0 : i32
    return %c0_i32, %arg0 : i32, i32
  }
  func.func @transform_4(%arg0: i32) -> (i32, i32) {
    %c0_i32 = arith.constant 0 : i32
    %c0_i32_0 = arith.constant 0 : i32
    return %c0_i32, %arg0 : i32, i32
  }
  func.func @transform_5(%arg0: i32) -> (i32, i32) {
    %c0_i32 = arith.constant 0 : i32
    %c0_i32_0 = arith.constant 0 : i32
    return %c0_i32, %arg0 : i32, i32
  }
}

module attributes {stable_mosaic.version = 14 : i64} {
  func.func @_conva_body(%arg0: i32, %arg1: i32, %arg2: memref<1x128x20x128xf32, #tpu.memory_space<vmem>>, %arg3: memref<1x128x128xf32, #tpu.memory_space<vmem>>, %arg4: memref<256x256xf32, #tpu.memory_space<vmem>>, %arg5: memref<1x128x256xf32, #tpu.memory_space<vmem>>, %arg6: memref<1x1x1x256xf32, #tpu.memory_space<vmem>>) attributes {dimension_semantics = [#tpu.dimension_semantics<arbitrary>, #tpu.dimension_semantics<arbitrary>], iteration_bounds = array<i64: 4, 8>, scalar_prefetch = 0 : i64, scratch_operands = 0 : i64, tpu.core_type = #tpu.core_type<tc>, window_params = [{transform_indices = @transform_0, window_bounds = array<i64: 1, 128, 20, 128>}, {transform_indices = @transform_1, window_bounds = array<i64: 1, 128, 128>}, {pipeline_mode = #tpu.pipeline_mode<synchronous>, transform_indices = @transform_2, window_bounds = array<i64: 256, 256>}, {transform_indices = @transform_3, window_bounds = array<i64: 1, 128, 256>}, {transform_indices = @transform_4, window_bounds = array<i64: 1, 1, 1, 256>}]} {
    %get3A = arith.constant 0 : index
    %get3A_0 = arith.constant 0 : index
    %get3A_1 = arith.constant 0 : index
    %get3A_2 = arith.constant 0 : index
    %get3A_3 = vector.load %arg2[%get3A, %get3A_0, %get3A_1, %get3A_2] : memref<1x128x20x128xf32, #tpu.memory_space<vmem>>, vector<1x128x20x128xf32>
    %get3A_4 = vector.shape_cast %get3A_3 : vector<1x128x20x128xf32> to vector<128x20x128xf32>
    %get3A_5 = arith.constant 0 : index
    %get3A_6 = arith.constant 0 : index
    %get3A_7 = arith.constant 0 : index
    %get3A_8 = vector.load %arg3[%get3A_5, %get3A_6, %get3A_7] : memref<1x128x128xf32, #tpu.memory_space<vmem>>, vector<1x128x128xf32>
    %get3A_9 = vector.shape_cast %get3A_8 : vector<1x128x128xf32> to vector<128x128xf32>
    %broadcast_in_dim3A = vector.shape_cast %get3A_9 : vector<128x128xf32> to vector<128x1x128xf32>
    %sub3A = vector.broadcast %broadcast_in_dim3A : vector<128x1x128xf32> to vector<128x20x128xf32>
    %sub3A_10 = arith.subf %get3A_4, %sub3A : vector<128x20x128xf32>
    %convert_element_type3A = arith.truncf %sub3A_10 : vector<128x20x128xf32> to vector<128x20x128xbf16>
    %broadcast_in_dim3A_11 = vector.shape_cast %broadcast_in_dim3A : vector<128x1x128xf32> to vector<128x1x128xf32>
    %broadcast_in_dim3A_12 = vector.broadcast %broadcast_in_dim3A_11 : vector<128x1x128xf32> to vector<128x20x128xf32>
    %convert_element_type3A_13 = arith.truncf %broadcast_in_dim3A_12 : vector<128x20x128xf32> to vector<128x20x128xbf16>
    %concatenate3A = tpu.concatenate %convert_element_type3A, %convert_element_type3A_13 in 2 : vector<128x20x128xbf16>, vector<128x20x128xbf16> -> vector<128x20x256xbf16>
    %reshape3A = vector.shape_cast %concatenate3A : vector<128x20x256xbf16> to vector<2560x256xbf16>
    %get3A_14 = arith.constant 0 : index
    %get3A_15 = arith.constant 0 : index
    %get3A_16 = vector.load %arg4[%get3A_14, %get3A_15] : memref<256x256xf32, #tpu.memory_space<vmem>>, vector<256x256xf32>
    %convert_element_type3A_17 = arith.truncf %get3A_16 : vector<256x256xf32> to vector<256x256xbf16>
    %dot_general3A = arith.constant dense<0.000000e+00> : vector<2560x256xf32>
    %dot_general3A_18 = tpu.matmul %reshape3A, %convert_element_type3A_17, %dot_general3A {dimension_numbers = #tpu.dot_dimension_numbers<[1], [0], [0], [1], [0, 0, 1, 1], [], []>, transpose_lhs_hint = false} : vector<2560x256xbf16>, vector<256x256xbf16>, vector<2560x256xf32> -> vector<2560x256xf32>
    %reshape3A_19 = vector.shape_cast %dot_general3A_18 : vector<2560x256xf32> to vector<128x20x256xf32>
    %reduce_max3A = arith.constant dense<0xFF800000> : vector<128x256xf32>
    %reduce_max3A_20 = vector.multi_reduction <maximumf>, %reshape3A_19, %reduce_max3A [1] : vector<128x20x256xf32> to vector<128x256xf32>
    %swap3A = arith.constant 0 : index
    %swap3A_21 = arith.constant 0 : index
    %swap3A_22 = arith.constant 0 : index
    %swap3A_23 = vector.load %arg5[%swap3A, %swap3A_21, %swap3A_22] : memref<1x128x256xf32, #tpu.memory_space<vmem>>, vector<1x128x256xf32>
    %swap3A_24 = vector.shape_cast %swap3A_23 : vector<1x128x256xf32> to vector<128x256xf32>
    %swap3A_25 = vector.shape_cast %reduce_max3A_20 : vector<128x256xf32> to vector<1x128x256xf32>
    tpu.vector_store %arg5[%swap3A, %swap3A_21, %swap3A_22], %swap3A_25 {strides = array<i32>} : memref<1x128x256xf32, #tpu.memory_space<vmem>>, vector<1x128x256xf32>,
    %reduce_sum3A = arith.constant dense<0.000000e+00> : vector<256xf32>
    %reduce_sum3A_26 = vector.multi_reduction <add>, %dot_general3A_18, %reduce_sum3A [0] : vector<2560x256xf32> to vector<256xf32>
    %broadcast_in_dim3A_27 = vector.shape_cast %reduce_sum3A_26 : vector<256xf32> to vector<1x256xf32>
    %swap3A_28 = arith.constant 0 : index
    %swap3A_29 = arith.constant 0 : index
    %swap3A_30 = arith.constant 0 : index
    %swap3A_31 = arith.constant 0 : index
    %swap3A_32 = vector.load %arg6[%swap3A_28, %swap3A_29, %swap3A_30, %swap3A_31] : memref<1x1x1x256xf32, #tpu.memory_space<vmem>>, vector<1x1x1x256xf32>
    %swap3A_33 = vector.shape_cast %swap3A_32 : vector<1x1x1x256xf32> to vector<1x256xf32>
    %swap3A_34 = vector.shape_cast %broadcast_in_dim3A_27 : vector<1x256xf32> to vector<1x1x1x256xf32>
    tpu.vector_store %arg6[%swap3A_28, %swap3A_29, %swap3A_30, %swap3A_31], %swap3A_34 {strides = array<i32>} : memref<1x1x1x256xf32, #tpu.memory_space<vmem>>, vector<1x1x1x256xf32>,
    return
  }
  func.func @transform_0(%arg0: i32, %arg1: i32) -> (i32, i32, i32, i32) {
    %c0_i32 = arith.constant 0 : i32
    %c0_i32_0 = arith.constant 0 : i32
    %c0_i32_1 = arith.constant 0 : i32
    return %arg0, %arg1, %c0_i32, %c0_i32_0 : i32, i32, i32, i32
  }
  func.func @transform_1(%arg0: i32, %arg1: i32) -> (i32, i32, i32) {
    %c0_i32 = arith.constant 0 : i32
    %c0_i32_0 = arith.constant 0 : i32
    return %arg0, %arg1, %c0_i32 : i32, i32, i32
  }
  func.func @transform_2(%arg0: i32, %arg1: i32) -> (i32, i32) {
    %c0_i32 = arith.constant 0 : i32
    %c0_i32_0 = arith.constant 0 : i32
    %c0_i32_1 = arith.constant 0 : i32
    return %c0_i32, %c0_i32_0 : i32, i32
  }
  func.func @transform_3(%arg0: i32, %arg1: i32) -> (i32, i32, i32) {
    %c0_i32 = arith.constant 0 : i32
    %c0_i32_0 = arith.constant 0 : i32
    return %arg0, %arg1, %c0_i32 : i32, i32, i32
  }
  func.func @transform_4(%arg0: i32, %arg1: i32) -> (i32, i32, i32, i32) {
    %c0_i32 = arith.constant 0 : i32
    %c0_i32_0 = arith.constant 0 : i32
    %c0_i32_1 = arith.constant 0 : i32
    return %arg0, %arg1, %c0_i32, %c0_i32_0 : i32, i32, i32, i32
  }
}

module attributes {stable_mosaic.version = 14 : i64} {
  func.func @_mean_body(%arg0: memref<32x1x256xf32, #tpu.memory_space<vmem>>, %arg1: memref<1x256xf32, #tpu.memory_space<vmem>>) attributes {dimension_semantics = [], scalar_prefetch = 0 : i64, scratch_operands = 0 : i64, tpu.core_type = #tpu.core_type<tc>} {
    %get3A = arith.constant 0 : index
    %get3A_0 = arith.constant 0 : index
    %get3A_1 = arith.constant 0 : index
    %get3A_2 = vector.load %arg0[%get3A, %get3A_0, %get3A_1] : memref<32x1x256xf32, #tpu.memory_space<vmem>>, vector<32x1x256xf32>
    %get3A_3 = vector.shape_cast %get3A_2 : vector<32x1x256xf32> to vector<32x256xf32>
    %reduce_sum3A = arith.constant dense<0.000000e+00> : vector<256xf32>
    %reduce_sum3A_4 = vector.multi_reduction <add>, %get3A_3, %reduce_sum3A [0] : vector<32x256xf32> to vector<256xf32>
    %broadcast_in_dim3A = vector.shape_cast %reduce_sum3A_4 : vector<256xf32> to vector<1x256xf32>
    %div3A = arith.constant 8.192000e+04 : f32
    %div3A_5 = vector.broadcast %div3A : f32 to vector<1x256xf32>
    %div3A_6 = arith.divf %broadcast_in_dim3A, %div3A_5 : vector<1x256xf32>
    %swap3A = arith.constant 0 : index
    %swap3A_7 = arith.constant 0 : index
    %swap3A_8 = vector.load %arg1[%swap3A, %swap3A_7] : memref<1x256xf32, #tpu.memory_space<vmem>>, vector<1x256xf32>
    tpu.vector_store %arg1[%swap3A, %swap3A_7], %div3A_6 {strides = array<i32>} : memref<1x256xf32, #tpu.memory_space<vmem>>, vector<1x256xf32>,
    return
  }
}

module attributes {stable_mosaic.version = 14 : i64} {
  func.func @_convb_body(%arg0: i32, %arg1: i32, %arg2: memref<1x128x20x128xf32, #tpu.memory_space<vmem>>, %arg3: memref<1x128x128xf32, #tpu.memory_space<vmem>>, %arg4: memref<256x256xf32, #tpu.memory_space<vmem>>, %arg5: memref<1x256xf32, #tpu.memory_space<vmem>>, %arg6: memref<1x1x1x256xf32, #tpu.memory_space<vmem>>) attributes {dimension_semantics = [#tpu.dimension_semantics<arbitrary>, #tpu.dimension_semantics<arbitrary>], iteration_bounds = array<i64: 4, 8>, scalar_prefetch = 0 : i64, scratch_operands = 0 : i64, tpu.core_type = #tpu.core_type<tc>, window_params = [{transform_indices = @transform_0, window_bounds = array<i64: 1, 128, 20, 128>}, {transform_indices = @transform_1, window_bounds = array<i64: 1, 128, 128>}, {pipeline_mode = #tpu.pipeline_mode<synchronous>, transform_indices = @transform_2, window_bounds = array<i64: 256, 256>}, {pipeline_mode = #tpu.pipeline_mode<synchronous>, transform_indices = @transform_3, window_bounds = array<i64: 1, 256>}, {transform_indices = @transform_4, window_bounds = array<i64: 1, 1, 1, 256>}]} {
    %get3A = arith.constant 0 : index
    %get3A_0 = arith.constant 0 : index
    %get3A_1 = arith.constant 0 : index
    %get3A_2 = arith.constant 0 : index
    %get3A_3 = vector.load %arg2[%get3A, %get3A_0, %get3A_1, %get3A_2] : memref<1x128x20x128xf32, #tpu.memory_space<vmem>>, vector<1x128x20x128xf32>
    %get3A_4 = vector.shape_cast %get3A_3 : vector<1x128x20x128xf32> to vector<128x20x128xf32>
    %get3A_5 = arith.constant 0 : index
    %get3A_6 = arith.constant 0 : index
    %get3A_7 = arith.constant 0 : index
    %get3A_8 = vector.load %arg3[%get3A_5, %get3A_6, %get3A_7] : memref<1x128x128xf32, #tpu.memory_space<vmem>>, vector<1x128x128xf32>
    %get3A_9 = vector.shape_cast %get3A_8 : vector<1x128x128xf32> to vector<128x128xf32>
    %broadcast_in_dim3A = vector.shape_cast %get3A_9 : vector<128x128xf32> to vector<128x1x128xf32>
    %sub3A = vector.broadcast %broadcast_in_dim3A : vector<128x1x128xf32> to vector<128x20x128xf32>
    %sub3A_10 = arith.subf %get3A_4, %sub3A : vector<128x20x128xf32>
    %convert_element_type3A = arith.truncf %sub3A_10 : vector<128x20x128xf32> to vector<128x20x128xbf16>
    %broadcast_in_dim3A_11 = vector.shape_cast %broadcast_in_dim3A : vector<128x1x128xf32> to vector<128x1x128xf32>
    %broadcast_in_dim3A_12 = vector.broadcast %broadcast_in_dim3A_11 : vector<128x1x128xf32> to vector<128x20x128xf32>
    %convert_element_type3A_13 = arith.truncf %broadcast_in_dim3A_12 : vector<128x20x128xf32> to vector<128x20x128xbf16>
    %concatenate3A = tpu.concatenate %convert_element_type3A, %convert_element_type3A_13 in 2 : vector<128x20x128xbf16>, vector<128x20x128xbf16> -> vector<128x20x256xbf16>
    %reshape3A = vector.shape_cast %concatenate3A : vector<128x20x256xbf16> to vector<2560x256xbf16>
    %get3A_14 = arith.constant 0 : index
    %get3A_15 = arith.constant 0 : index
    %get3A_16 = vector.load %arg4[%get3A_14, %get3A_15] : memref<256x256xf32, #tpu.memory_space<vmem>>, vector<256x256xf32>
    %convert_element_type3A_17 = arith.truncf %get3A_16 : vector<256x256xf32> to vector<256x256xbf16>
    %dot_general3A = arith.constant dense<0.000000e+00> : vector<2560x256xf32>
    %dot_general3A_18 = tpu.matmul %reshape3A, %convert_element_type3A_17, %dot_general3A {dimension_numbers = #tpu.dot_dimension_numbers<[1], [0], [0], [1], [0, 0, 1, 1], [], []>, transpose_lhs_hint = false} : vector<2560x256xbf16>, vector<256x256xbf16>, vector<2560x256xf32> -> vector<2560x256xf32>
    %get3A_19 = arith.constant 0 : index
    %get3A_20 = arith.constant 0 : index
    %get3A_21 = vector.load %arg5[%get3A_19, %get3A_20] : memref<1x256xf32, #tpu.memory_space<vmem>>, vector<1x256xf32>
    %sub3A_22 = vector.broadcast %get3A_21 : vector<1x256xf32> to vector<2560x256xf32>
    %sub3A_23 = arith.subf %dot_general3A_18, %sub3A_22 : vector<2560x256xf32>
    %mul3A = arith.mulf %sub3A_23, %sub3A_23 : vector<2560x256xf32>
    %reduce_sum3A = arith.constant dense<0.000000e+00> : vector<256xf32>
    %reduce_sum3A_24 = vector.multi_reduction <add>, %mul3A, %reduce_sum3A [0] : vector<2560x256xf32> to vector<256xf32>
    %broadcast_in_dim3A_25 = vector.shape_cast %reduce_sum3A_24 : vector<256xf32> to vector<1x256xf32>
    %swap3A = arith.constant 0 : index
    %swap3A_26 = arith.constant 0 : index
    %swap3A_27 = arith.constant 0 : index
    %swap3A_28 = arith.constant 0 : index
    %swap3A_29 = vector.load %arg6[%swap3A, %swap3A_26, %swap3A_27, %swap3A_28] : memref<1x1x1x256xf32, #tpu.memory_space<vmem>>, vector<1x1x1x256xf32>
    %swap3A_30 = vector.shape_cast %swap3A_29 : vector<1x1x1x256xf32> to vector<1x256xf32>
    %swap3A_31 = vector.shape_cast %broadcast_in_dim3A_25 : vector<1x256xf32> to vector<1x1x1x256xf32>
    tpu.vector_store %arg6[%swap3A, %swap3A_26, %swap3A_27, %swap3A_28], %swap3A_31 {strides = array<i32>} : memref<1x1x1x256xf32, #tpu.memory_space<vmem>>, vector<1x1x1x256xf32>,
    return
  }
  func.func @transform_0(%arg0: i32, %arg1: i32) -> (i32, i32, i32, i32) {
    %c0_i32 = arith.constant 0 : i32
    %c0_i32_0 = arith.constant 0 : i32
    %c0_i32_1 = arith.constant 0 : i32
    return %arg0, %arg1, %c0_i32, %c0_i32_0 : i32, i32, i32, i32
  }
  func.func @transform_1(%arg0: i32, %arg1: i32) -> (i32, i32, i32) {
    %c0_i32 = arith.constant 0 : i32
    %c0_i32_0 = arith.constant 0 : i32
    return %arg0, %arg1, %c0_i32 : i32, i32, i32
  }
  func.func @transform_2(%arg0: i32, %arg1: i32) -> (i32, i32) {
    %c0_i32 = arith.constant 0 : i32
    %c0_i32_0 = arith.constant 0 : i32
    %c0_i32_1 = arith.constant 0 : i32
    return %c0_i32, %c0_i32_0 : i32, i32
  }
  func.func @transform_3(%arg0: i32, %arg1: i32) -> (i32, i32) {
    %c0_i32 = arith.constant 0 : i32
    %c0_i32_0 = arith.constant 0 : i32
    %c0_i32_1 = arith.constant 0 : i32
    return %c0_i32, %c0_i32_0 : i32, i32
  }
  func.func @transform_4(%arg0: i32, %arg1: i32) -> (i32, i32, i32, i32) {
    %c0_i32 = arith.constant 0 : i32
    %c0_i32_0 = arith.constant 0 : i32
    %c0_i32_1 = arith.constant 0 : i32
    return %arg0, %arg1, %c0_i32, %c0_i32_0 : i32, i32, i32, i32
  }
}

module attributes {stable_mosaic.version = 14 : i64} {
  func.func @_combine_body(%arg0: i32, %arg1: memref<4096x128xf32, #tpu.memory_space<vmem>>, %arg2: memref<32x1x128xf32, #tpu.memory_space<vmem>>, %arg3: memref<1x128xf32, #tpu.memory_space<vmem>>, %arg4: memref<1x128xf32, #tpu.memory_space<vmem>>, %arg5: memref<1x128xf32, #tpu.memory_space<vmem>>, %arg6: memref<4096x128xf32, #tpu.memory_space<vmem>>) attributes {dimension_semantics = [#tpu.dimension_semantics<arbitrary>], iteration_bounds = array<i64: 2>, scalar_prefetch = 0 : i64, scratch_operands = 0 : i64, tpu.core_type = #tpu.core_type<tc>, window_params = [{transform_indices = @transform_0, window_bounds = array<i64: 4096, 128>}, {transform_indices = @transform_1, window_bounds = array<i64: 32, 1, 128>}, {transform_indices = @transform_2, window_bounds = array<i64: 1, 128>}, {transform_indices = @transform_3, window_bounds = array<i64: 1, 128>}, {transform_indices = @transform_4, window_bounds = array<i64: 1, 128>}, {transform_indices = @transform_5, window_bounds = array<i64: 4096, 128>}]} {
    %get3A = arith.constant 0 : index
    %get3A_0 = arith.constant 0 : index
    %get3A_1 = arith.constant 0 : index
    %get3A_2 = vector.load %arg2[%get3A, %get3A_0, %get3A_1] : memref<32x1x128xf32, #tpu.memory_space<vmem>>, vector<32x1x128xf32>
    %get3A_3 = vector.shape_cast %get3A_2 : vector<32x1x128xf32> to vector<32x128xf32>
    %reduce_sum3A = arith.constant dense<0.000000e+00> : vector<128xf32>
    %reduce_sum3A_4 = vector.multi_reduction <add>, %get3A_3, %reduce_sum3A [0] : vector<32x128xf32> to vector<128xf32>
    %broadcast_in_dim3A = vector.shape_cast %reduce_sum3A_4 : vector<128xf32> to vector<1x128xf32>
    %div3A = arith.constant 8.192000e+04 : f32
    %div3A_5 = vector.broadcast %div3A : f32 to vector<1x128xf32>
    %div3A_6 = arith.divf %broadcast_in_dim3A, %div3A_5 : vector<1x128xf32>
    %get3A_7 = arith.constant 0 : index
    %get3A_8 = arith.constant 0 : index
    %get3A_9 = vector.load %arg1[%get3A_7, %get3A_8] : memref<4096x128xf32, #tpu.memory_space<vmem>>, vector<4096x128xf32>
    %get3A_10 = arith.constant 0 : index
    %get3A_11 = arith.constant 0 : index
    %get3A_12 = vector.load %arg3[%get3A_10, %get3A_11] : memref<1x128xf32, #tpu.memory_space<vmem>>, vector<1x128xf32>
    %sub3A = vector.broadcast %get3A_12 : vector<1x128xf32> to vector<4096x128xf32>
    %sub3A_13 = arith.subf %get3A_9, %sub3A : vector<4096x128xf32>
    %add3A = arith.constant 9.99999974E-6 : f32
    %add3A_14 = vector.broadcast %add3A : f32 to vector<1x128xf32>
    %add3A_15 = arith.addf %div3A_6, %add3A_14 : vector<1x128xf32>
    %sqrt3A = math.sqrt %add3A_15 : vector<1x128xf32>
    %div3A_16 = vector.broadcast %sqrt3A : vector<1x128xf32> to vector<4096x128xf32>
    %div3A_17 = arith.divf %sub3A_13, %div3A_16 : vector<4096x128xf32>
    %get3A_18 = arith.constant 0 : index
    %get3A_19 = arith.constant 0 : index
    %get3A_20 = vector.load %arg4[%get3A_18, %get3A_19] : memref<1x128xf32, #tpu.memory_space<vmem>>, vector<1x128xf32>
    %mul3A = vector.broadcast %get3A_20 : vector<1x128xf32> to vector<4096x128xf32>
    %mul3A_21 = arith.mulf %div3A_17, %mul3A : vector<4096x128xf32>
    %get3A_22 = arith.constant 0 : index
    %get3A_23 = arith.constant 0 : index
    %get3A_24 = vector.load %arg5[%get3A_22, %get3A_23] : memref<1x128xf32, #tpu.memory_space<vmem>>, vector<1x128xf32>
    %add3A_25 = vector.broadcast %get3A_24 : vector<1x128xf32> to vector<4096x128xf32>
    %add3A_26 = arith.addf %mul3A_21, %add3A_25 : vector<4096x128xf32>
    %ge3A = arith.constant 0.000000e+00 : f32
    %ge3A_27 = vector.broadcast %ge3A : f32 to vector<4096x128xf32>
    %ge3A_28 = arith.cmpf oge, %add3A_26, %ge3A_27 : vector<4096x128xf32>
    %mul3A_29 = arith.constant 2.000000e-01 : f32
    %mul3A_30 = vector.broadcast %mul3A_29 : f32 to vector<4096x128xf32>
    %mul3A_31 = arith.mulf %mul3A_30, %add3A_26 : vector<4096x128xf32>
    %select_n3A = arith.select %ge3A_28, %add3A_26, %mul3A_31 : vector<4096x128xi1>, vector<4096x128xf32>
    %swap3A = arith.constant 0 : index
    %swap3A_32 = arith.constant 0 : index
    %swap3A_33 = vector.load %arg6[%swap3A, %swap3A_32] : memref<4096x128xf32, #tpu.memory_space<vmem>>, vector<4096x128xf32>
    tpu.vector_store %arg6[%swap3A, %swap3A_32], %select_n3A {strides = array<i32>} : memref<4096x128xf32, #tpu.memory_space<vmem>>, vector<4096x128xf32>,
    return
  }
  func.func @transform_0(%arg0: i32) -> (i32, i32) {
    %c0_i32 = arith.constant 0 : i32
    %c0_i32_0 = arith.constant 0 : i32
    return %c0_i32, %arg0 : i32, i32
  }
  func.func @transform_1(%arg0: i32) -> (i32, i32, i32) {
    %c0_i32 = arith.constant 0 : i32
    %c0_i32_0 = arith.constant 0 : i32
    %c0_i32_1 = arith.constant 0 : i32
    return %c0_i32, %c0_i32_0, %arg0 : i32, i32, i32
  }
  func.func @transform_2(%arg0: i32) -> (i32, i32) {
    %c0_i32 = arith.constant 0 : i32
    %c0_i32_0 = arith.constant 0 : i32
    return %c0_i32, %arg0 : i32, i32
  }
  func.func @transform_3(%arg0: i32) -> (i32, i32) {
    %c0_i32 = arith.constant 0 : i32
    %c0_i32_0 = arith.constant 0 : i32
    return %c0_i32, %arg0 : i32, i32
  }
  func.func @transform_4(%arg0: i32) -> (i32, i32) {
    %c0_i32 = arith.constant 0 : i32
    %c0_i32_0 = arith.constant 0 : i32
    return %c0_i32, %arg0 : i32, i32
  }
  func.func @transform_5(%arg0: i32) -> (i32, i32) {
    %c0_i32 = arith.constant 0 : i32
    %c0_i32_0 = arith.constant 0 : i32
    return %c0_i32, %arg0 : i32, i32
  }
}

module attributes {stable_mosaic.version = 14 : i64} {
  func.func @_head_body(%arg0: memref<4x1024x512xf32, #tpu.memory_space<vmem>>, %arg1: memref<512x1024xf32, #tpu.memory_space<vmem>>, %arg2: memref<1x1024xf32, #tpu.memory_space<vmem>>, %arg3: memref<1x1024xf32, #tpu.memory_space<vmem>>, %arg4: memref<2048x256xf32, #tpu.memory_space<vmem>>, %arg5: memref<1x256xf32, #tpu.memory_space<vmem>>, %arg6: memref<1x256xf32, #tpu.memory_space<vmem>>, %arg7: memref<256x128xf32, #tpu.memory_space<vmem>>, %arg8: memref<1x128xf32, #tpu.memory_space<vmem>>, %arg9: memref<1x128xf32, #tpu.memory_space<vmem>>, %arg10: memref<128x64xf32, #tpu.memory_space<vmem>>, %arg11: memref<64x32xf32, #tpu.memory_space<vmem>>, %arg12: memref<1x32xf32, #tpu.memory_space<vmem>>, %arg13: memref<1x32xf32, #tpu.memory_space<vmem>>, %arg14: memref<32x90xf32, #tpu.memory_space<vmem>>, %arg15: memref<4x90xf32, #tpu.memory_space<vmem>>, %arg16: memref<4x1024x1024xf32, #tpu.memory_space<vmem>>) attributes {dimension_semantics = [], scalar_prefetch = 0 : i64, scratch_operands = 1 : i64, tpu.core_type = #tpu.core_type<tc>} {
    %get3A = arith.constant 0 : index
    %get3A_0 = arith.constant 0 : index
    %get3A_1 = vector.load %arg1[%get3A, %get3A_0] : memref<512x1024xf32, #tpu.memory_space<vmem>>, vector<512x1024xf32>
    %convert_element_type3A = arith.truncf %get3A_1 : vector<512x1024xf32> to vector<512x1024xbf16>
    %broadcast_in_dim3A = arith.constant 0.000000e+00 : f32
    %broadcast_in_dim3A_2 = vector.broadcast %broadcast_in_dim3A : f32 to vector<1x1024xf32>
    %get3A_3 = arith.constant 0 : index
    %get3A_4 = arith.constant 0 : index
    %get3A_5 = arith.constant 0 : index
    %get3A_6 = vector.load %arg0[%get3A_3, %get3A_4, %get3A_5] : memref<4x1024x512xf32, #tpu.memory_space<vmem>>, vector<1x1024x512xf32>
    %get3A_7 = vector.shape_cast %get3A_6 : vector<1x1024x512xf32> to vector<1024x512xf32>
    %convert_element_type3A_8 = arith.truncf %get3A_7 : vector<1024x512xf32> to vector<1024x512xbf16>
    %dot_general3A = arith.constant dense<0.000000e+00> : vector<1024x1024xf32>
    %dot_general3A_9 = tpu.matmul %convert_element_type3A_8, %convert_element_type3A, %dot_general3A {dimension_numbers = #tpu.dot_dimension_numbers<[1], [0], [0], [1], [0, 0, 1, 1], [], []>, transpose_lhs_hint = false} : vector<1024x512xbf16>, vector<512x1024xbf16>, vector<1024x1024xf32> -> vector<1024x1024xf32>
    %swap3A = arith.constant 0 : index
    %swap3A_10 = arith.constant 0 : index
    %swap3A_11 = arith.constant 0 : index
    %swap3A_12 = vector.load %arg16[%swap3A, %swap3A_10, %swap3A_11] : memref<4x1024x1024xf32, #tpu.memory_space<vmem>>, vector<1x1024x1024xf32>
    %swap3A_13 = vector.shape_cast %swap3A_12 : vector<1x1024x1024xf32> to vector<1024x1024xf32>
    %swap3A_14 = vector.shape_cast %dot_general3A_9 : vector<1024x1024xf32> to vector<1x1024x1024xf32>
    tpu.vector_store %arg16[%swap3A, %swap3A_10, %swap3A_11], %swap3A_14 {strides = array<i32>} : memref<4x1024x1024xf32, #tpu.memory_space<vmem>>, vector<1x1024x1024xf32>,
    %reduce_sum3A = arith.constant dense<0.000000e+00> : vector<1024xf32>
    %reduce_sum3A_15 = vector.multi_reduction <add>, %dot_general3A_9, %reduce_sum3A [0] : vector<1024x1024xf32> to vector<1024xf32>
    %broadcast_in_dim3A_16 = vector.shape_cast %reduce_sum3A_15 : vector<1024xf32> to vector<1x1024xf32>
    %add3A = arith.addf %broadcast_in_dim3A_2, %broadcast_in_dim3A_16 : vector<1x1024xf32>
    %get3A_17 = arith.constant 1 : index
    %get3A_18 = arith.constant 0 : index
    %get3A_19 = arith.constant 0 : index
    %get3A_20 = vector.load %arg0[%get3A_17, %get3A_18, %get3A_19] : memref<4x1024x512xf32, #tpu.memory_space<vmem>>, vector<1x1024x512xf32>
    %get3A_21 = vector.shape_cast %get3A_20 : vector<1x1024x512xf32> to vector<1024x512xf32>
    %convert_element_type3A_22 = arith.truncf %get3A_21 : vector<1024x512xf32> to vector<1024x512xbf16>
    %dot_general3A_23 = arith.constant dense<0.000000e+00> : vector<1024x1024xf32>
    %dot_general3A_24 = tpu.matmul %convert_element_type3A_22, %convert_element_type3A, %dot_general3A_23 {dimension_numbers = #tpu.dot_dimension_numbers<[1], [0], [0], [1], [0, 0, 1, 1], [], []>, transpose_lhs_hint = false} : vector<1024x512xbf16>, vector<512x1024xbf16>, vector<1024x1024xf32> -> vector<1024x1024xf32>
    %swap3A_25 = arith.constant 1 : index
    %swap3A_26 = arith.constant 0 : index
    %swap3A_27 = arith.constant 0 : index
    %swap3A_28 = vector.load %arg16[%swap3A_25, %swap3A_26, %swap3A_27] : memref<4x1024x1024xf32, #tpu.memory_space<vmem>>, vector<1x1024x1024xf32>
    %swap3A_29 = vector.shape_cast %swap3A_28 : vector<1x1024x1024xf32> to vector<1024x1024xf32>
    %swap3A_30 = vector.shape_cast %dot_general3A_24 : vector<1024x1024xf32> to vector<1x1024x1024xf32>
    tpu.vector_store %arg16[%swap3A_25, %swap3A_26, %swap3A_27], %swap3A_30 {strides = array<i32>} : memref<4x1024x1024xf32, #tpu.memory_space<vmem>>, vector<1x1024x1024xf32>,
    %reduce_sum3A_31 = arith.constant dense<0.000000e+00> : vector<1024xf32>
    %reduce_sum3A_32 = vector.multi_reduction <add>, %dot_general3A_24, %reduce_sum3A_31 [0] : vector<1024x1024xf32> to vector<1024xf32>
    %broadcast_in_dim3A_33 = vector.shape_cast %reduce_sum3A_32 : vector<1024xf32> to vector<1x1024xf32>
    %add3A_34 = arith.addf %add3A, %broadcast_in_dim3A_33 : vector<1x1024xf32>
    %get3A_35 = arith.constant 2 : index
    %get3A_36 = arith.constant 0 : index
    %get3A_37 = arith.constant 0 : index
    %get3A_38 = vector.load %arg0[%get3A_35, %get3A_36, %get3A_37] : memref<4x1024x512xf32, #tpu.memory_space<vmem>>, vector<1x1024x512xf32>
    %get3A_39 = vector.shape_cast %get3A_38 : vector<1x1024x512xf32> to vector<1024x512xf32>
    %convert_element_type3A_40 = arith.truncf %get3A_39 : vector<1024x512xf32> to vector<1024x512xbf16>
    %dot_general3A_41 = arith.constant dense<0.000000e+00> : vector<1024x1024xf32>
    %dot_general3A_42 = tpu.matmul %convert_element_type3A_40, %convert_element_type3A, %dot_general3A_41 {dimension_numbers = #tpu.dot_dimension_numbers<[1], [0], [0], [1], [0, 0, 1, 1], [], []>, transpose_lhs_hint = false} : vector<1024x512xbf16>, vector<512x1024xbf16>, vector<1024x1024xf32> -> vector<1024x1024xf32>
    %swap3A_43 = arith.constant 2 : index
    %swap3A_44 = arith.constant 0 : index
    %swap3A_45 = arith.constant 0 : index
    %swap3A_46 = vector.load %arg16[%swap3A_43, %swap3A_44, %swap3A_45] : memref<4x1024x1024xf32, #tpu.memory_space<vmem>>, vector<1x1024x1024xf32>
    %swap3A_47 = vector.shape_cast %swap3A_46 : vector<1x1024x1024xf32> to vector<1024x1024xf32>
    %swap3A_48 = vector.shape_cast %dot_general3A_42 : vector<1024x1024xf32> to vector<1x1024x1024xf32>
    tpu.vector_store %arg16[%swap3A_43, %swap3A_44, %swap3A_45], %swap3A_48 {strides = array<i32>} : memref<4x1024x1024xf32, #tpu.memory_space<vmem>>, vector<1x1024x1024xf32>,
    %reduce_sum3A_49 = arith.constant dense<0.000000e+00> : vector<1024xf32>
    %reduce_sum3A_50 = vector.multi_reduction <add>, %dot_general3A_42, %reduce_sum3A_49 [0] : vector<1024x1024xf32> to vector<1024xf32>
    %broadcast_in_dim3A_51 = vector.shape_cast %reduce_sum3A_50 : vector<1024xf32> to vector<1x1024xf32>
    %add3A_52 = arith.addf %add3A_34, %broadcast_in_dim3A_51 : vector<1x1024xf32>
    %get3A_53 = arith.constant 3 : index
    %get3A_54 = arith.constant 0 : index
    %get3A_55 = arith.constant 0 : index
    %get3A_56 = vector.load %arg0[%get3A_53, %get3A_54, %get3A_55] : memref<4x1024x512xf32, #tpu.memory_space<vmem>>, vector<1x1024x512xf32>
    %get3A_57 = vector.shape_cast %get3A_56 : vector<1x1024x512xf32> to vector<1024x512xf32>
    %convert_element_type3A_58 = arith.truncf %get3A_57 : vector<1024x512xf32> to vector<1024x512xbf16>
    %dot_general3A_59 = arith.constant dense<0.000000e+00> : vector<1024x1024xf32>
    %dot_general3A_60 = tpu.matmul %convert_element_type3A_58, %convert_element_type3A, %dot_general3A_59 {dimension_numbers = #tpu.dot_dimension_numbers<[1], [0], [0], [1], [0, 0, 1, 1], [], []>, transpose_lhs_hint = false} : vector<1024x512xbf16>, vector<512x1024xbf16>, vector<1024x1024xf32> -> vector<1024x1024xf32>
    %swap3A_61 = arith.constant 3 : index
    %swap3A_62 = arith.constant 0 : index
    %swap3A_63 = arith.constant 0 : index
    %swap3A_64 = vector.load %arg16[%swap3A_61, %swap3A_62, %swap3A_63] : memref<4x1024x1024xf32, #tpu.memory_space<vmem>>, vector<1x1024x1024xf32>
    %swap3A_65 = vector.shape_cast %swap3A_64 : vector<1x1024x1024xf32> to vector<1024x1024xf32>
    %swap3A_66 = vector.shape_cast %dot_general3A_60 : vector<1024x1024xf32> to vector<1x1024x1024xf32>
    tpu.vector_store %arg16[%swap3A_61, %swap3A_62, %swap3A_63], %swap3A_66 {strides = array<i32>} : memref<4x1024x1024xf32, #tpu.memory_space<vmem>>, vector<1x1024x1024xf32>,
    %reduce_sum3A_67 = arith.constant dense<0.000000e+00> : vector<1024xf32>
    %reduce_sum3A_68 = vector.multi_reduction <add>, %dot_general3A_60, %reduce_sum3A_67 [0] : vector<1024x1024xf32> to vector<1024xf32>
    %broadcast_in_dim3A_69 = vector.shape_cast %reduce_sum3A_68 : vector<1024xf32> to vector<1x1024xf32>
    %add3A_70 = arith.addf %add3A_52, %broadcast_in_dim3A_69 : vector<1x1024xf32>
    %div3A = arith.constant 4.096000e+03 : f32
    %div3A_71 = vector.broadcast %div3A : f32 to vector<1x1024xf32>
    %div3A_72 = arith.divf %add3A_70, %div3A_71 : vector<1x1024xf32>
    %broadcast_in_dim3A_73 = arith.constant 0.000000e+00 : f32
    %broadcast_in_dim3A_74 = vector.broadcast %broadcast_in_dim3A_73 : f32 to vector<1x1024xf32>
    %get3A_75 = arith.constant 0 : index
    %get3A_76 = arith.constant 0 : index
    %get3A_77 = arith.constant 0 : index
    %get3A_78 = vector.load %arg16[%get3A_75, %get3A_76, %get3A_77] : memref<4x1024x1024xf32, #tpu.memory_space<vmem>>, vector<1x1024x1024xf32>
    %get3A_79 = vector.shape_cast %get3A_78 : vector<1x1024x1024xf32> to vector<1024x1024xf32>
    %sub3A = vector.broadcast %div3A_72 : vector<1x1024xf32> to vector<1024x1024xf32>
    %sub3A_80 = arith.subf %get3A_79, %sub3A : vector<1024x1024xf32>
    %mul3A = arith.mulf %sub3A_80, %sub3A_80 : vector<1024x1024xf32>
    %reduce_sum3A_81 = arith.constant dense<0.000000e+00> : vector<1024xf32>
    %reduce_sum3A_82 = vector.multi_reduction <add>, %mul3A, %reduce_sum3A_81 [0] : vector<1024x1024xf32> to vector<1024xf32>
    %broadcast_in_dim3A_83 = vector.shape_cast %reduce_sum3A_82 : vector<1024xf32> to vector<1x1024xf32>
    %add3A_84 = arith.addf %broadcast_in_dim3A_74, %broadcast_in_dim3A_83 : vector<1x1024xf32>
    %get3A_85 = arith.constant 1 : index
    %get3A_86 = arith.constant 0 : index
    %get3A_87 = arith.constant 0 : index
    %get3A_88 = vector.load %arg16[%get3A_85, %get3A_86, %get3A_87] : memref<4x1024x1024xf32, #tpu.memory_space<vmem>>, vector<1x1024x1024xf32>
    %get3A_89 = vector.shape_cast %get3A_88 : vector<1x1024x1024xf32> to vector<1024x1024xf32>
    %sub3A_90 = vector.broadcast %div3A_72 : vector<1x1024xf32> to vector<1024x1024xf32>
    %sub3A_91 = arith.subf %get3A_89, %sub3A_90 : vector<1024x1024xf32>
    %mul3A_92 = arith.mulf %sub3A_91, %sub3A_91 : vector<1024x1024xf32>
    %reduce_sum3A_93 = arith.constant dense<0.000000e+00> : vector<1024xf32>
    %reduce_sum3A_94 = vector.multi_reduction <add>, %mul3A_92, %reduce_sum3A_93 [0] : vector<1024x1024xf32> to vector<1024xf32>
    %broadcast_in_dim3A_95 = vector.shape_cast %reduce_sum3A_94 : vector<1024xf32> to vector<1x1024xf32>
    %add3A_96 = arith.addf %add3A_84, %broadcast_in_dim3A_95 : vector<1x1024xf32>
    %get3A_97 = arith.constant 2 : index
    %get3A_98 = arith.constant 0 : index
    %get3A_99 = arith.constant 0 : index
    %get3A_100 = vector.load %arg16[%get3A_97, %get3A_98, %get3A_99] : memref<4x1024x1024xf32, #tpu.memory_space<vmem>>, vector<1x1024x1024xf32>
    %get3A_101 = vector.shape_cast %get3A_100 : vector<1x1024x1024xf32> to vector<1024x1024xf32>
    %sub3A_102 = vector.broadcast %div3A_72 : vector<1x1024xf32> to vector<1024x1024xf32>
    %sub3A_103 = arith.subf %get3A_101, %sub3A_102 : vector<1024x1024xf32>
    %mul3A_104 = arith.mulf %sub3A_103, %sub3A_103 : vector<1024x1024xf32>
    %reduce_sum3A_105 = arith.constant dense<0.000000e+00> : vector<1024xf32>
    %reduce_sum3A_106 = vector.multi_reduction <add>, %mul3A_104, %reduce_sum3A_105 [0] : vector<1024x1024xf32> to vector<1024xf32>
    %broadcast_in_dim3A_107 = vector.shape_cast %reduce_sum3A_106 : vector<1024xf32> to vector<1x1024xf32>
    %add3A_108 = arith.addf %add3A_96, %broadcast_in_dim3A_107 : vector<1x1024xf32>
    %get3A_109 = arith.constant 3 : index
    %get3A_110 = arith.constant 0 : index
    %get3A_111 = arith.constant 0 : index
    %get3A_112 = vector.load %arg16[%get3A_109, %get3A_110, %get3A_111] : memref<4x1024x1024xf32, #tpu.memory_space<vmem>>, vector<1x1024x1024xf32>
    %get3A_113 = vector.shape_cast %get3A_112 : vector<1x1024x1024xf32> to vector<1024x1024xf32>
    %sub3A_114 = vector.broadcast %div3A_72 : vector<1x1024xf32> to vector<1024x1024xf32>
    %sub3A_115 = arith.subf %get3A_113, %sub3A_114 : vector<1024x1024xf32>
    %mul3A_116 = arith.mulf %sub3A_115, %sub3A_115 : vector<1024x1024xf32>
    %reduce_sum3A_117 = arith.constant dense<0.000000e+00> : vector<1024xf32>
    %reduce_sum3A_118 = vector.multi_reduction <add>, %mul3A_116, %reduce_sum3A_117 [0] : vector<1024x1024xf32> to vector<1024xf32>
    %broadcast_in_dim3A_119 = vector.shape_cast %reduce_sum3A_118 : vector<1024xf32> to vector<1x1024xf32>
    %add3A_120 = arith.addf %add3A_108, %broadcast_in_dim3A_119 : vector<1x1024xf32>
    %div3A_121 = arith.constant 4.096000e+03 : f32
    %div3A_122 = vector.broadcast %div3A_121 : f32 to vector<1x1024xf32>
    %div3A_123 = arith.divf %add3A_120, %div3A_122 : vector<1x1024xf32>
    %add3A_124 = arith.constant 9.99999974E-6 : f32
    %add3A_125 = vector.broadcast %add3A_124 : f32 to vector<1x1024xf32>
    %add3A_126 = arith.addf %div3A_123, %add3A_125 : vector<1x1024xf32>
    %sqrt3A = math.sqrt %add3A_126 : vector<1x1024xf32>
    %get3A_127 = arith.constant 0 : index
    %get3A_128 = arith.constant 0 : index
    %get3A_129 = arith.constant 0 : index
    %get3A_130 = vector.load %arg16[%get3A_127, %get3A_128, %get3A_129] : memref<4x1024x1024xf32, #tpu.memory_space<vmem>>, vector<1x1024x1024xf32>
    %get3A_131 = vector.shape_cast %get3A_130 : vector<1x1024x1024xf32> to vector<1024x1024xf32>
    %sub3A_132 = vector.broadcast %div3A_72 : vector<1x1024xf32> to vector<1024x1024xf32>
    %sub3A_133 = arith.subf %get3A_131, %sub3A_132 : vector<1024x1024xf32>
    %div3A_134 = vector.broadcast %sqrt3A : vector<1x1024xf32> to vector<1024x1024xf32>
    %div3A_135 = arith.divf %sub3A_133, %div3A_134 : vector<1024x1024xf32>
    %get3A_136 = arith.constant 0 : index
    %get3A_137 = arith.constant 0 : index
    %get3A_138 = vector.load %arg2[%get3A_136, %get3A_137] : memref<1x1024xf32, #tpu.memory_space<vmem>>, vector<1x1024xf32>
    %mul3A_139 = vector.broadcast %get3A_138 : vector<1x1024xf32> to vector<1024x1024xf32>
    %mul3A_140 = arith.mulf %div3A_135, %mul3A_139 : vector<1024x1024xf32>
    %get3A_141 = arith.constant 0 : index
    %get3A_142 = arith.constant 0 : index
    %get3A_143 = vector.load %arg3[%get3A_141, %get3A_142] : memref<1x1024xf32, #tpu.memory_space<vmem>>, vector<1x1024xf32>
    %add3A_144 = vector.broadcast %get3A_143 : vector<1x1024xf32> to vector<1024x1024xf32>
    %add3A_145 = arith.addf %mul3A_140, %add3A_144 : vector<1024x1024xf32>
    %ge3A = arith.constant 0.000000e+00 : f32
    %ge3A_146 = vector.broadcast %ge3A : f32 to vector<1024x1024xf32>
    %ge3A_147 = arith.cmpf oge, %add3A_145, %ge3A_146 : vector<1024x1024xf32>
    %mul3A_148 = arith.constant 2.000000e-01 : f32
    %mul3A_149 = vector.broadcast %mul3A_148 : f32 to vector<1024x1024xf32>
    %mul3A_150 = arith.mulf %mul3A_149, %add3A_145 : vector<1024x1024xf32>
    %select_n3A = arith.select %ge3A_147, %add3A_145, %mul3A_150 : vector<1024x1024xi1>, vector<1024x1024xf32>
    %reduce_max3A = arith.constant dense<0xFF800000> : vector<1024xf32>
    %reduce_max3A_151 = vector.multi_reduction <maximumf>, %select_n3A, %reduce_max3A [0] : vector<1024x1024xf32> to vector<1024xf32>
    %broadcast_in_dim3A_152 = vector.shape_cast %reduce_max3A_151 : vector<1024xf32> to vector<1x1024xf32>
    %reduce_sum3A_153 = arith.constant dense<0.000000e+00> : vector<1024xf32>
    %reduce_sum3A_154 = vector.multi_reduction <add>, %select_n3A, %reduce_sum3A_153 [0] : vector<1024x1024xf32> to vector<1024xf32>
    %broadcast_in_dim3A_155 = vector.shape_cast %reduce_sum3A_154 : vector<1024xf32> to vector<1x1024xf32>
    %mul3A_156 = arith.constant 9.765625E-4 : f32
    %mul3A_157 = vector.broadcast %mul3A_156 : f32 to vector<1x1024xf32>
    %mul3A_158 = arith.mulf %broadcast_in_dim3A_155, %mul3A_157 : vector<1x1024xf32>
    %concatenate3A = tpu.concatenate %broadcast_in_dim3A_152, %mul3A_158 in 1 : vector<1x1024xf32>, vector<1x1024xf32> -> vector<1x2048xf32>
    %get3A_159 = arith.constant 1 : index
    %get3A_160 = arith.constant 0 : index
    %get3A_161 = arith.constant 0 : index
    %get3A_162 = vector.load %arg16[%get3A_159, %get3A_160, %get3A_161] : memref<4x1024x1024xf32, #tpu.memory_space<vmem>>, vector<1x1024x1024xf32>
    %get3A_163 = vector.shape_cast %get3A_162 : vector<1x1024x1024xf32> to vector<1024x1024xf32>
    %sub3A_164 = vector.broadcast %div3A_72 : vector<1x1024xf32> to vector<1024x1024xf32>
    %sub3A_165 = arith.subf %get3A_163, %sub3A_164 : vector<1024x1024xf32>
    %div3A_166 = vector.broadcast %sqrt3A : vector<1x1024xf32> to vector<1024x1024xf32>
    %div3A_167 = arith.divf %sub3A_165, %div3A_166 : vector<1024x1024xf32>
    %get3A_168 = arith.constant 0 : index
    %get3A_169 = arith.constant 0 : index
    %get3A_170 = vector.load %arg2[%get3A_168, %get3A_169] : memref<1x1024xf32, #tpu.memory_space<vmem>>, vector<1x1024xf32>
    %mul3A_171 = vector.broadcast %get3A_170 : vector<1x1024xf32> to vector<1024x1024xf32>
    %mul3A_172 = arith.mulf %div3A_167, %mul3A_171 : vector<1024x1024xf32>
    %get3A_173 = arith.constant 0 : index
    %get3A_174 = arith.constant 0 : index
    %get3A_175 = vector.load %arg3[%get3A_173, %get3A_174] : memref<1x1024xf32, #tpu.memory_space<vmem>>, vector<1x1024xf32>
    %add3A_176 = vector.broadcast %get3A_175 : vector<1x1024xf32> to vector<1024x1024xf32>
    %add3A_177 = arith.addf %mul3A_172, %add3A_176 : vector<1024x1024xf32>
    %ge3A_178 = arith.constant 0.000000e+00 : f32
    %ge3A_179 = vector.broadcast %ge3A_178 : f32 to vector<1024x1024xf32>
    %ge3A_180 = arith.cmpf oge, %add3A_177, %ge3A_179 : vector<1024x1024xf32>
    %mul3A_181 = arith.constant 2.000000e-01 : f32
    %mul3A_182 = vector.broadcast %mul3A_181 : f32 to vector<1024x1024xf32>
    %mul3A_183 = arith.mulf %mul3A_182, %add3A_177 : vector<1024x1024xf32>
    %select_n3A_184 = arith.select %ge3A_180, %add3A_177, %mul3A_183 : vector<1024x1024xi1>, vector<1024x1024xf32>
    %reduce_max3A_185 = arith.constant dense<0xFF800000> : vector<1024xf32>
    %reduce_max3A_186 = vector.multi_reduction <maximumf>, %select_n3A_184, %reduce_max3A_185 [0] : vector<1024x1024xf32> to vector<1024xf32>
    %broadcast_in_dim3A_187 = vector.shape_cast %reduce_max3A_186 : vector<1024xf32> to vector<1x1024xf32>
    %reduce_sum3A_188 = arith.constant dense<0.000000e+00> : vector<1024xf32>
    %reduce_sum3A_189 = vector.multi_reduction <add>, %select_n3A_184, %reduce_sum3A_188 [0] : vector<1024x1024xf32> to vector<1024xf32>
    %broadcast_in_dim3A_190 = vector.shape_cast %reduce_sum3A_189 : vector<1024xf32> to vector<1x1024xf32>
    %mul3A_191 = arith.constant 9.765625E-4 : f32
    %mul3A_192 = vector.broadcast %mul3A_191 : f32 to vector<1x1024xf32>
    %mul3A_193 = arith.mulf %broadcast_in_dim3A_190, %mul3A_192 : vector<1x1024xf32>
    %concatenate3A_194 = tpu.concatenate %broadcast_in_dim3A_187, %mul3A_193 in 1 : vector<1x1024xf32>, vector<1x1024xf32> -> vector<1x2048xf32>
    %get3A_195 = arith.constant 2 : index
    %get3A_196 = arith.constant 0 : index
    %get3A_197 = arith.constant 0 : index
    %get3A_198 = vector.load %arg16[%get3A_195, %get3A_196, %get3A_197] : memref<4x1024x1024xf32, #tpu.memory_space<vmem>>, vector<1x1024x1024xf32>
    %get3A_199 = vector.shape_cast %get3A_198 : vector<1x1024x1024xf32> to vector<1024x1024xf32>
    %sub3A_200 = vector.broadcast %div3A_72 : vector<1x1024xf32> to vector<1024x1024xf32>
    %sub3A_201 = arith.subf %get3A_199, %sub3A_200 : vector<1024x1024xf32>
    %div3A_202 = vector.broadcast %sqrt3A : vector<1x1024xf32> to vector<1024x1024xf32>
    %div3A_203 = arith.divf %sub3A_201, %div3A_202 : vector<1024x1024xf32>
    %get3A_204 = arith.constant 0 : index
    %get3A_205 = arith.constant 0 : index
    %get3A_206 = vector.load %arg2[%get3A_204, %get3A_205] : memref<1x1024xf32, #tpu.memory_space<vmem>>, vector<1x1024xf32>
    %mul3A_207 = vector.broadcast %get3A_206 : vector<1x1024xf32> to vector<1024x1024xf32>
    %mul3A_208 = arith.mulf %div3A_203, %mul3A_207 : vector<1024x1024xf32>
    %get3A_209 = arith.constant 0 : index
    %get3A_210 = arith.constant 0 : index
    %get3A_211 = vector.load %arg3[%get3A_209, %get3A_210] : memref<1x1024xf32, #tpu.memory_space<vmem>>, vector<1x1024xf32>
    %add3A_212 = vector.broadcast %get3A_211 : vector<1x1024xf32> to vector<1024x1024xf32>
    %add3A_213 = arith.addf %mul3A_208, %add3A_212 : vector<1024x1024xf32>
    %ge3A_214 = arith.constant 0.000000e+00 : f32
    %ge3A_215 = vector.broadcast %ge3A_214 : f32 to vector<1024x1024xf32>
    %ge3A_216 = arith.cmpf oge, %add3A_213, %ge3A_215 : vector<1024x1024xf32>
    %mul3A_217 = arith.constant 2.000000e-01 : f32
    %mul3A_218 = vector.broadcast %mul3A_217 : f32 to vector<1024x1024xf32>
    %mul3A_219 = arith.mulf %mul3A_218, %add3A_213 : vector<1024x1024xf32>
    %select_n3A_220 = arith.select %ge3A_216, %add3A_213, %mul3A_219 : vector<1024x1024xi1>, vector<1024x1024xf32>
    %reduce_max3A_221 = arith.constant dense<0xFF800000> : vector<1024xf32>
    %reduce_max3A_222 = vector.multi_reduction <maximumf>, %select_n3A_220, %reduce_max3A_221 [0] : vector<1024x1024xf32> to vector<1024xf32>
    %broadcast_in_dim3A_223 = vector.shape_cast %reduce_max3A_222 : vector<1024xf32> to vector<1x1024xf32>
    %reduce_sum3A_224 = arith.constant dense<0.000000e+00> : vector<1024xf32>
    %reduce_sum3A_225 = vector.multi_reduction <add>, %select_n3A_220, %reduce_sum3A_224 [0] : vector<1024x1024xf32> to vector<1024xf32>
    %broadcast_in_dim3A_226 = vector.shape_cast %reduce_sum3A_225 : vector<1024xf32> to vector<1x1024xf32>
    %mul3A_227 = arith.constant 9.765625E-4 : f32
    %mul3A_228 = vector.broadcast %mul3A_227 : f32 to vector<1x1024xf32>
    %mul3A_229 = arith.mulf %broadcast_in_dim3A_226, %mul3A_228 : vector<1x1024xf32>
    %concatenate3A_230 = tpu.concatenate %broadcast_in_dim3A_223, %mul3A_229 in 1 : vector<1x1024xf32>, vector<1x1024xf32> -> vector<1x2048xf32>
    %get3A_231 = arith.constant 3 : index
    %get3A_232 = arith.constant 0 : index
    %get3A_233 = arith.constant 0 : index
    %get3A_234 = vector.load %arg16[%get3A_231, %get3A_232, %get3A_233] : memref<4x1024x1024xf32, #tpu.memory_space<vmem>>, vector<1x1024x1024xf32>
    %get3A_235 = vector.shape_cast %get3A_234 : vector<1x1024x1024xf32> to vector<1024x1024xf32>
    %sub3A_236 = vector.broadcast %div3A_72 : vector<1x1024xf32> to vector<1024x1024xf32>
    %sub3A_237 = arith.subf %get3A_235, %sub3A_236 : vector<1024x1024xf32>
    %div3A_238 = vector.broadcast %sqrt3A : vector<1x1024xf32> to vector<1024x1024xf32>
    %div3A_239 = arith.divf %sub3A_237, %div3A_238 : vector<1024x1024xf32>
    %get3A_240 = arith.constant 0 : index
    %get3A_241 = arith.constant 0 : index
    %get3A_242 = vector.load %arg2[%get3A_240, %get3A_241] : memref<1x1024xf32, #tpu.memory_space<vmem>>, vector<1x1024xf32>
    %mul3A_243 = vector.broadcast %get3A_242 : vector<1x1024xf32> to vector<1024x1024xf32>
    %mul3A_244 = arith.mulf %div3A_239, %mul3A_243 : vector<1024x1024xf32>
    %get3A_245 = arith.constant 0 : index
    %get3A_246 = arith.constant 0 : index
    %get3A_247 = vector.load %arg3[%get3A_245, %get3A_246] : memref<1x1024xf32, #tpu.memory_space<vmem>>, vector<1x1024xf32>
    %add3A_248 = vector.broadcast %get3A_247 : vector<1x1024xf32> to vector<1024x1024xf32>
    %add3A_249 = arith.addf %mul3A_244, %add3A_248 : vector<1024x1024xf32>
    %ge3A_250 = arith.constant 0.000000e+00 : f32
    %ge3A_251 = vector.broadcast %ge3A_250 : f32 to vector<1024x1024xf32>
    %ge3A_252 = arith.cmpf oge, %add3A_249, %ge3A_251 : vector<1024x1024xf32>
    %mul3A_253 = arith.constant 2.000000e-01 : f32
    %mul3A_254 = vector.broadcast %mul3A_253 : f32 to vector<1024x1024xf32>
    %mul3A_255 = arith.mulf %mul3A_254, %add3A_249 : vector<1024x1024xf32>
    %select_n3A_256 = arith.select %ge3A_252, %add3A_249, %mul3A_255 : vector<1024x1024xi1>, vector<1024x1024xf32>
    %reduce_max3A_257 = arith.constant dense<0xFF800000> : vector<1024xf32>
    %reduce_max3A_258 = vector.multi_reduction <maximumf>, %select_n3A_256, %reduce_max3A_257 [0] : vector<1024x1024xf32> to vector<1024xf32>
    %broadcast_in_dim3A_259 = vector.shape_cast %reduce_max3A_258 : vector<1024xf32> to vector<1x1024xf32>
    %reduce_sum3A_260 = arith.constant dense<0.000000e+00> : vector<1024xf32>
    %reduce_sum3A_261 = vector.multi_reduction <add>, %select_n3A_256, %reduce_sum3A_260 [0] : vector<1024x1024xf32> to vector<1024xf32>
    %broadcast_in_dim3A_262 = vector.shape_cast %reduce_sum3A_261 : vector<1024xf32> to vector<1x1024xf32>
    %mul3A_263 = arith.constant 9.765625E-4 : f32
    %mul3A_264 = vector.broadcast %mul3A_263 : f32 to vector<1x1024xf32>
    %mul3A_265 = arith.mulf %broadcast_in_dim3A_262, %mul3A_264 : vector<1x1024xf32>
    %concatenate3A_266 = tpu.concatenate %broadcast_in_dim3A_259, %mul3A_265 in 1 : vector<1x1024xf32>, vector<1x1024xf32> -> vector<1x2048xf32>
    %concatenate3A_267 = tpu.concatenate %concatenate3A, %concatenate3A_194, %concatenate3A_230, %concatenate3A_266 in 0 : vector<1x2048xf32>, vector<1x2048xf32>, vector<1x2048xf32>, vector<1x2048xf32> -> vector<4x2048xf32>
    %get3A_268 = arith.constant 0 : index
    %get3A_269 = arith.constant 0 : index
    %get3A_270 = vector.load %arg4[%get3A_268, %get3A_269] : memref<2048x256xf32, #tpu.memory_space<vmem>>, vector<2048x256xf32>
    %convert_element_type3A_271 = arith.truncf %concatenate3A_267 : vector<4x2048xf32> to vector<4x2048xbf16>
    %convert_element_type3A_272 = arith.truncf %get3A_270 : vector<2048x256xf32> to vector<2048x256xbf16>
    %dot_general3A_273 = arith.constant dense<0.000000e+00> : vector<4x256xf32>
    %dot_general3A_274 = tpu.matmul %convert_element_type3A_271, %convert_element_type3A_272, %dot_general3A_273 {dimension_numbers = #tpu.dot_dimension_numbers<[1], [0], [0], [1], [0, 0, 1, 1], [], []>, transpose_lhs_hint = false} : vector<4x2048xbf16>, vector<2048x256xbf16>, vector<4x256xf32> -> vector<4x256xf32>
    %get3A_275 = arith.constant 0 : index
    %get3A_276 = arith.constant 0 : index
    %get3A_277 = vector.load %arg5[%get3A_275, %get3A_276] : memref<1x256xf32, #tpu.memory_space<vmem>>, vector<1x256xf32>
    %get3A_278 = arith.constant 0 : index
    %get3A_279 = arith.constant 0 : index
    %get3A_280 = vector.load %arg6[%get3A_278, %get3A_279] : memref<1x256xf32, #tpu.memory_space<vmem>>, vector<1x256xf32>
    %reduce_sum3A_281 = arith.constant dense<0.000000e+00> : vector<256xf32>
    %reduce_sum3A_282 = vector.multi_reduction <add>, %dot_general3A_274, %reduce_sum3A_281 [0] : vector<4x256xf32> to vector<256xf32>
    %broadcast_in_dim3A_283 = vector.shape_cast %reduce_sum3A_282 : vector<256xf32> to vector<1x256xf32>
    %div3A_284 = arith.constant 4.000000e+00 : f32
    %div3A_285 = vector.broadcast %div3A_284 : f32 to vector<1x256xf32>
    %div3A_286 = arith.divf %broadcast_in_dim3A_283, %div3A_285 : vector<1x256xf32>
    %sub3A_287 = vector.broadcast %div3A_286 : vector<1x256xf32> to vector<4x256xf32>
    %sub3A_288 = arith.subf %dot_general3A_274, %sub3A_287 : vector<4x256xf32>
    %sub3A_289 = vector.broadcast %div3A_286 : vector<1x256xf32> to vector<4x256xf32>
    %sub3A_290 = arith.subf %dot_general3A_274, %sub3A_289 : vector<4x256xf32>
    %mul3A_291 = arith.mulf %sub3A_288, %sub3A_290 : vector<4x256xf32>
    %reduce_sum3A_292 = arith.constant dense<0.000000e+00> : vector<256xf32>
    %reduce_sum3A_293 = vector.multi_reduction <add>, %mul3A_291, %reduce_sum3A_292 [0] : vector<4x256xf32> to vector<256xf32>
    %broadcast_in_dim3A_294 = vector.shape_cast %reduce_sum3A_293 : vector<256xf32> to vector<1x256xf32>
    %div3A_295 = arith.constant 4.000000e+00 : f32
    %div3A_296 = vector.broadcast %div3A_295 : f32 to vector<1x256xf32>
    %div3A_297 = arith.divf %broadcast_in_dim3A_294, %div3A_296 : vector<1x256xf32>
    %sub3A_298 = vector.broadcast %div3A_286 : vector<1x256xf32> to vector<4x256xf32>
    %sub3A_299 = arith.subf %dot_general3A_274, %sub3A_298 : vector<4x256xf32>
    %add3A_300 = arith.constant 9.99999974E-6 : f32
    %add3A_301 = vector.broadcast %add3A_300 : f32 to vector<1x256xf32>
    %add3A_302 = arith.addf %div3A_297, %add3A_301 : vector<1x256xf32>
    %sqrt3A_303 = math.sqrt %add3A_302 : vector<1x256xf32>
    %div3A_304 = vector.broadcast %sqrt3A_303 : vector<1x256xf32> to vector<4x256xf32>
    %div3A_305 = arith.divf %sub3A_299, %div3A_304 : vector<4x256xf32>
    %mul3A_306 = vector.broadcast %get3A_277 : vector<1x256xf32> to vector<4x256xf32>
    %mul3A_307 = arith.mulf %div3A_305, %mul3A_306 : vector<4x256xf32>
    %add3A_308 = vector.broadcast %get3A_280 : vector<1x256xf32> to vector<4x256xf32>
    %add3A_309 = arith.addf %mul3A_307, %add3A_308 : vector<4x256xf32>
    %ge3A_310 = arith.constant 0.000000e+00 : f32
    %ge3A_311 = vector.broadcast %ge3A_310 : f32 to vector<4x256xf32>
    %ge3A_312 = arith.cmpf oge, %add3A_309, %ge3A_311 : vector<4x256xf32>
    %mul3A_313 = arith.constant 2.000000e-01 : f32
    %mul3A_314 = vector.broadcast %mul3A_313 : f32 to vector<4x256xf32>
    %mul3A_315 = arith.mulf %mul3A_314, %add3A_309 : vector<4x256xf32>
    %select_n3A_316 = arith.select %ge3A_312, %add3A_309, %mul3A_315 : vector<4x256xi1>, vector<4x256xf32>
    %get3A_317 = arith.constant 0 : index
    %get3A_318 = arith.constant 0 : index
    %get3A_319 = vector.load %arg7[%get3A_317, %get3A_318] : memref<256x128xf32, #tpu.memory_space<vmem>>, vector<256x128xf32>
    %convert_element_type3A_320 = arith.truncf %select_n3A_316 : vector<4x256xf32> to vector<4x256xbf16>
    %convert_element_type3A_321 = arith.truncf %get3A_319 : vector<256x128xf32> to vector<256x128xbf16>
    %dot_general3A_322 = arith.constant dense<0.000000e+00> : vector<4x128xf32>
    %dot_general3A_323 = tpu.matmul %convert_element_type3A_320, %convert_element_type3A_321, %dot_general3A_322 {dimension_numbers = #tpu.dot_dimension_numbers<[1], [0], [0], [1], [0, 0, 1, 1], [], []>, transpose_lhs_hint = false} : vector<4x256xbf16>, vector<256x128xbf16>, vector<4x128xf32> -> vector<4x128xf32>
    %get3A_324 = arith.constant 0 : index
    %get3A_325 = arith.constant 0 : index
    %get3A_326 = vector.load %arg8[%get3A_324, %get3A_325] : memref<1x128xf32, #tpu.memory_space<vmem>>, vector<1x128xf32>
    %get3A_327 = arith.constant 0 : index
    %get3A_328 = arith.constant 0 : index
    %get3A_329 = vector.load %arg9[%get3A_327, %get3A_328] : memref<1x128xf32, #tpu.memory_space<vmem>>, vector<1x128xf32>
    %reduce_sum3A_330 = arith.constant dense<0.000000e+00> : vector<128xf32>
    %reduce_sum3A_331 = vector.multi_reduction <add>, %dot_general3A_323, %reduce_sum3A_330 [0] : vector<4x128xf32> to vector<128xf32>
    %broadcast_in_dim3A_332 = vector.shape_cast %reduce_sum3A_331 : vector<128xf32> to vector<1x128xf32>
    %div3A_333 = arith.constant 4.000000e+00 : f32
    %div3A_334 = vector.broadcast %div3A_333 : f32 to vector<1x128xf32>
    %div3A_335 = arith.divf %broadcast_in_dim3A_332, %div3A_334 : vector<1x128xf32>
    %sub3A_336 = vector.broadcast %div3A_335 : vector<1x128xf32> to vector<4x128xf32>
    %sub3A_337 = arith.subf %dot_general3A_323, %sub3A_336 : vector<4x128xf32>
    %sub3A_338 = vector.broadcast %div3A_335 : vector<1x128xf32> to vector<4x128xf32>
    %sub3A_339 = arith.subf %dot_general3A_323, %sub3A_338 : vector<4x128xf32>
    %mul3A_340 = arith.mulf %sub3A_337, %sub3A_339 : vector<4x128xf32>
    %reduce_sum3A_341 = arith.constant dense<0.000000e+00> : vector<128xf32>
    %reduce_sum3A_342 = vector.multi_reduction <add>, %mul3A_340, %reduce_sum3A_341 [0] : vector<4x128xf32> to vector<128xf32>
    %broadcast_in_dim3A_343 = vector.shape_cast %reduce_sum3A_342 : vector<128xf32> to vector<1x128xf32>
    %div3A_344 = arith.constant 4.000000e+00 : f32
    %div3A_345 = vector.broadcast %div3A_344 : f32 to vector<1x128xf32>
    %div3A_346 = arith.divf %broadcast_in_dim3A_343, %div3A_345 : vector<1x128xf32>
    %sub3A_347 = vector.broadcast %div3A_335 : vector<1x128xf32> to vector<4x128xf32>
    %sub3A_348 = arith.subf %dot_general3A_323, %sub3A_347 : vector<4x128xf32>
    %add3A_349 = arith.constant 9.99999974E-6 : f32
    %add3A_350 = vector.broadcast %add3A_349 : f32 to vector<1x128xf32>
    %add3A_351 = arith.addf %div3A_346, %add3A_350 : vector<1x128xf32>
    %sqrt3A_352 = math.sqrt %add3A_351 : vector<1x128xf32>
    %div3A_353 = vector.broadcast %sqrt3A_352 : vector<1x128xf32> to vector<4x128xf32>
    %div3A_354 = arith.divf %sub3A_348, %div3A_353 : vector<4x128xf32>
    %mul3A_355 = vector.broadcast %get3A_326 : vector<1x128xf32> to vector<4x128xf32>
    %mul3A_356 = arith.mulf %div3A_354, %mul3A_355 : vector<4x128xf32>
    %add3A_357 = vector.broadcast %get3A_329 : vector<1x128xf32> to vector<4x128xf32>
    %add3A_358 = arith.addf %mul3A_356, %add3A_357 : vector<4x128xf32>
    %ge3A_359 = arith.constant 0.000000e+00 : f32
    %ge3A_360 = vector.broadcast %ge3A_359 : f32 to vector<4x128xf32>
    %ge3A_361 = arith.cmpf oge, %add3A_358, %ge3A_360 : vector<4x128xf32>
    %mul3A_362 = arith.constant 2.000000e-01 : f32
    %mul3A_363 = vector.broadcast %mul3A_362 : f32 to vector<4x128xf32>
    %mul3A_364 = arith.mulf %mul3A_363, %add3A_358 : vector<4x128xf32>
    %select_n3A_365 = arith.select %ge3A_361, %add3A_358, %mul3A_364 : vector<4x128xi1>, vector<4x128xf32>
    %get3A_366 = arith.constant 0 : index
    %get3A_367 = arith.constant 0 : index
    %get3A_368 = vector.load %arg10[%get3A_366, %get3A_367] : memref<128x64xf32, #tpu.memory_space<vmem>>, vector<128x64xf32>
    %convert_element_type3A_369 = arith.truncf %select_n3A_365 : vector<4x128xf32> to vector<4x128xbf16>
    %convert_element_type3A_370 = arith.truncf %get3A_368 : vector<128x64xf32> to vector<128x64xbf16>
    %dot_general3A_371 = arith.constant dense<0.000000e+00> : vector<4x64xf32>
    %dot_general3A_372 = tpu.matmul %convert_element_type3A_369, %convert_element_type3A_370, %dot_general3A_371 {dimension_numbers = #tpu.dot_dimension_numbers<[1], [0], [0], [1], [0, 0, 1, 1], [], []>, transpose_lhs_hint = false} : vector<4x128xbf16>, vector<128x64xbf16>, vector<4x64xf32> -> vector<4x64xf32>
    %get3A_373 = arith.constant 0 : index
    %get3A_374 = arith.constant 0 : index
    %get3A_375 = vector.load %arg11[%get3A_373, %get3A_374] : memref<64x32xf32, #tpu.memory_space<vmem>>, vector<64x32xf32>
    %convert_element_type3A_376 = arith.truncf %dot_general3A_372 : vector<4x64xf32> to vector<4x64xbf16>
    %convert_element_type3A_377 = arith.truncf %get3A_375 : vector<64x32xf32> to vector<64x32xbf16>
    %dot_general3A_378 = arith.constant dense<0.000000e+00> : vector<4x32xf32>
    %dot_general3A_379 = tpu.matmul %convert_element_type3A_376, %convert_element_type3A_377, %dot_general3A_378 {dimension_numbers = #tpu.dot_dimension_numbers<[1], [0], [0], [1], [0, 0, 1, 1], [], []>, transpose_lhs_hint = false} : vector<4x64xbf16>, vector<64x32xbf16>, vector<4x32xf32> -> vector<4x32xf32>
    %get3A_380 = arith.constant 0 : index
    %get3A_381 = arith.constant 0 : index
    %get3A_382 = vector.load %arg12[%get3A_380, %get3A_381] : memref<1x32xf32, #tpu.memory_space<vmem>>, vector<1x32xf32>
    %get3A_383 = arith.constant 0 : index
    %get3A_384 = arith.constant 0 : index
    %get3A_385 = vector.load %arg13[%get3A_383, %get3A_384] : memref<1x32xf32, #tpu.memory_space<vmem>>, vector<1x32xf32>
    %reduce_sum3A_386 = arith.constant dense<0.000000e+00> : vector<32xf32>
    %reduce_sum3A_387 = vector.multi_reduction <add>, %dot_general3A_379, %reduce_sum3A_386 [0] : vector<4x32xf32> to vector<32xf32>
    %broadcast_in_dim3A_388 = vector.shape_cast %reduce_sum3A_387 : vector<32xf32> to vector<1x32xf32>
    %div3A_389 = arith.constant 4.000000e+00 : f32
    %div3A_390 = vector.broadcast %div3A_389 : f32 to vector<1x32xf32>
    %div3A_391 = arith.divf %broadcast_in_dim3A_388, %div3A_390 : vector<1x32xf32>
    %sub3A_392 = vector.broadcast %div3A_391 : vector<1x32xf32> to vector<4x32xf32>
    %sub3A_393 = arith.subf %dot_general3A_379, %sub3A_392 : vector<4x32xf32>
    %sub3A_394 = vector.broadcast %div3A_391 : vector<1x32xf32> to vector<4x32xf32>
    %sub3A_395 = arith.subf %dot_general3A_379, %sub3A_394 : vector<4x32xf32>
    %mul3A_396 = arith.mulf %sub3A_393, %sub3A_395 : vector<4x32xf32>
    %reduce_sum3A_397 = arith.constant dense<0.000000e+00> : vector<32xf32>
    %reduce_sum3A_398 = vector.multi_reduction <add>, %mul3A_396, %reduce_sum3A_397 [0] : vector<4x32xf32> to vector<32xf32>
    %broadcast_in_dim3A_399 = vector.shape_cast %reduce_sum3A_398 : vector<32xf32> to vector<1x32xf32>
    %div3A_400 = arith.constant 4.000000e+00 : f32
    %div3A_401 = vector.broadcast %div3A_400 : f32 to vector<1x32xf32>
    %div3A_402 = arith.divf %broadcast_in_dim3A_399, %div3A_401 : vector<1x32xf32>
    %sub3A_403 = vector.broadcast %div3A_391 : vector<1x32xf32> to vector<4x32xf32>
    %sub3A_404 = arith.subf %dot_general3A_379, %sub3A_403 : vector<4x32xf32>
    %add3A_405 = arith.constant 9.99999974E-6 : f32
    %add3A_406 = vector.broadcast %add3A_405 : f32 to vector<1x32xf32>
    %add3A_407 = arith.addf %div3A_402, %add3A_406 : vector<1x32xf32>
    %sqrt3A_408 = math.sqrt %add3A_407 : vector<1x32xf32>
    %div3A_409 = vector.broadcast %sqrt3A_408 : vector<1x32xf32> to vector<4x32xf32>
    %div3A_410 = arith.divf %sub3A_404, %div3A_409 : vector<4x32xf32>
    %mul3A_411 = vector.broadcast %get3A_382 : vector<1x32xf32> to vector<4x32xf32>
    %mul3A_412 = arith.mulf %div3A_410, %mul3A_411 : vector<4x32xf32>
    %add3A_413 = vector.broadcast %get3A_385 : vector<1x32xf32> to vector<4x32xf32>
    %add3A_414 = arith.addf %mul3A_412, %add3A_413 : vector<4x32xf32>
    %mul3A_415 = arith.constant 5.000000e-01 : f32
    %mul3A_416 = vector.broadcast %mul3A_415 : f32 to vector<4x32xf32>
    %mul3A_417 = arith.mulf %add3A_414, %mul3A_416 : vector<4x32xf32>
    %mul3A_418 = arith.constant 0.707106769 : f32
    %mul3A_419 = vector.broadcast %mul3A_418 : f32 to vector<4x32xf32>
    %mul3A_420 = arith.mulf %add3A_414, %mul3A_419 : vector<4x32xf32>
    %abs3A = math.absf %mul3A_420 : vector<4x32xf32>
    %ge3A_421 = arith.constant 0.000000e+00 : f32
    %ge3A_422 = vector.broadcast %ge3A_421 : f32 to vector<4x32xf32>
    %ge3A_423 = arith.cmpf oge, %mul3A_420, %ge3A_422 : vector<4x32xf32>
    %jit3A = arith.constant 1.000000e+00 : f32
    %jit3A_424 = arith.constant -1.000000e+00 : f32
    %broadcast_in_dim3A_425 = vector.broadcast %jit3A : f32 to vector<4x32xf32>
    %broadcast_in_dim3A_426 = vector.broadcast %jit3A_424 : f32 to vector<4x32xf32>
    %select_n3A_427 = arith.select %ge3A_423, %broadcast_in_dim3A_425, %broadcast_in_dim3A_426 : vector<4x32xi1>, vector<4x32xf32>
    %mul3A_428 = arith.constant 0.327591091 : f32
    %mul3A_429 = vector.broadcast %mul3A_428 : f32 to vector<4x32xf32>
    %mul3A_430 = arith.mulf %mul3A_429, %abs3A : vector<4x32xf32>
    %add3A_431 = arith.constant 1.000000e+00 : f32
    %add3A_432 = vector.broadcast %add3A_431 : f32 to vector<4x32xf32>
    %add3A_433 = arith.addf %add3A_432, %mul3A_430 : vector<4x32xf32>
    %div3A_434 = arith.constant 1.000000e+00 : f32
    %div3A_435 = vector.broadcast %div3A_434 : f32 to vector<4x32xf32>
    %div3A_436 = arith.divf %div3A_435, %add3A_433 : vector<4x32xf32>
    %mul3A_437 = arith.constant 1.06140542 : f32
    %mul3A_438 = vector.broadcast %mul3A_437 : f32 to vector<4x32xf32>
    %mul3A_439 = arith.mulf %mul3A_438, %div3A_436 : vector<4x32xf32>
    %sub3A_440 = arith.constant 1.45315206 : f32
    %sub3A_441 = vector.broadcast %sub3A_440 : f32 to vector<4x32xf32>
    %sub3A_442 = arith.subf %mul3A_439, %sub3A_441 : vector<4x32xf32>
    %mul3A_443 = arith.mulf %sub3A_442, %div3A_436 : vector<4x32xf32>
    %add3A_444 = arith.constant 1.42141378 : f32
    %add3A_445 = vector.broadcast %add3A_444 : f32 to vector<4x32xf32>
    %add3A_446 = arith.addf %mul3A_443, %add3A_445 : vector<4x32xf32>
    %mul3A_447 = arith.mulf %add3A_446, %div3A_436 : vector<4x32xf32>
    %sub3A_448 = arith.constant 0.284496725 : f32
    %sub3A_449 = vector.broadcast %sub3A_448 : f32 to vector<4x32xf32>
    %sub3A_450 = arith.subf %mul3A_447, %sub3A_449 : vector<4x32xf32>
    %mul3A_451 = arith.mulf %sub3A_450, %div3A_436 : vector<4x32xf32>
    %add3A_452 = arith.constant 0.254829586 : f32
    %add3A_453 = vector.broadcast %add3A_452 : f32 to vector<4x32xf32>
    %add3A_454 = arith.addf %mul3A_451, %add3A_453 : vector<4x32xf32>
    %mul3A_455 = arith.mulf %add3A_454, %div3A_436 : vector<4x32xf32>
    %neg3A = arith.constant 0.000000e+00 : f32
    %neg3A_456 = vector.broadcast %neg3A : f32 to vector<4x32xf32>
    %neg3A_457 = arith.subf %neg3A_456, %abs3A : vector<4x32xf32>
    %mul3A_458 = arith.mulf %neg3A_457, %abs3A : vector<4x32xf32>
    %exp3A = math.exp %mul3A_458 : vector<4x32xf32>
    %mul3A_459 = arith.mulf %mul3A_455, %exp3A : vector<4x32xf32>
    %sub3A_460 = arith.constant 1.000000e+00 : f32
    %sub3A_461 = vector.broadcast %sub3A_460 : f32 to vector<4x32xf32>
    %sub3A_462 = arith.subf %sub3A_461, %mul3A_459 : vector<4x32xf32>
    %mul3A_463 = arith.mulf %select_n3A_427, %sub3A_462 : vector<4x32xf32>
    %add3A_464 = arith.constant 1.000000e+00 : f32
    %add3A_465 = vector.broadcast %add3A_464 : f32 to vector<4x32xf32>
    %add3A_466 = arith.addf %add3A_465, %mul3A_463 : vector<4x32xf32>
    %mul3A_467 = arith.mulf %mul3A_417, %add3A_466 : vector<4x32xf32>
    %get3A_468 = arith.constant 0 : index
    %get3A_469 = arith.constant 0 : index
    %get3A_470 = vector.load %arg14[%get3A_468, %get3A_469] : memref<32x90xf32, #tpu.memory_space<vmem>>, vector<32x90xf32>
    %convert_element_type3A_471 = arith.truncf %mul3A_467 : vector<4x32xf32> to vector<4x32xbf16>
    %convert_element_type3A_472 = arith.truncf %get3A_470 : vector<32x90xf32> to vector<32x90xbf16>
    %dot_general3A_473 = arith.constant dense<0.000000e+00> : vector<4x90xf32>
    %dot_general3A_474 = tpu.matmul %convert_element_type3A_471, %convert_element_type3A_472, %dot_general3A_473 {dimension_numbers = #tpu.dot_dimension_numbers<[1], [0], [0], [1], [0, 0, 1, 1], [], []>, transpose_lhs_hint = false} : vector<4x32xbf16>, vector<32x90xbf16>, vector<4x90xf32> -> vector<4x90xf32>
    %swap3A_475 = arith.constant 0 : index
    %swap3A_476 = arith.constant 0 : index
    %swap3A_477 = vector.load %arg15[%swap3A_475, %swap3A_476] : memref<4x90xf32, #tpu.memory_space<vmem>>, vector<4x90xf32>
    tpu.vector_store %arg15[%swap3A_475, %swap3A_476], %dot_general3A_474 {strides = array<i32>} : memref<4x90xf32, #tpu.memory_space<vmem>>, vector<4x90xf32>,
    return
  }
}

</mosaic_0001>

<sc_bundles>
// kernel: kernel.27.cloned.1.call-start
scs
__scs_entry_jumppad:
0x0: {  	(pc) =	sbr.rel $0x88, $3  }
0x1: {  	(tag) =	ssettag $0x0;
	lr =	simm.s32 $0x1  }
0x2: {  	[smem:$0x3F86] =	sst lr;
	_ =	strace $0xD0000000  }
0x3: {  	_ = 	snop  }
0x4: {  	_ = 	snop  }
0x5: {  	_ = 	snop  }
0x6: {  	_ = 	snop  }
0x7: {  	_ = 	snop  }
__scs_overlays_trampoline_lowered:
0x8: {  	[smem:$0x3F95] =	sst s0  }
0x9: {  	[smem:$0x3F96] =	sst s1  }
0xa: {  	[smem:$0x3F97] =	sst s2  }
0xb: {  	[smem:$0x3F98] =	sst s3  }
0xc: {  	[smem:$0x3F99] =	sst s4  }
0xd: {  	[smem:$0x3F9A] =	sst s5  }
0xe: {  	[smem:$0x3F9B] =	sst s6  }
0xf: {  	[smem:$0x3F9C] =	sst s7  }
0x10: {  	[smem:$0x3F9D] =	sst s8  }
0x11: {  	[smem:$0x3F9E] =	sst s9;
	s0 =	simm.s32 @!p0 $0x0  }
0x12: {  	s1 =	sld [smem:$0x3F84];
	s0 =	simm.s32 @p0 $0x1  }
0x13: {  	[smem:$0x3F9F] =	sst s0;
	s0 =	simm.s32 @!p1 $0x0  }
0x14: {  	s2 =	sld [smem:$0x3F83];
	s0 =	simm.s32 @p1 $0x1  }
0x15: {  	[smem:$0x3FA0] =	sst s0;
	s0 =	simm.s32 @!p2 $0x0  }
0x16: {  	s3 =	sld [smem:$0x3FDB];
	s0 =	simm.s32 @p2 $0x1  }
0x17: {  	s4 =	simm.s32 $0x1BF5;
	[smem:$0x3FA2] =	sst s0  }
0x18: {  	s0 =	sld [smem:$0x3F85];
	_ =	swait.ge [sflag:s4], $0x0  }
0x19: {  	s7 =	sld [smem:$0x3F86]  }
0x1a: {  	s8 =	sadd.s32 $0xFFFFE003, lr  }
0x1b: {  	s9 =	sadd.s32 $0xFFFFFEF7, lr;
	s5 =	simm.s32 $0xFFFFFFFF;
	p2 =	slt.u32 s8, $0xFFFFF086  }
0x1c: {  	p1 =	slt.u32 s9, $0xF7A;
	s5 =	simm.s32 @!p2 $0x0  }
0x1d: {  	s5 =	simm.s32 @p1 $0x1;
	p0 =	seq.s32 s7, s2  }
0x1e: {  	s7 =	smul.u32 @!p0 $0xF7A, s2;
	p2 =	seq.s32 @!p0 s5, $0x0  }
0x1f: {  	s9 =	smul.u32 $0xF7A, s1;
	s8 =	simm.s32 @!p0 $0x1BF5;
	p2 =	por !p2, p0  }
0x20: {  	[sflag:s8] =	ssyncset.s32 @!p0 $0xFFFFF086;
	s6 =	sadd.s32 @!p0 s3, s7;
	s7 =	simm.s32 @!p0 $0x108  }
0x21: {  	s3 =	sadd.s32 s3, s9;
	s6 =	sadd.s32 @!p0 $0x88, s6;
	s7 =	simm.s32 @p2 $0x1082  }
0x22: {  	[simem:s7], [sflag:s8] =	dma.local @!p0 [hbm:s6], $0xF7A  }
0x23: {  	s9 =	sor.u32 $0xD0000000, s2;
	s6 =	simm.s32 $0x108;
	_ =	swait.ge @!p0 [sflag:s8], $0x0  }
0x24: {  	s3 =	sadd.s32 $0x88, s3;
	s6 =	simm.s32 @!p1 $0x1082;
	[sflag:s4] =	ssyncset.s32 $0xFFFFF086  }
0x25: {  	[simem:s6], [sflag:s4] =	dma.local [hbm:s3], $0xF7A  }
0x26: {  	[smem:$0x3F86] =	sst s1;
	(tag) =	ssettag s2;
	_ =	strace s9  }
0x27: {  	s1 =	sld [smem:$0x3F96]  }
0x28: {  	s2 =	sld [smem:$0x3F97]  }
0x29: {  	s4 =	sld [smem:$0x3F99]  }
0x2a: {  	p0 =	seq.s32 s5, $0x0;
	s5 =	sld [smem:$0x3F9A]  }
0x2b: {  	s6 =	sld [smem:$0x3F9B]  }
0x2c: {  	s7 =	sld [smem:$0x3F9C]  }
0x2d: {  	s3 =	simm.s32 $0x108;
	s8 =	sld [smem:$0x3F9D]  }
0x2e: {  	s3 =	simm.s32 @!p0 $0x1082;
	s9 =	sld [smem:$0x3F9E]  }
0x2f: {  	lr =	sadd.s32 s0, s3;
	s0 =	sld [smem:$0x3F95]  }
0x30: {  	s3 =	sld [smem:$0x3F98]  }
0x31: {  	[smem:$0x3FA1] =	sst s10  }
0x32: {  	s10 =	sld [smem:$0x3F9F];
	_ =	sdelay $0x3  }
0x33: {  	p0 =	seq.s32 s10, $0x1;
	s10 =	sld [smem:$0x3FA1];
	_ =	sdelay $0x3  }
0x34: {  	[smem:$0x3FA1] =	sst s10  }
0x35: {  	s10 =	sld [smem:$0x3FA0];
	_ =	sdelay $0x3  }
0x36: {  	p1 =	seq.s32 s10, $0x1;
	s10 =	sld [smem:$0x3FA1];
	_ =	sdelay $0x3  }
0x37: {  	[smem:$0x3FA1] =	sst s10  }
0x38: {  	s10 =	sld [smem:$0x3FA2]  }
0x39: {  	_ = 	snop;
	(pc) =	sbr.ind lr, $3  }
0x3a: {  	_ = 	snop  }
0x3b: {  	_ = 	snop  }
0x3c: {  	p2 =	seq.s32 s10, $0x1;
	s10 =	sld [smem:$0x3FA1]  }
0x3d: {  	_ =	shalt  }
0x3e: {  	_ =	shalt  }
0x3f: {  	_ =	shalt  }
0x40: {  	_ =	shalt  }
0x41: {  	_ =	shalt  }
0x42: {  	_ =	shalt  }
0x43: {  	_ =	shalt  }
0x44: {  	_ =	shalt  }
0x45: {  	_ =	shalt  }
0x46: {  	_ =	shalt  }
0x47: {  	_ =	shalt  }
0x48: {  	_ =	shalt  }
0x49: {  	_ =	shalt  }
0x4a: {  	_ =	shalt  }
0x4b: {  	_ =	shalt  }
0x4c: {  	_ =	shalt  }
0x4d: {  	_ =	shalt  }
0x4e: {  	_ =	shalt  }
0x4f: {  	_ =	shalt  }
0x50: {  	_ =	shalt  }
0x51: {  	_ =	shalt  }
0x52: {  	_ =	shalt  }
0x53: {  	_ =	shalt  }
0x54: {  	_ =	shalt  }
0x55: {  	_ =	shalt  }
0x56: {  	_ =	shalt  }
0x57: {  	_ =	shalt  }
0x58: {  	_ =	shalt  }
0x59: {  	_ =	shalt  }
0x5a: {  	_ =	shalt  }
0x5b: {  	_ =	shalt  }
0x5c: {  	_ =	shalt  }
0x5d: {  	_ =	shalt  }
0x5e: {  	_ =	shalt  }
0x5f: {  	_ =	shalt  }
0x60: {  	_ =	shalt  }
0x61: {  	_ =	shalt  }
0x62: {  	_ =	shalt  }
0x63: {  	_ =	shalt  }
0x64: {  	_ =	shalt  }
0x65: {  	_ =	shalt  }
0x66: {  	_ =	shalt  }
0x67: {  	_ =	shalt  }
0x68: {  	_ =	shalt  }
0x69: {  	_ =	shalt  }
0x6a: {  	_ =	shalt  }
0x6b: {  	_ =	shalt  }
0x6c: {  	_ =	shalt  }
0x6d: {  	_ =	shalt  }
0x6e: {  	_ =	shalt  }
0x6f: {  	_ =	shalt  }
0x70: {  	_ =	shalt  }
0x71: {  	_ =	shalt  }
0x72: {  	_ =	shalt  }
0x73: {  	_ =	shalt  }
0x74: {  	_ =	shalt  }
0x75: {  	_ =	shalt  }
0x76: {  	_ =	shalt  }
0x77: {  	_ =	shalt  }
0x78: {  	_ =	shalt  }
0x79: {  	_ =	shalt  }
0x7a: {  	_ =	shalt  }
0x7b: {  	_ =	shalt  }
0x7c: {  	_ =	shalt  }
0x7d: {  	_ =	shalt  }
0x7e: {  	_ =	shalt  }
0x7f: {  	_ =	shalt  }
0x80: {  	_ =	shalt  }
0x81: {  	_ =	shalt  }
0x82: {  	_ =	shalt  }
0x83: {  	_ =	shalt  }
0x84: {  	_ =	shalt  }
0x85: {  	_ =	shalt  }
0x86: {  	_ =	shalt  }
0x87: {  	_ =	shalt  }
.Lfunc_end0:
.L_simem_size_0:
called_computation_lowered:
.L_overlay_start_0:
0x88: {  	s2 =	sld [smem:$0x3FD9]  }
0x89: {  	s3 =	sld [smem:$0x3FFE];
	_ =	sdelay $0x1  }
0x8a: {  	s1 =	srdreg.scid  }
0x8b: {  	s0 =	sand.u32 $0x1, s1  }
0x8c: {  	s16 =	sshll.u32 s0, $0xA;
	s2 =	sadd.s32 s3, s2  }
0x8d: {  	s2 =	sadd.s32 s2, s16  }
0x8e: {  	[smem:$0x3FAD] =	sst s2  }
0x8f: {  	_ = 	snop  }
0x90: {  	(tm) =	ssettm $0x1  }
0x91: {  	s17 =	sld [smem:$0x3FFB];
	_ =	sdelay $0x3  }
0x92: {  	_ =	strace s17  }
0x93: {  	s2 =	sld [smem:$0x3FFC];
	_ =	sdelay $0x3  }
0x94: {  	_ =	strace s2  }
0x95: {  	s2 =	sld [smem:$0x3FFD];
	_ =	sdelay $0x3  }
0x96: {  	_ =	strace s2  }
0x97: {  	_ =	strace $0x8FFFFFFF  }
0x98: {  	s18 =	sld [smem:$0x3FDB];
	_ =	sdelay $0x1  }
0x99: {  	s19 =	simm.s32 $_scs_section_size  }
0x9a: {  	s4 =	simm.s32 $_size__tile_overlayer_lowered;
	s5 =	simm.s32 $_tile_overlayer_lowered  }
0x9b: {  	s22 =	simm.s32 $0x1BFF;
	s21 =	sshll.u32 s5, $0x1;
	s2 =	sadd.s32 s19, s18  }
0x9c: {  	s6 =	simm.s32 $0x0;
	s20 =	sshll.u32 s4, $0x1;
	s4 =	sadd.s32 s21, s2  }
0x9d: {  	[timem:s6], [sflag:s22] =	dma.local [hbm:s4], s20  }
0x9e: {  	_ =	swait.ge [sflag:s22], s20  }
0x9f: {  	s3 =	ssub.s32 $0x0, s20;
	[sflag:s22] =	ssyncset.done $0x0  }
0xa0: {  	[sflag:s22] =	ssyncadd.s32 s3;
	_ =	sdelay $0x1  }
0xa1: {  	s23 =	simm.s32 $0x1B8B  }
0xa2: {  	_ =	swait.ge [sflag:s23], $0x1  }
0xa3: {  	[sflag:s23] =	ssyncset.done $0x0  }
0xa4: {  	s25 =	simm.s32 $0x1B8E;
	s24 =	sld [smem:$0x3FFE];
	[sflag:s23] =	ssyncadd.s32 $0xFFFFFFFF  }
0xa5: {  	s26 =	simm.s32 $execute0_lowered;
	[smem:$0x3FD2] =	sst s25  }
0xa6: {  	s4 =	sshll.u32 s26, $0x1;
	_ =	strace $0x80000046;
	[dreg:$0x1] =	wrdreg $0xFFFFFFFF  }
0xa7: {  	s28 =	simm.s32 $_size_execute0_lowered;
	s2 =	sadd.s32 s2, s4;
	[dreg:$0x0] =	wrdreg $0x0  }
0xa8: {  	s4 =	sshll.u32 s28, $0x1;
	[dreg:$0x2] =	wrdreg s2  }
0xa9: {  	[dreg:$0x3] =	wrdreg s4  }
0xaa: {  	[dreg:$0x4] =	wrdreg $0xC0  }
0xab: {  	_ =	task [dreg:s6], $0x5FFFF  }
0xac: {  	[dreg:$0x1] =	wrdreg $0xFFFFFFFF  }
0xad: {  	[dreg:$0x0] =	wrdreg $0x60  }
0xae: {  	[dreg:$0x2] =	wrdreg s24  }
0xaf: {  	[dreg:$0x3] =	wrdreg $0x9  }
0xb0: {  	_ =	task.clear_ibuf [dreg:s6], $0x4FFFF;
	_ =	strace $0x90000046  }
0xb1: {  	s29 =	simm.s32 $0x9;
	_ =	strace $0x80000048  }
0xb2: {  	_ =	swait.ge [sflag:s29], $0x1  }
0xb3: {  	[sflag:s29] =	ssyncadd.s32 $0xFFFFFFFF  }
0xb4: {  	_ =	strace $0x90000048  }
0xb5: {  	_ =	sfence  }
0xb6: {  	s30 =	sld [smem:$0x0];
	_ =	sdelay $0x2  }
0xb7: {  	s31 =	sshll.u32 s1, $0xD;
	s1 =	sshrl.u32 s1, $0x2  }
0xb8: {  	s3 =	sand.u32 $0x4000, s31;
	s1 =	sadd.s32 s1, s30  }
0xb9: {  	s0 =	sor.u32 s3, s0;
	s1 =	sshll.u32 s1, $0x11  }
0xba: {  	s0 =	sor.u32 s1, s0  }
0xbb: {  	s0 =	sadd.s32 $0x8F2B, s0  }
0xbc: {  	[sflag:s0] =	ssyncadd.remote.s32 $0x1  }
0xbd: {  	_ =	sfence.sel $0xFFFF  }
0xbe: {  	[dreg:$0x0] =	wrdreg $0xFFFFFFFF;
	(pc) =	sbr.abs _section_cstart, $3  }
0xbf: {  	[dreg:$0x1] =	wrdreg $0xFFFFFFFF  }
0xc0: {  	_ =	task.clear_ibuf [dreg:s6], $0x2FFFF;
	_ =	strace $0x9FFFFFFF  }
0xc1: {  	(tm) =	ssettm $0x7FFFFFFF  }
tec
execute0_lowered:
.L_overlay_start_1:
0x0: {  	(tag) =	ssettag $0x1  }
0x1: {  	s1 =	srdreg.scid;
	s0 =	stileid.u32  }
0x2: {  	s15 =	sand.u32 $0x1, s1;
	s31 =	sshll.u32 s0, $0x1  }
0x3: {  	s6 =	sor.u32 s15, s31  }
0x4: {  	s9 =	rddreg [dreg:$0x0];
	s3 =	smul.u32 $0x140, s6  }
0x5: {  	s2 =	simm.s32 $0x0;
	s1 =	rddreg [dreg:$0x1]  }
0x6: {  	[smem:$0x7FF] =	sst s2;
	s3 =	sadd.s32 s3, s9  }
0x7: {  	_ =	strace $0x80000047;
	s4 =	sadd.s32 $0x15000, s3;
	s3 =	simm.s32 $0x2  }
0x8: {  	[tilespmem:s2], [sflag:$0x2] =	stream.linear.gather [hbm4b:s4+s2], $0xA00, $0x38;
	[tilespmem:$0x10A00] =	vst v63  }
0x9: {  	s7 =	simm.s32 $0xA00;
	_ =	swait.ge [sflag:s3], $0xA00  }
0xa: {  	s8 =	simm.s32 $0x1;
	s5 =	sadd.s32 $0x5000, s9;
	[sflag:s3] =	ssyncset.done $0x0  }
0xb: {  	s10 =	smul.u32 $0xA000, s6;
	s6 =	simm.s32 $0x200;
	[sflag:s3] =	ssyncadd.s32 $0xFFFFF600  }
0xc: {  	[tilespmem:s7], [sflag:$0x1] =	stream.indirect.gather [hbm4b:s5+s6], $0x80, s2, s6, $0xb8;
	[tilespmem:$0x10A00] =	vst v63  }
0xd: {  	_ =	swait.ge [sflag:s8], $0x10000  }
0xe: {  	s16 =	sadd.s32 s10, s9;
	[sflag:s8] =	ssyncset.done $0x0  }
0xf: {  	s9 =	sadd.s32 $0x17800, s16;
	[sflag:s8] =	ssyncadd.s32 $0xFFFF0000  }
0x10: {  	[hbm4b:s9+s2] =	stream.linear.scatter [tilespmem:s7], [sflag:$0x2], $0x10000, $0x38;
	[tilespmem:$0x10A00] =	vst v63  }
0x11: {  	_ =	swait.ge [sflag:s3], $0x10000  }
0x12: {  	[sflag:s3] =	ssyncset.done $0x0  }
0x13: {  	[sflag:s3] =	ssyncadd.s32 $0xFFFF0000  }
0x14: {  	[tilespmem:s7], [sflag:$0x1] =	stream.indirect.gather [hbm4b:s5+s6], $0x80, s6, s6, $0xb8;
	[tilespmem:$0x10A00] =	vst v63  }
0x15: {  	_ =	swait.ge [sflag:s8], $0x10000  }
0x16: {  	[sflag:s8] =	ssyncset.done $0x0  }
0x17: {  	s10 =	sadd.s32 $0x19800, s16;
	[sflag:s8] =	ssyncadd.s32 $0xFFFF0000  }
0x18: {  	[hbm4b:s10+s2] =	stream.linear.scatter [tilespmem:s7], [sflag:$0x2], $0x10000, $0x38;
	[tilespmem:$0x10A00] =	vst v63  }
0x19: {  	_ =	swait.ge [sflag:s3], $0x10000  }
0x1a: {  	[sflag:s3] =	ssyncset.done $0x0  }
0x1b: {  	s11 =	simm.s32 $0x400;
	[sflag:s3] =	ssyncadd.s32 $0xFFFF0000  }
0x1c: {  	[tilespmem:s7], [sflag:$0x1] =	stream.indirect.gather [hbm4b:s5+s6], $0x80, s11, s6, $0xb8;
	[tilespmem:$0x10A00] =	vst v63  }
0x1d: {  	_ =	swait.ge [sflag:s8], $0x10000  }
0x1e: {  	[sflag:s8] =	ssyncset.done $0x0  }
0x1f: {  	s12 =	sadd.s32 $0x1B800, s16;
	[sflag:s8] =	ssyncadd.s32 $0xFFFF0000  }
0x20: {  	[hbm4b:s12+s2] =	stream.linear.scatter [tilespmem:s7], [sflag:$0x2], $0x10000, $0x38;
	[tilespmem:$0x10A00] =	vst v63  }
0x21: {  	_ =	swait.ge [sflag:s3], $0x10000  }
0x22: {  	[sflag:s3] =	ssyncset.done $0x0  }
0x23: {  	s13 =	simm.s32 $0x600;
	[sflag:s3] =	ssyncadd.s32 $0xFFFF0000  }
0x24: {  	[tilespmem:s7], [sflag:$0x1] =	stream.indirect.gather [hbm4b:s5+s6], $0x80, s13, s6, $0xb8;
	[tilespmem:$0x10A00] =	vst v63  }
0x25: {  	_ =	swait.ge [sflag:s8], $0x10000  }
0x26: {  	[sflag:s8] =	ssyncset.done $0x0  }
0x27: {  	s17 =	ssub.s32 $0x2, s15;
	s14 =	sadd.s32 $0x1D800, s16;
	[sflag:s8] =	ssyncadd.s32 $0xFFFF0000  }
0x28: {  	[hbm4b:s14+s2] =	stream.linear.scatter [tilespmem:s7], [sflag:$0x2], $0x10000, $0x38;
	[tilespmem:$0x10A00] =	vst v63  }
0x29: {  	s18 =	sshrl.u32 s17, $0x1;
	_ =	swait.ge [sflag:s3], $0x10000  }
0x2a: {  	s17 =	ssub.s32 s17, s18;
	[sflag:s3] =	ssyncset.done $0x0  }
0x2b: {  	s15 =	simm.s32 $0x800;
	s17 =	smax.u32 s17, $0x1;
	[sflag:s3] =	ssyncadd.s32 $0xFFFF0000  }
0x2c: {  	[tilespmem:s7], [sflag:$0x1] =	stream.indirect.gather [hbm4b:s5+s6], $0x80, s15, s6, $0xb8;
	[tilespmem:$0x10A00] =	vst v63  }
0x2d: {  	p0 =	sne.s32 s17, $0x1;
	_ =	swait.ge [sflag:s8], $0x10000  }
.Ltmp0:
0x2e: {  	[sflag:s8] =	ssyncset.done $0x0;
	(pc) =	sbr.rel @!p0 .LBB2_2-.Ltmp0, $4  }
0x2f: {  	s16 =	sadd.s32 $0x1F800, s16;
	[sflag:s8] =	ssyncadd.s32 $0xFFFF0000  }
0x30: {  	[hbm4b:s16+s2] =	stream.linear.scatter [tilespmem:s7], [sflag:$0x2], $0x10000, $0x38;
	[tilespmem:$0x10A00] =	vst v63  }
0x31: {  	_ =	swait.ge [sflag:s3], $0x10000  }
0x32: {  	s17 =	sadd.s32 $0xFFFFFFFF, s17;
	[sflag:s3] =	ssyncset.done $0x0  }
.LBB2_1:
0x33: {  	p0 =	sne.s32 s17, $0x1;
	s17 =	sadd.s32 $0xFFFFFFFF, s17;
	[sflag:s3] =	ssyncadd.s32 $0xFFFF0000  }
0x34: {  	[tilespmem:s2], [sflag:$0x2] =	stream.linear.gather [hbm4b:s4+s2], $0xA00, $0x38;
	[tilespmem:$0x10A00] =	vst v63  }
0x35: {  	_ =	swait.ge [sflag:s3], $0xA00  }
0x36: {  	[sflag:s3] =	ssyncset.done $0x0  }
0x37: {  	[sflag:s3] =	ssyncadd.s32 $0xFFFFF600  }
0x38: {  	[tilespmem:s7], [sflag:$0x1] =	stream.indirect.gather [hbm4b:s5+s6], $0x80, s2, s6, $0xb8;
	[tilespmem:$0x10A00] =	vst v63  }
0x39: {  	_ =	swait.ge [sflag:s8], $0x10000  }
0x3a: {  	[sflag:s8] =	ssyncset.done $0x0  }
0x3b: {  	[sflag:s8] =	ssyncadd.s32 $0xFFFF0000  }
0x3c: {  	[hbm4b:s9+s2] =	stream.linear.scatter [tilespmem:s7], [sflag:$0x2], $0x10000, $0x38;
	[tilespmem:$0x10A00] =	vst v63  }
0x3d: {  	_ =	swait.ge [sflag:s3], $0x10000  }
0x3e: {  	[sflag:s3] =	ssyncset.done $0x0  }
0x3f: {  	[sflag:s3] =	ssyncadd.s32 $0xFFFF0000  }
0x40: {  	[tilespmem:s7], [sflag:$0x1] =	stream.indirect.gather [hbm4b:s5+s6], $0x80, s6, s6, $0xb8;
	[tilespmem:$0x10A00] =	vst v63  }
0x41: {  	_ =	swait.ge [sflag:s8], $0x10000  }
0x42: {  	[sflag:s8] =	ssyncset.done $0x0  }
0x43: {  	[sflag:s8] =	ssyncadd.s32 $0xFFFF0000  }
0x44: {  	[hbm4b:s10+s2] =	stream.linear.scatter [tilespmem:s7], [sflag:$0x2], $0x10000, $0x38;
	[tilespmem:$0x10A00] =	vst v63  }
0x45: {  	_ =	swait.ge [sflag:s3], $0x10000  }
0x46: {  	[sflag:s3] =	ssyncset.done $0x0  }
0x47: {  	[sflag:s3] =	ssyncadd.s32 $0xFFFF0000  }
0x48: {  	[tilespmem:s7], [sflag:$0x1] =	stream.indirect.gather [hbm4b:s5+s6], $0x80, s11, s6, $0xb8;
	[tilespmem:$0x10A00] =	vst v63  }
0x49: {  	_ =	swait.ge [sflag:s8], $0x10000  }
0x4a: {  	[sflag:s8] =	ssyncset.done $0x0  }
0x4b: {  	[sflag:s8] =	ssyncadd.s32 $0xFFFF0000  }
0x4c: {  	[hbm4b:s12+s2] =	stream.linear.scatter [tilespmem:s7], [sflag:$0x2], $0x10000, $0x38;
	[tilespmem:$0x10A00] =	vst v63  }
0x4d: {  	_ =	swait.ge [sflag:s3], $0x10000  }
0x4e: {  	[sflag:s3] =	ssyncset.done $0x0  }
0x4f: {  	[sflag:s3] =	ssyncadd.s32 $0xFFFF0000  }
0x50: {  	[tilespmem:s7], [sflag:$0x1] =	stream.indirect.gather [hbm4b:s5+s6], $0x80, s13, s6, $0xb8;
	[tilespmem:$0x10A00] =	vst v63  }
0x51: {  	_ =	swait.ge [sflag:s8], $0x10000  }
0x52: {  	[sflag:s8] =	ssyncset.done $0x0  }
0x53: {  	[sflag:s8] =	ssyncadd.s32 $0xFFFF0000  }
0x54: {  	[hbm4b:s14+s2] =	stream.linear.scatter [tilespmem:s7], [sflag:$0x2], $0x10000, $0x38;
	[tilespmem:$0x10A00] =	vst v63  }
0x55: {  	_ =	swait.ge [sflag:s3], $0x10000  }
0x56: {  	[sflag:s3] =	ssyncset.done $0x0  }
0x57: {  	[sflag:s3] =	ssyncadd.s32 $0xFFFF0000  }
0x58: {  	[tilespmem:s7], [sflag:$0x1] =	stream.indirect.gather [hbm4b:s5+s6], $0x80, s15, s6, $0xb8;
	[tilespmem:$0x10A00] =	vst v63  }
0x59: {  	_ =	swait.ge [sflag:s8], $0x10000  }
.Ltmp1:
0x5a: {  	[sflag:s8] =	ssyncset.done $0x0;
	(pc) =	sbr.rel @p0 .LBB2_1-.Ltmp1, $4  }
0x5b: {  	[sflag:s8] =	ssyncadd.s32 $0xFFFF0000  }
0x5c: {  	[hbm4b:s16+s2] =	stream.linear.scatter [tilespmem:s7], [sflag:$0x2], $0x10000, $0x38;
	[tilespmem:$0x10A00] =	vst v63  }
0x5d: {  	_ =	swait.ge [sflag:s3], $0x10000  }
0x5e: {  	[sflag:s3] =	ssyncset.done $0x0  }
.LBB2_2:
0x5f: {  	[sflag:s3] =	ssyncadd.s32 $0xFFFF0000  }
0x60: {  	_ =	sfence.sel $0x180000  }
0x61: {  	[bflag:$0x0] =	sbarrier.arrive $0xFFFF  }
0x62: {  	p0 =	sne.s32 s0, $0x0;
	_ =	strace $0x90000047  }
0x63: {  	s0 =	sadd.s32 @!p0 $0x100000, s1;
	[bflag:$0x2] =	sbarrier.arrive $0xFFFF  }
0x64: {  	[sflag:s0] =	ssyncadd.tile.s32 @!p0 $0x1;
	_ =	shalt  }
.Lfunc_end2:
_tile_overlayer_lowered:
.L_overlay_start_2:
0x65: {  	(tag) =	ssettag $0x2  }
0x66: {  	s0 =	rddreg [dreg:$0x0];
	s2 =	stileid.u32  }
0x67: {  	s1 =	rddreg [dreg:$0x1];
	p0 =	sne.s32 s2, $0x0  }
0x68: {  	s3 =	rddreg [dreg:$0x2];
	[bflag:$0x3] =	sbarrier.arrive $0xFFFF;
	s2 =	simm.s32 @!p0 $0x1C02  }
0x69: {  	[timem:s3], [sflag:s2] =	dma.local @!p0 [hbm:s0], s1  }
0x6a: {  	s0 =	simm.s32 @!p0 $0x2  }
0x6b: {  	_ =	swait.ge @!p0 [sflag:s0], s1  }
0x6c: {  	s1 =	ssub.s32 @!p0 $0x0, s1;
	[sflag:s0] =	ssyncset.done @!p0 $0x0  }
0x6d: {  	[sflag:s0] =	ssyncadd.s32 @!p0 s1  }
0x6e: {  	[bflag:$0x3] =	sbarrier.arrive $0xFFFF  }
0x6f: {  	_ =	shalt  }

// kernel: kernel.30.cloned.1.call-start
scs
__scs_entry_jumppad:
0x0: {  	(pc) =	sbr.rel $0x88, $3  }
0x1: {  	(tag) =	ssettag $0x0;
	lr =	simm.s32 $0x1  }
0x2: {  	[smem:$0x3F86] =	sst lr;
	_ =	strace $0xD0000000  }
0x3: {  	_ = 	snop  }
0x4: {  	_ = 	snop  }
0x5: {  	_ = 	snop  }
0x6: {  	_ = 	snop  }
0x7: {  	_ = 	snop  }
__scs_overlays_trampoline_lowered:
0x8: {  	[smem:$0x3F95] =	sst s0  }
0x9: {  	[smem:$0x3F96] =	sst s1  }
0xa: {  	[smem:$0x3F97] =	sst s2  }
0xb: {  	[smem:$0x3F98] =	sst s3  }
0xc: {  	[smem:$0x3F99] =	sst s4  }
0xd: {  	[smem:$0x3F9A] =	sst s5  }
0xe: {  	[smem:$0x3F9B] =	sst s6  }
0xf: {  	[smem:$0x3F9C] =	sst s7  }
0x10: {  	[smem:$0x3F9D] =	sst s8  }
0x11: {  	[smem:$0x3F9E] =	sst s9;
	s0 =	simm.s32 @!p0 $0x0  }
0x12: {  	s1 =	sld [smem:$0x3F84];
	s0 =	simm.s32 @p0 $0x1  }
0x13: {  	[smem:$0x3F9F] =	sst s0;
	s0 =	simm.s32 @!p1 $0x0  }
0x14: {  	s2 =	sld [smem:$0x3F83];
	s0 =	simm.s32 @p1 $0x1  }
0x15: {  	[smem:$0x3FA0] =	sst s0;
	s0 =	simm.s32 @!p2 $0x0  }
0x16: {  	s3 =	sld [smem:$0x3FDB];
	s0 =	simm.s32 @p2 $0x1  }
0x17: {  	s4 =	simm.s32 $0x1BF5;
	[smem:$0x3FA2] =	sst s0  }
0x18: {  	s0 =	sld [smem:$0x3F85];
	_ =	swait.ge [sflag:s4], $0x0  }
0x19: {  	s7 =	sld [smem:$0x3F86]  }
0x1a: {  	s8 =	sadd.s32 $0xFFFFE003, lr  }
0x1b: {  	s9 =	sadd.s32 $0xFFFFFEF7, lr;
	s5 =	simm.s32 $0xFFFFFFFF;
	p2 =	slt.u32 s8, $0xFFFFF086  }
0x1c: {  	p1 =	slt.u32 s9, $0xF7A;
	s5 =	simm.s32 @!p2 $0x0  }
0x1d: {  	s5 =	simm.s32 @p1 $0x1;
	p0 =	seq.s32 s7, s2  }
0x1e: {  	s7 =	smul.u32 @!p0 $0xF7A, s2;
	p2 =	seq.s32 @!p0 s5, $0x0  }
0x1f: {  	s9 =	smul.u32 $0xF7A, s1;
	s8 =	simm.s32 @!p0 $0x1BF5;
	p2 =	por !p2, p0  }
0x20: {  	[sflag:s8] =	ssyncset.s32 @!p0 $0xFFFFF086;
	s6 =	sadd.s32 @!p0 s3, s7;
	s7 =	simm.s32 @!p0 $0x108  }
0x21: {  	s3 =	sadd.s32 s3, s9;
	s6 =	sadd.s32 @!p0 $0x88, s6;
	s7 =	simm.s32 @p2 $0x1082  }
0x22: {  	[simem:s7], [sflag:s8] =	dma.local @!p0 [hbm:s6], $0xF7A  }
0x23: {  	s9 =	sor.u32 $0xD0000000, s2;
	s6 =	simm.s32 $0x108;
	_ =	swait.ge @!p0 [sflag:s8], $0x0  }
0x24: {  	s3 =	sadd.s32 $0x88, s3;
	s6 =	simm.s32 @!p1 $0x1082;
	[sflag:s4] =	ssyncset.s32 $0xFFFFF086  }
0x25: {  	[simem:s6], [sflag:s4] =	dma.local [hbm:s3], $0xF7A  }
0x26: {  	[smem:$0x3F86] =	sst s1;
	(tag) =	ssettag s2;
	_ =	strace s9  }
0x27: {  	s1 =	sld [smem:$0x3F96]  }
0x28: {  	s2 =	sld [smem:$0x3F97]  }
0x29: {  	s4 =	sld [smem:$0x3F99]  }
0x2a: {  	p0 =	seq.s32 s5, $0x0;
	s5 =	sld [smem:$0x3F9A]  }
0x2b: {  	s6 =	sld [smem:$0x3F9B]  }
0x2c: {  	s7 =	sld [smem:$0x3F9C]  }
0x2d: {  	s3 =	simm.s32 $0x108;
	s8 =	sld [smem:$0x3F9D]  }
0x2e: {  	s3 =	simm.s32 @!p0 $0x1082;
	s9 =	sld [smem:$0x3F9E]  }
0x2f: {  	lr =	sadd.s32 s0, s3;
	s0 =	sld [smem:$0x3F95]  }
0x30: {  	s3 =	sld [smem:$0x3F98]  }
0x31: {  	[smem:$0x3FA1] =	sst s10  }
0x32: {  	s10 =	sld [smem:$0x3F9F];
	_ =	sdelay $0x3  }
0x33: {  	p0 =	seq.s32 s10, $0x1;
	s10 =	sld [smem:$0x3FA1];
	_ =	sdelay $0x3  }
0x34: {  	[smem:$0x3FA1] =	sst s10  }
0x35: {  	s10 =	sld [smem:$0x3FA0];
	_ =	sdelay $0x3  }
0x36: {  	p1 =	seq.s32 s10, $0x1;
	s10 =	sld [smem:$0x3FA1];
	_ =	sdelay $0x3  }
0x37: {  	[smem:$0x3FA1] =	sst s10  }
0x38: {  	s10 =	sld [smem:$0x3FA2]  }
0x39: {  	_ = 	snop;
	(pc) =	sbr.ind lr, $3  }
0x3a: {  	_ = 	snop  }
0x3b: {  	_ = 	snop  }
0x3c: {  	p2 =	seq.s32 s10, $0x1;
	s10 =	sld [smem:$0x3FA1]  }
0x3d: {  	_ =	shalt  }
0x3e: {  	_ =	shalt  }
0x3f: {  	_ =	shalt  }
0x40: {  	_ =	shalt  }
0x41: {  	_ =	shalt  }
0x42: {  	_ =	shalt  }
0x43: {  	_ =	shalt  }
0x44: {  	_ =	shalt  }
0x45: {  	_ =	shalt  }
0x46: {  	_ =	shalt  }
0x47: {  	_ =	shalt  }
0x48: {  	_ =	shalt  }
0x49: {  	_ =	shalt  }
0x4a: {  	_ =	shalt  }
0x4b: {  	_ =	shalt  }
0x4c: {  	_ =	shalt  }
0x4d: {  	_ =	shalt  }
0x4e: {  	_ =	shalt  }
0x4f: {  	_ =	shalt  }
0x50: {  	_ =	shalt  }
0x51: {  	_ =	shalt  }
0x52: {  	_ =	shalt  }
0x53: {  	_ =	shalt  }
0x54: {  	_ =	shalt  }
0x55: {  	_ =	shalt  }
0x56: {  	_ =	shalt  }
0x57: {  	_ =	shalt  }
0x58: {  	_ =	shalt  }
0x59: {  	_ =	shalt  }
0x5a: {  	_ =	shalt  }
0x5b: {  	_ =	shalt  }
0x5c: {  	_ =	shalt  }
0x5d: {  	_ =	shalt  }
0x5e: {  	_ =	shalt  }
0x5f: {  	_ =	shalt  }
0x60: {  	_ =	shalt  }
0x61: {  	_ =	shalt  }
0x62: {  	_ =	shalt  }
0x63: {  	_ =	shalt  }
0x64: {  	_ =	shalt  }
0x65: {  	_ =	shalt  }
0x66: {  	_ =	shalt  }
0x67: {  	_ =	shalt  }
0x68: {  	_ =	shalt  }
0x69: {  	_ =	shalt  }
0x6a: {  	_ =	shalt  }
0x6b: {  	_ =	shalt  }
0x6c: {  	_ =	shalt  }
0x6d: {  	_ =	shalt  }
0x6e: {  	_ =	shalt  }
0x6f: {  	_ =	shalt  }
0x70: {  	_ =	shalt  }
0x71: {  	_ =	shalt  }
0x72: {  	_ =	shalt  }
0x73: {  	_ =	shalt  }
0x74: {  	_ =	shalt  }
0x75: {  	_ =	shalt  }
0x76: {  	_ =	shalt  }
0x77: {  	_ =	shalt  }
0x78: {  	_ =	shalt  }
0x79: {  	_ =	shalt  }
0x7a: {  	_ =	shalt  }
0x7b: {  	_ =	shalt  }
0x7c: {  	_ =	shalt  }
0x7d: {  	_ =	shalt  }
0x7e: {  	_ =	shalt  }
0x7f: {  	_ =	shalt  }
0x80: {  	_ =	shalt  }
0x81: {  	_ =	shalt  }
0x82: {  	_ =	shalt  }
0x83: {  	_ =	shalt  }
0x84: {  	_ =	shalt  }
0x85: {  	_ =	shalt  }
0x86: {  	_ =	shalt  }
0x87: {  	_ =	shalt  }
.Lfunc_end0:
.L_simem_size_0:
called_computation.1_lowered:
.L_overlay_start_0:
0x88: {  	s2 =	sld [smem:$0x3FD9]  }
0x89: {  	s3 =	sld [smem:$0x3FFE];
	_ =	sdelay $0x1  }
0x8a: {  	s1 =	srdreg.scid  }
0x8b: {  	s0 =	sand.u32 $0x1, s1  }
0x8c: {  	s16 =	sshll.u32 s0, $0xA;
	s2 =	sadd.s32 s3, s2  }
0x8d: {  	s2 =	sadd.s32 s2, s16  }
0x8e: {  	[smem:$0x3FAD] =	sst s2  }
0x8f: {  	_ = 	snop  }
0x90: {  	(tm) =	ssettm $0x1  }
0x91: {  	s17 =	sld [smem:$0x3FFB];
	_ =	sdelay $0x3  }
0x92: {  	_ =	strace s17  }
0x93: {  	s2 =	sld [smem:$0x3FFC];
	_ =	sdelay $0x3  }
0x94: {  	_ =	strace s2  }
0x95: {  	s2 =	sld [smem:$0x3FFD];
	_ =	sdelay $0x3  }
0x96: {  	_ =	strace s2  }
0x97: {  	_ =	strace $0x8FFFFFFF  }
0x98: {  	s18 =	sld [smem:$0x3FDB];
	_ =	sdelay $0x1  }
0x99: {  	s19 =	simm.s32 $_scs_section_size  }
0x9a: {  	s4 =	simm.s32 $_size__tile_overlayer_lowered;
	s5 =	simm.s32 $_tile_overlayer_lowered  }
0x9b: {  	s22 =	simm.s32 $0x1BFF;
	s21 =	sshll.u32 s5, $0x1;
	s2 =	sadd.s32 s19, s18  }
0x9c: {  	s6 =	simm.s32 $0x0;
	s20 =	sshll.u32 s4, $0x1;
	s4 =	sadd.s32 s21, s2  }
0x9d: {  	[timem:s6], [sflag:s22] =	dma.local [hbm:s4], s20  }
0x9e: {  	_ =	swait.ge [sflag:s22], s20  }
0x9f: {  	s3 =	ssub.s32 $0x0, s20;
	[sflag:s22] =	ssyncset.done $0x0  }
0xa0: {  	[sflag:s22] =	ssyncadd.s32 s3;
	_ =	sdelay $0x1  }
0xa1: {  	s23 =	simm.s32 $0x1B8B  }
0xa2: {  	_ =	swait.ge [sflag:s23], $0x1  }
0xa3: {  	[sflag:s23] =	ssyncset.done $0x0  }
0xa4: {  	s25 =	simm.s32 $0x1B8E;
	s24 =	sld [smem:$0x3FFE];
	[sflag:s23] =	ssyncadd.s32 $0xFFFFFFFF  }
0xa5: {  	s26 =	simm.s32 $execute0_lowered;
	[smem:$0x3FD2] =	sst s25  }
0xa6: {  	s4 =	sshll.u32 s26, $0x1;
	_ =	strace $0x80000049;
	[dreg:$0x1] =	wrdreg $0xFFFFFFFF  }
0xa7: {  	s28 =	simm.s32 $_size_execute0_lowered;
	s2 =	sadd.s32 s2, s4;
	[dreg:$0x0] =	wrdreg $0x0  }
0xa8: {  	s4 =	sshll.u32 s28, $0x1;
	[dreg:$0x2] =	wrdreg s2  }
0xa9: {  	[dreg:$0x3] =	wrdreg s4  }
0xaa: {  	[dreg:$0x4] =	wrdreg $0xC0  }
0xab: {  	_ =	task [dreg:s6], $0x5FFFF  }
0xac: {  	[dreg:$0x1] =	wrdreg $0xFFFFFFFF  }
0xad: {  	[dreg:$0x0] =	wrdreg $0x60  }
0xae: {  	[dreg:$0x2] =	wrdreg s24  }
0xaf: {  	[dreg:$0x3] =	wrdreg $0x9  }
0xb0: {  	_ =	task.clear_ibuf [dreg:s6], $0x4FFFF;
	_ =	strace $0x90000049  }
0xb1: {  	s29 =	simm.s32 $0x9;
	_ =	strace $0x8000004B  }
0xb2: {  	_ =	swait.ge [sflag:s29], $0x1  }
0xb3: {  	[sflag:s29] =	ssyncadd.s32 $0xFFFFFFFF  }
0xb4: {  	_ =	strace $0x9000004B  }
0xb5: {  	_ =	sfence  }
0xb6: {  	s30 =	sld [smem:$0x0];
	_ =	sdelay $0x2  }
0xb7: {  	s31 =	sshll.u32 s1, $0xD;
	s1 =	sshrl.u32 s1, $0x2  }
0xb8: {  	s3 =	sand.u32 $0x4000, s31;
	s1 =	sadd.s32 s1, s30  }
0xb9: {  	s0 =	sor.u32 s3, s0;
	s1 =	sshll.u32 s1, $0x11  }
0xba: {  	s0 =	sor.u32 s1, s0  }
0xbb: {  	s0 =	sadd.s32 $0x8F2B, s0  }
0xbc: {  	[sflag:s0] =	ssyncadd.remote.s32 $0x1  }
0xbd: {  	_ =	sfence.sel $0xFFFF  }
0xbe: {  	[dreg:$0x0] =	wrdreg $0xFFFFFFFF;
	(pc) =	sbr.abs _section_cstart, $3  }
0xbf: {  	[dreg:$0x1] =	wrdreg $0xFFFFFFFF  }
0xc0: {  	_ =	task.clear_ibuf [dreg:s6], $0x2FFFF;
	_ =	strace $0x9FFFFFFF  }
0xc1: {  	(tm) =	ssettm $0x7FFFFFFF  }
tec
execute0_lowered:
.L_overlay_start_1:
0x0: {  	(tag) =	ssettag $0x1  }
0x1: {  	s1 =	srdreg.scid;
	s0 =	stileid.u32  }
0x2: {  	s15 =	sand.u32 $0x1, s1;
	s31 =	sshll.u32 s0, $0x1  }
0x3: {  	s6 =	sor.u32 s15, s31  }
0x4: {  	s9 =	rddreg [dreg:$0x0];
	s3 =	smul.u32 $0x140, s6  }
0x5: {  	s2 =	simm.s32 $0x0;
	s1 =	rddreg [dreg:$0x1]  }
0x6: {  	[smem:$0x7FF] =	sst s2;
	s3 =	sadd.s32 s3, s9  }
0x7: {  	_ =	strace $0x8000004A;
	s4 =	sadd.s32 $0x25000, s3;
	s3 =	simm.s32 $0x2  }
0x8: {  	[tilespmem:s2], [sflag:$0x2] =	stream.linear.gather [hbm4b:s4+s2], $0xA00, $0x38;
	[tilespmem:$0x10A00] =	vst v63  }
0x9: {  	s7 =	simm.s32 $0xA00;
	_ =	swait.ge [sflag:s3], $0xA00  }
0xa: {  	s8 =	simm.s32 $0x1;
	s5 =	sadd.s32 $0x15000, s9;
	[sflag:s3] =	ssyncset.done $0x0  }
0xb: {  	s10 =	smul.u32 $0xA000, s6;
	s6 =	simm.s32 $0x200;
	[sflag:s3] =	ssyncadd.s32 $0xFFFFF600  }
0xc: {  	[tilespmem:s7], [sflag:$0x1] =	stream.indirect.gather [hbm4b:s5+s6], $0x80, s2, s6, $0xb8;
	[tilespmem:$0x10A00] =	vst v63  }
0xd: {  	_ =	swait.ge [sflag:s8], $0x10000  }
0xe: {  	s16 =	sadd.s32 s10, s9;
	[sflag:s8] =	ssyncset.done $0x0  }
0xf: {  	s9 =	sadd.s32 $0x27800, s16;
	[sflag:s8] =	ssyncadd.s32 $0xFFFF0000  }
0x10: {  	[hbm4b:s9+s2] =	stream.linear.scatter [tilespmem:s7], [sflag:$0x2], $0x10000, $0x38;
	[tilespmem:$0x10A00] =	vst v63  }
0x11: {  	_ =	swait.ge [sflag:s3], $0x10000  }
0x12: {  	[sflag:s3] =	ssyncset.done $0x0  }
0x13: {  	[sflag:s3] =	ssyncadd.s32 $0xFFFF0000  }
0x14: {  	[tilespmem:s7], [sflag:$0x1] =	stream.indirect.gather [hbm4b:s5+s6], $0x80, s6, s6, $0xb8;
	[tilespmem:$0x10A00] =	vst v63  }
0x15: {  	_ =	swait.ge [sflag:s8], $0x10000  }
0x16: {  	[sflag:s8] =	ssyncset.done $0x0  }
0x17: {  	s10 =	sadd.s32 $0x29800, s16;
	[sflag:s8] =	ssyncadd.s32 $0xFFFF0000  }
0x18: {  	[hbm4b:s10+s2] =	stream.linear.scatter [tilespmem:s7], [sflag:$0x2], $0x10000, $0x38;
	[tilespmem:$0x10A00] =	vst v63  }
0x19: {  	_ =	swait.ge [sflag:s3], $0x10000  }
0x1a: {  	[sflag:s3] =	ssyncset.done $0x0  }
0x1b: {  	s11 =	simm.s32 $0x400;
	[sflag:s3] =	ssyncadd.s32 $0xFFFF0000  }
0x1c: {  	[tilespmem:s7], [sflag:$0x1] =	stream.indirect.gather [hbm4b:s5+s6], $0x80, s11, s6, $0xb8;
	[tilespmem:$0x10A00] =	vst v63  }
0x1d: {  	_ =	swait.ge [sflag:s8], $0x10000  }
0x1e: {  	[sflag:s8] =	ssyncset.done $0x0  }
0x1f: {  	s12 =	sadd.s32 $0x2B800, s16;
	[sflag:s8] =	ssyncadd.s32 $0xFFFF0000  }
0x20: {  	[hbm4b:s12+s2] =	stream.linear.scatter [tilespmem:s7], [sflag:$0x2], $0x10000, $0x38;
	[tilespmem:$0x10A00] =	vst v63  }
0x21: {  	_ =	swait.ge [sflag:s3], $0x10000  }
0x22: {  	[sflag:s3] =	ssyncset.done $0x0  }
0x23: {  	s13 =	simm.s32 $0x600;
	[sflag:s3] =	ssyncadd.s32 $0xFFFF0000  }
0x24: {  	[tilespmem:s7], [sflag:$0x1] =	stream.indirect.gather [hbm4b:s5+s6], $0x80, s13, s6, $0xb8;
	[tilespmem:$0x10A00] =	vst v63  }
0x25: {  	_ =	swait.ge [sflag:s8], $0x10000  }
0x26: {  	[sflag:s8] =	ssyncset.done $0x0  }
0x27: {  	s17 =	ssub.s32 $0x2, s15;
	s14 =	sadd.s32 $0x2D800, s16;
	[sflag:s8] =	ssyncadd.s32 $0xFFFF0000  }
0x28: {  	[hbm4b:s14+s2] =	stream.linear.scatter [tilespmem:s7], [sflag:$0x2], $0x10000, $0x38;
	[tilespmem:$0x10A00] =	vst v63  }
0x29: {  	s18 =	sshrl.u32 s17, $0x1;
	_ =	swait.ge [sflag:s3], $0x10000  }
0x2a: {  	s17 =	ssub.s32 s17, s18;
	[sflag:s3] =	ssyncset.done $0x0  }
0x2b: {  	s15 =	simm.s32 $0x800;
	s17 =	smax.u32 s17, $0x1;
	[sflag:s3] =	ssyncadd.s32 $0xFFFF0000  }
0x2c: {  	[tilespmem:s7], [sflag:$0x1] =	stream.indirect.gather [hbm4b:s5+s6], $0x80, s15, s6, $0xb8;
	[tilespmem:$0x10A00] =	vst v63  }
0x2d: {  	p0 =	sne.s32 s17, $0x1;
	_ =	swait.ge [sflag:s8], $0x10000  }
.Ltmp0:
0x2e: {  	[sflag:s8] =	ssyncset.done $0x0;
	(pc) =	sbr.rel @!p0 .LBB2_2-.Ltmp0, $4  }
0x2f: {  	s16 =	sadd.s32 $0x2F800, s16;
	[sflag:s8] =	ssyncadd.s32 $0xFFFF0000  }
0x30: {  	[hbm4b:s16+s2] =	stream.linear.scatter [tilespmem:s7], [sflag:$0x2], $0x10000, $0x38;
	[tilespmem:$0x10A00] =	vst v63  }
0x31: {  	_ =	swait.ge [sflag:s3], $0x10000  }
0x32: {  	s17 =	sadd.s32 $0xFFFFFFFF, s17;
	[sflag:s3] =	ssyncset.done $0x0  }
.LBB2_1:
0x33: {  	p0 =	sne.s32 s17, $0x1;
	s17 =	sadd.s32 $0xFFFFFFFF, s17;
	[sflag:s3] =	ssyncadd.s32 $0xFFFF0000  }
0x34: {  	[tilespmem:s2], [sflag:$0x2] =	stream.linear.gather [hbm4b:s4+s2], $0xA00, $0x38;
	[tilespmem:$0x10A00] =	vst v63  }
0x35: {  	_ =	swait.ge [sflag:s3], $0xA00  }
0x36: {  	[sflag:s3] =	ssyncset.done $0x0  }
0x37: {  	[sflag:s3] =	ssyncadd.s32 $0xFFFFF600  }
0x38: {  	[tilespmem:s7], [sflag:$0x1] =	stream.indirect.gather [hbm4b:s5+s6], $0x80, s2, s6, $0xb8;
	[tilespmem:$0x10A00] =	vst v63  }
0x39: {  	_ =	swait.ge [sflag:s8], $0x10000  }
0x3a: {  	[sflag:s8] =	ssyncset.done $0x0  }
0x3b: {  	[sflag:s8] =	ssyncadd.s32 $0xFFFF0000  }
0x3c: {  	[hbm4b:s9+s2] =	stream.linear.scatter [tilespmem:s7], [sflag:$0x2], $0x10000, $0x38;
	[tilespmem:$0x10A00] =	vst v63  }
0x3d: {  	_ =	swait.ge [sflag:s3], $0x10000  }
0x3e: {  	[sflag:s3] =	ssyncset.done $0x0  }
0x3f: {  	[sflag:s3] =	ssyncadd.s32 $0xFFFF0000  }
0x40: {  	[tilespmem:s7], [sflag:$0x1] =	stream.indirect.gather [hbm4b:s5+s6], $0x80, s6, s6, $0xb8;
	[tilespmem:$0x10A00] =	vst v63  }
0x41: {  	_ =	swait.ge [sflag:s8], $0x10000  }
0x42: {  	[sflag:s8] =	ssyncset.done $0x0  }
0x43: {  	[sflag:s8] =	ssyncadd.s32 $0xFFFF0000  }
0x44: {  	[hbm4b:s10+s2] =	stream.linear.scatter [tilespmem:s7], [sflag:$0x2], $0x10000, $0x38;
	[tilespmem:$0x10A00] =	vst v63  }
0x45: {  	_ =	swait.ge [sflag:s3], $0x10000  }
0x46: {  	[sflag:s3] =	ssyncset.done $0x0  }
0x47: {  	[sflag:s3] =	ssyncadd.s32 $0xFFFF0000  }
0x48: {  	[tilespmem:s7], [sflag:$0x1] =	stream.indirect.gather [hbm4b:s5+s6], $0x80, s11, s6, $0xb8;
	[tilespmem:$0x10A00] =	vst v63  }
0x49: {  	_ =	swait.ge [sflag:s8], $0x10000  }
0x4a: {  	[sflag:s8] =	ssyncset.done $0x0  }
0x4b: {  	[sflag:s8] =	ssyncadd.s32 $0xFFFF0000  }
0x4c: {  	[hbm4b:s12+s2] =	stream.linear.scatter [tilespmem:s7], [sflag:$0x2], $0x10000, $0x38;
	[tilespmem:$0x10A00] =	vst v63  }
0x4d: {  	_ =	swait.ge [sflag:s3], $0x10000  }
0x4e: {  	[sflag:s3] =	ssyncset.done $0x0  }
0x4f: {  	[sflag:s3] =	ssyncadd.s32 $0xFFFF0000  }
0x50: {  	[tilespmem:s7], [sflag:$0x1] =	stream.indirect.gather [hbm4b:s5+s6], $0x80, s13, s6, $0xb8;
	[tilespmem:$0x10A00] =	vst v63  }
0x51: {  	_ =	swait.ge [sflag:s8], $0x10000  }
0x52: {  	[sflag:s8] =	ssyncset.done $0x0  }
0x53: {  	[sflag:s8] =	ssyncadd.s32 $0xFFFF0000  }
0x54: {  	[hbm4b:s14+s2] =	stream.linear.scatter [tilespmem:s7], [sflag:$0x2], $0x10000, $0x38;
	[tilespmem:$0x10A00] =	vst v63  }
0x55: {  	_ =	swait.ge [sflag:s3], $0x10000  }
0x56: {  	[sflag:s3] =	ssyncset.done $0x0  }
0x57: {  	[sflag:s3] =	ssyncadd.s32 $0xFFFF0000  }
0x58: {  	[tilespmem:s7], [sflag:$0x1] =	stream.indirect.gather [hbm4b:s5+s6], $0x80, s15, s6, $0xb8;
	[tilespmem:$0x10A00] =	vst v63  }
0x59: {  	_ =	swait.ge [sflag:s8], $0x10000  }
.Ltmp1:
0x5a: {  	[sflag:s8] =	ssyncset.done $0x0;
	(pc) =	sbr.rel @p0 .LBB2_1-.Ltmp1, $4  }
0x5b: {  	[sflag:s8] =	ssyncadd.s32 $0xFFFF0000  }
0x5c: {  	[hbm4b:s16+s2] =	stream.linear.scatter [tilespmem:s7], [sflag:$0x2], $0x10000, $0x38;
	[tilespmem:$0x10A00] =	vst v63  }
0x5d: {  	_ =	swait.ge [sflag:s3], $0x10000  }
0x5e: {  	[sflag:s3] =	ssyncset.done $0x0  }
.LBB2_2:
0x5f: {  	[sflag:s3] =	ssyncadd.s32 $0xFFFF0000  }
0x60: {  	_ =	sfence.sel $0x180000  }
0x61: {  	[bflag:$0x0] =	sbarrier.arrive $0xFFFF  }
0x62: {  	p0 =	sne.s32 s0, $0x0;
	_ =	strace $0x9000004A  }
0x63: {  	s0 =	sadd.s32 @!p0 $0x100000, s1;
	[bflag:$0x2] =	sbarrier.arrive $0xFFFF  }
0x64: {  	[sflag:s0] =	ssyncadd.tile.s32 @!p0 $0x1;
	_ =	shalt  }
.Lfunc_end2:
_tile_overlayer_lowered:
.L_overlay_start_2:
0x65: {  	(tag) =	ssettag $0x2  }
0x66: {  	s0 =	rddreg [dreg:$0x0];
	s2 =	stileid.u32  }
0x67: {  	s1 =	rddreg [dreg:$0x1];
	p0 =	sne.s32 s2, $0x0  }
0x68: {  	s3 =	rddreg [dreg:$0x2];
	[bflag:$0x3] =	sbarrier.arrive $0xFFFF;
	s2 =	simm.s32 @!p0 $0x1C02  }
0x69: {  	[timem:s3], [sflag:s2] =	dma.local @!p0 [hbm:s0], s1  }
0x6a: {  	s0 =	simm.s32 @!p0 $0x2  }
0x6b: {  	_ =	swait.ge @!p0 [sflag:s0], s1  }
0x6c: {  	s1 =	ssub.s32 @!p0 $0x0, s1;
	[sflag:s0] =	ssyncset.done @!p0 $0x0  }
0x6d: {  	[sflag:s0] =	ssyncadd.s32 @!p0 s1  }
0x6e: {  	[bflag:$0x3] =	sbarrier.arrive $0xFFFF  }
0x6f: {  	_ =	shalt  }

// kernel: kernel.33.cloned.1.call-start
scs
__scs_entry_jumppad:
0x0: {  	(pc) =	sbr.rel $0x88, $3  }
0x1: {  	(tag) =	ssettag $0x0;
	lr =	simm.s32 $0x1  }
0x2: {  	[smem:$0x3F86] =	sst lr;
	_ =	strace $0xD0000000  }
0x3: {  	_ = 	snop  }
0x4: {  	_ = 	snop  }
0x5: {  	_ = 	snop  }
0x6: {  	_ = 	snop  }
0x7: {  	_ = 	snop  }
__scs_overlays_trampoline_lowered:
0x8: {  	[smem:$0x3F95] =	sst s0  }
0x9: {  	[smem:$0x3F96] =	sst s1  }
0xa: {  	[smem:$0x3F97] =	sst s2  }
0xb: {  	[smem:$0x3F98] =	sst s3  }
0xc: {  	[smem:$0x3F99] =	sst s4  }
0xd: {  	[smem:$0x3F9A] =	sst s5  }
0xe: {  	[smem:$0x3F9B] =	sst s6  }
0xf: {  	[smem:$0x3F9C] =	sst s7  }
0x10: {  	[smem:$0x3F9D] =	sst s8  }
0x11: {  	[smem:$0x3F9E] =	sst s9;
	s0 =	simm.s32 @!p0 $0x0  }
0x12: {  	s1 =	sld [smem:$0x3F84];
	s0 =	simm.s32 @p0 $0x1  }
0x13: {  	[smem:$0x3F9F] =	sst s0;
	s0 =	simm.s32 @!p1 $0x0  }
0x14: {  	s2 =	sld [smem:$0x3F83];
	s0 =	simm.s32 @p1 $0x1  }
0x15: {  	[smem:$0x3FA0] =	sst s0;
	s0 =	simm.s32 @!p2 $0x0  }
0x16: {  	s3 =	sld [smem:$0x3FDB];
	s0 =	simm.s32 @p2 $0x1  }
0x17: {  	s4 =	simm.s32 $0x1BF5;
	[smem:$0x3FA2] =	sst s0  }
0x18: {  	s0 =	sld [smem:$0x3F85];
	_ =	swait.ge [sflag:s4], $0x0  }
0x19: {  	s7 =	sld [smem:$0x3F86]  }
0x1a: {  	s8 =	sadd.s32 $0xFFFFE003, lr  }
0x1b: {  	s9 =	sadd.s32 $0xFFFFFEF7, lr;
	s5 =	simm.s32 $0xFFFFFFFF;
	p2 =	slt.u32 s8, $0xFFFFF086  }
0x1c: {  	p1 =	slt.u32 s9, $0xF7A;
	s5 =	simm.s32 @!p2 $0x0  }
0x1d: {  	s5 =	simm.s32 @p1 $0x1;
	p0 =	seq.s32 s7, s2  }
0x1e: {  	s7 =	smul.u32 @!p0 $0xF7A, s2;
	p2 =	seq.s32 @!p0 s5, $0x0  }
0x1f: {  	s9 =	smul.u32 $0xF7A, s1;
	s8 =	simm.s32 @!p0 $0x1BF5;
	p2 =	por !p2, p0  }
0x20: {  	[sflag:s8] =	ssyncset.s32 @!p0 $0xFFFFF086;
	s6 =	sadd.s32 @!p0 s3, s7;
	s7 =	simm.s32 @!p0 $0x108  }
0x21: {  	s3 =	sadd.s32 s3, s9;
	s6 =	sadd.s32 @!p0 $0x88, s6;
	s7 =	simm.s32 @p2 $0x1082  }
0x22: {  	[simem:s7], [sflag:s8] =	dma.local @!p0 [hbm:s6], $0xF7A  }
0x23: {  	s9 =	sor.u32 $0xD0000000, s2;
	s6 =	simm.s32 $0x108;
	_ =	swait.ge @!p0 [sflag:s8], $0x0  }
0x24: {  	s3 =	sadd.s32 $0x88, s3;
	s6 =	simm.s32 @!p1 $0x1082;
	[sflag:s4] =	ssyncset.s32 $0xFFFFF086  }
0x25: {  	[simem:s6], [sflag:s4] =	dma.local [hbm:s3], $0xF7A  }
0x26: {  	[smem:$0x3F86] =	sst s1;
	(tag) =	ssettag s2;
	_ =	strace s9  }
0x27: {  	s1 =	sld [smem:$0x3F96]  }
0x28: {  	s2 =	sld [smem:$0x3F97]  }
0x29: {  	s4 =	sld [smem:$0x3F99]  }
0x2a: {  	p0 =	seq.s32 s5, $0x0;
	s5 =	sld [smem:$0x3F9A]  }
0x2b: {  	s6 =	sld [smem:$0x3F9B]  }
0x2c: {  	s7 =	sld [smem:$0x3F9C]  }
0x2d: {  	s3 =	simm.s32 $0x108;
	s8 =	sld [smem:$0x3F9D]  }
0x2e: {  	s3 =	simm.s32 @!p0 $0x1082;
	s9 =	sld [smem:$0x3F9E]  }
0x2f: {  	lr =	sadd.s32 s0, s3;
	s0 =	sld [smem:$0x3F95]  }
0x30: {  	s3 =	sld [smem:$0x3F98]  }
0x31: {  	[smem:$0x3FA1] =	sst s10  }
0x32: {  	s10 =	sld [smem:$0x3F9F];
	_ =	sdelay $0x3  }
0x33: {  	p0 =	seq.s32 s10, $0x1;
	s10 =	sld [smem:$0x3FA1];
	_ =	sdelay $0x3  }
0x34: {  	[smem:$0x3FA1] =	sst s10  }
0x35: {  	s10 =	sld [smem:$0x3FA0];
	_ =	sdelay $0x3  }
0x36: {  	p1 =	seq.s32 s10, $0x1;
	s10 =	sld [smem:$0x3FA1];
	_ =	sdelay $0x3  }
0x37: {  	[smem:$0x3FA1] =	sst s10  }
0x38: {  	s10 =	sld [smem:$0x3FA2]  }
0x39: {  	_ = 	snop;
	(pc) =	sbr.ind lr, $3  }
0x3a: {  	_ = 	snop  }
0x3b: {  	_ = 	snop  }
0x3c: {  	p2 =	seq.s32 s10, $0x1;
	s10 =	sld [smem:$0x3FA1]  }
0x3d: {  	_ =	shalt  }
0x3e: {  	_ =	shalt  }
0x3f: {  	_ =	shalt  }
0x40: {  	_ =	shalt  }
0x41: {  	_ =	shalt  }
0x42: {  	_ =	shalt  }
0x43: {  	_ =	shalt  }
0x44: {  	_ =	shalt  }
0x45: {  	_ =	shalt  }
0x46: {  	_ =	shalt  }
0x47: {  	_ =	shalt  }
0x48: {  	_ =	shalt  }
0x49: {  	_ =	shalt  }
0x4a: {  	_ =	shalt  }
0x4b: {  	_ =	shalt  }
0x4c: {  	_ =	shalt  }
0x4d: {  	_ =	shalt  }
0x4e: {  	_ =	shalt  }
0x4f: {  	_ =	shalt  }
0x50: {  	_ =	shalt  }
0x51: {  	_ =	shalt  }
0x52: {  	_ =	shalt  }
0x53: {  	_ =	shalt  }
0x54: {  	_ =	shalt  }
0x55: {  	_ =	shalt  }
0x56: {  	_ =	shalt  }
0x57: {  	_ =	shalt  }
0x58: {  	_ =	shalt  }
0x59: {  	_ =	shalt  }
0x5a: {  	_ =	shalt  }
0x5b: {  	_ =	shalt  }
0x5c: {  	_ =	shalt  }
0x5d: {  	_ =	shalt  }
0x5e: {  	_ =	shalt  }
0x5f: {  	_ =	shalt  }
0x60: {  	_ =	shalt  }
0x61: {  	_ =	shalt  }
0x62: {  	_ =	shalt  }
0x63: {  	_ =	shalt  }
0x64: {  	_ =	shalt  }
0x65: {  	_ =	shalt  }
0x66: {  	_ =	shalt  }
0x67: {  	_ =	shalt  }
0x68: {  	_ =	shalt  }
0x69: {  	_ =	shalt  }
0x6a: {  	_ =	shalt  }
0x6b: {  	_ =	shalt  }
0x6c: {  	_ =	shalt  }
0x6d: {  	_ =	shalt  }
0x6e: {  	_ =	shalt  }
0x6f: {  	_ =	shalt  }
0x70: {  	_ =	shalt  }
0x71: {  	_ =	shalt  }
0x72: {  	_ =	shalt  }
0x73: {  	_ =	shalt  }
0x74: {  	_ =	shalt  }
0x75: {  	_ =	shalt  }
0x76: {  	_ =	shalt  }
0x77: {  	_ =	shalt  }
0x78: {  	_ =	shalt  }
0x79: {  	_ =	shalt  }
0x7a: {  	_ =	shalt  }
0x7b: {  	_ =	shalt  }
0x7c: {  	_ =	shalt  }
0x7d: {  	_ =	shalt  }
0x7e: {  	_ =	shalt  }
0x7f: {  	_ =	shalt  }
0x80: {  	_ =	shalt  }
0x81: {  	_ =	shalt  }
0x82: {  	_ =	shalt  }
0x83: {  	_ =	shalt  }
0x84: {  	_ =	shalt  }
0x85: {  	_ =	shalt  }
0x86: {  	_ =	shalt  }
0x87: {  	_ =	shalt  }
.Lfunc_end0:
.L_simem_size_0:
called_computation.2_lowered:
.L_overlay_start_0:
0x88: {  	s2 =	sld [smem:$0x3FD9]  }
0x89: {  	s3 =	sld [smem:$0x3FFE];
	_ =	sdelay $0x1  }
0x8a: {  	s1 =	srdreg.scid  }
0x8b: {  	s0 =	sand.u32 $0x1, s1  }
0x8c: {  	s16 =	sshll.u32 s0, $0xA;
	s2 =	sadd.s32 s3, s2  }
0x8d: {  	s2 =	sadd.s32 s2, s16  }
0x8e: {  	[smem:$0x3FAD] =	sst s2  }
0x8f: {  	_ = 	snop  }
0x90: {  	(tm) =	ssettm $0x1  }
0x91: {  	s17 =	sld [smem:$0x3FFB];
	_ =	sdelay $0x3  }
0x92: {  	_ =	strace s17  }
0x93: {  	s2 =	sld [smem:$0x3FFC];
	_ =	sdelay $0x3  }
0x94: {  	_ =	strace s2  }
0x95: {  	s2 =	sld [smem:$0x3FFD];
	_ =	sdelay $0x3  }
0x96: {  	_ =	strace s2  }
0x97: {  	_ =	strace $0x8FFFFFFF  }
0x98: {  	s18 =	sld [smem:$0x3FDB];
	_ =	sdelay $0x1  }
0x99: {  	s19 =	simm.s32 $_scs_section_size  }
0x9a: {  	s4 =	simm.s32 $_size__tile_overlayer_lowered;
	s5 =	simm.s32 $_tile_overlayer_lowered  }
0x9b: {  	s22 =	simm.s32 $0x1BFF;
	s21 =	sshll.u32 s5, $0x1;
	s2 =	sadd.s32 s19, s18  }
0x9c: {  	s6 =	simm.s32 $0x0;
	s20 =	sshll.u32 s4, $0x1;
	s4 =	sadd.s32 s21, s2  }
0x9d: {  	[timem:s6], [sflag:s22] =	dma.local [hbm:s4], s20  }
0x9e: {  	_ =	swait.ge [sflag:s22], s20  }
0x9f: {  	s3 =	ssub.s32 $0x0, s20;
	[sflag:s22] =	ssyncset.done $0x0  }
0xa0: {  	[sflag:s22] =	ssyncadd.s32 s3;
	_ =	sdelay $0x1  }
0xa1: {  	s23 =	simm.s32 $0x1B8B  }
0xa2: {  	_ =	swait.ge [sflag:s23], $0x1  }
0xa3: {  	[sflag:s23] =	ssyncset.done $0x0  }
0xa4: {  	s25 =	simm.s32 $0x1B8E;
	s24 =	sld [smem:$0x3FFE];
	[sflag:s23] =	ssyncadd.s32 $0xFFFFFFFF  }
0xa5: {  	s26 =	simm.s32 $execute0_lowered;
	[smem:$0x3FD2] =	sst s25  }
0xa6: {  	s4 =	sshll.u32 s26, $0x1;
	_ =	strace $0x8000004C;
	[dreg:$0x1] =	wrdreg $0xFFFFFFFF  }
0xa7: {  	s28 =	simm.s32 $_size_execute0_lowered;
	s2 =	sadd.s32 s2, s4;
	[dreg:$0x0] =	wrdreg $0x0  }
0xa8: {  	s4 =	sshll.u32 s28, $0x1;
	[dreg:$0x2] =	wrdreg s2  }
0xa9: {  	[dreg:$0x3] =	wrdreg s4  }
0xaa: {  	[dreg:$0x4] =	wrdreg $0xC0  }
0xab: {  	_ =	task [dreg:s6], $0x5FFFF  }
0xac: {  	[dreg:$0x1] =	wrdreg $0xFFFFFFFF  }
0xad: {  	[dreg:$0x0] =	wrdreg $0x60  }
0xae: {  	[dreg:$0x2] =	wrdreg s24  }
0xaf: {  	[dreg:$0x3] =	wrdreg $0x9  }
0xb0: {  	_ =	task.clear_ibuf [dreg:s6], $0x4FFFF;
	_ =	strace $0x9000004C  }
0xb1: {  	s29 =	simm.s32 $0x9;
	_ =	strace $0x8000004E  }
0xb2: {  	_ =	swait.ge [sflag:s29], $0x1  }
0xb3: {  	[sflag:s29] =	ssyncadd.s32 $0xFFFFFFFF  }
0xb4: {  	_ =	strace $0x9000004E  }
0xb5: {  	_ =	sfence  }
0xb6: {  	s30 =	sld [smem:$0x0];
	_ =	sdelay $0x2  }
0xb7: {  	s31 =	sshll.u32 s1, $0xD;
	s1 =	sshrl.u32 s1, $0x2  }
0xb8: {  	s3 =	sand.u32 $0x4000, s31;
	s1 =	sadd.s32 s1, s30  }
0xb9: {  	s0 =	sor.u32 s3, s0;
	s1 =	sshll.u32 s1, $0x11  }
0xba: {  	s0 =	sor.u32 s1, s0  }
0xbb: {  	s0 =	sadd.s32 $0x8F2B, s0  }
0xbc: {  	[sflag:s0] =	ssyncadd.remote.s32 $0x1  }
0xbd: {  	_ =	sfence.sel $0xFFFF  }
0xbe: {  	[dreg:$0x0] =	wrdreg $0xFFFFFFFF;
	(pc) =	sbr.abs _section_cstart, $3  }
0xbf: {  	[dreg:$0x1] =	wrdreg $0xFFFFFFFF  }
0xc0: {  	_ =	task.clear_ibuf [dreg:s6], $0x2FFFF;
	_ =	strace $0x9FFFFFFF  }
0xc1: {  	(tm) =	ssettm $0x7FFFFFFF  }
tec
execute0_lowered:
.L_overlay_start_1:
0x0: {  	(tag) =	ssettag $0x1  }
0x1: {  	s1 =	srdreg.scid;
	s0 =	stileid.u32  }
0x2: {  	s15 =	sand.u32 $0x1, s1;
	s31 =	sshll.u32 s0, $0x1  }
0x3: {  	s6 =	sor.u32 s15, s31  }
0x4: {  	s9 =	rddreg [dreg:$0x0];
	s3 =	smul.u32 $0x140, s6  }
0x5: {  	s2 =	simm.s32 $0x0;
	s1 =	rddreg [dreg:$0x1]  }
0x6: {  	[smem:$0x7FF] =	sst s2;
	s3 =	sadd.s32 s3, s9  }
0x7: {  	_ =	strace $0x8000004D;
	s4 =	sadd.s32 $0x35000, s3;
	s3 =	simm.s32 $0x2  }
0x8: {  	[tilespmem:s2], [sflag:$0x2] =	stream.linear.gather [hbm4b:s4+s2], $0xA00, $0x38;
	[tilespmem:$0x10A00] =	vst v63  }
0x9: {  	s7 =	simm.s32 $0xA00;
	_ =	swait.ge [sflag:s3], $0xA00  }
0xa: {  	s8 =	simm.s32 $0x1;
	s5 =	sadd.s32 $0x25000, s9;
	[sflag:s3] =	ssyncset.done $0x0  }
0xb: {  	s10 =	smul.u32 $0xA000, s6;
	s6 =	simm.s32 $0x200;
	[sflag:s3] =	ssyncadd.s32 $0xFFFFF600  }
0xc: {  	[tilespmem:s7], [sflag:$0x1] =	stream.indirect.gather [hbm4b:s5+s6], $0x80, s2, s6, $0xb8;
	[tilespmem:$0x10A00] =	vst v63  }
0xd: {  	_ =	swait.ge [sflag:s8], $0x10000  }
0xe: {  	s16 =	sadd.s32 s10, s9;
	[sflag:s8] =	ssyncset.done $0x0  }
0xf: {  	s9 =	sadd.s32 $0x37800, s16;
	[sflag:s8] =	ssyncadd.s32 $0xFFFF0000  }
0x10: {  	[hbm4b:s9+s2] =	stream.linear.scatter [tilespmem:s7], [sflag:$0x2], $0x10000, $0x38;
	[tilespmem:$0x10A00] =	vst v63  }
0x11: {  	_ =	swait.ge [sflag:s3], $0x10000  }
0x12: {  	[sflag:s3] =	ssyncset.done $0x0  }
0x13: {  	[sflag:s3] =	ssyncadd.s32 $0xFFFF0000  }
0x14: {  	[tilespmem:s7], [sflag:$0x1] =	stream.indirect.gather [hbm4b:s5+s6], $0x80, s6, s6, $0xb8;
	[tilespmem:$0x10A00] =	vst v63  }
0x15: {  	_ =	swait.ge [sflag:s8], $0x10000  }
0x16: {  	[sflag:s8] =	ssyncset.done $0x0  }
0x17: {  	s10 =	sadd.s32 $0x39800, s16;
	[sflag:s8] =	ssyncadd.s32 $0xFFFF0000  }
0x18: {  	[hbm4b:s10+s2] =	stream.linear.scatter [tilespmem:s7], [sflag:$0x2], $0x10000, $0x38;
	[tilespmem:$0x10A00] =	vst v63  }
0x19: {  	_ =	swait.ge [sflag:s3], $0x10000  }
0x1a: {  	[sflag:s3] =	ssyncset.done $0x0  }
0x1b: {  	s11 =	simm.s32 $0x400;
	[sflag:s3] =	ssyncadd.s32 $0xFFFF0000  }
0x1c: {  	[tilespmem:s7], [sflag:$0x1] =	stream.indirect.gather [hbm4b:s5+s6], $0x80, s11, s6, $0xb8;
	[tilespmem:$0x10A00] =	vst v63  }
0x1d: {  	_ =	swait.ge [sflag:s8], $0x10000  }
0x1e: {  	[sflag:s8] =	ssyncset.done $0x0  }
0x1f: {  	s12 =	sadd.s32 $0x3B800, s16;
	[sflag:s8] =	ssyncadd.s32 $0xFFFF0000  }
0x20: {  	[hbm4b:s12+s2] =	stream.linear.scatter [tilespmem:s7], [sflag:$0x2], $0x10000, $0x38;
	[tilespmem:$0x10A00] =	vst v63  }
0x21: {  	_ =	swait.ge [sflag:s3], $0x10000  }
0x22: {  	[sflag:s3] =	ssyncset.done $0x0  }
0x23: {  	s13 =	simm.s32 $0x600;
	[sflag:s3] =	ssyncadd.s32 $0xFFFF0000  }
0x24: {  	[tilespmem:s7], [sflag:$0x1] =	stream.indirect.gather [hbm4b:s5+s6], $0x80, s13, s6, $0xb8;
	[tilespmem:$0x10A00] =	vst v63  }
0x25: {  	_ =	swait.ge [sflag:s8], $0x10000  }
0x26: {  	[sflag:s8] =	ssyncset.done $0x0  }
0x27: {  	s17 =	ssub.s32 $0x2, s15;
	s14 =	sadd.s32 $0x3D800, s16;
	[sflag:s8] =	ssyncadd.s32 $0xFFFF0000  }
0x28: {  	[hbm4b:s14+s2] =	stream.linear.scatter [tilespmem:s7], [sflag:$0x2], $0x10000, $0x38;
	[tilespmem:$0x10A00] =	vst v63  }
0x29: {  	s18 =	sshrl.u32 s17, $0x1;
	_ =	swait.ge [sflag:s3], $0x10000  }
0x2a: {  	s17 =	ssub.s32 s17, s18;
	[sflag:s3] =	ssyncset.done $0x0  }
0x2b: {  	s15 =	simm.s32 $0x800;
	s17 =	smax.u32 s17, $0x1;
	[sflag:s3] =	ssyncadd.s32 $0xFFFF0000  }
0x2c: {  	[tilespmem:s7], [sflag:$0x1] =	stream.indirect.gather [hbm4b:s5+s6], $0x80, s15, s6, $0xb8;
	[tilespmem:$0x10A00] =	vst v63  }
0x2d: {  	p0 =	sne.s32 s17, $0x1;
	_ =	swait.ge [sflag:s8], $0x10000  }
.Ltmp0:
0x2e: {  	[sflag:s8] =	ssyncset.done $0x0;
	(pc) =	sbr.rel @!p0 .LBB2_2-.Ltmp0, $4  }
0x2f: {  	s16 =	sadd.s32 $0x3F800, s16;
	[sflag:s8] =	ssyncadd.s32 $0xFFFF0000  }
0x30: {  	[hbm4b:s16+s2] =	stream.linear.scatter [tilespmem:s7], [sflag:$0x2], $0x10000, $0x38;
	[tilespmem:$0x10A00] =	vst v63  }
0x31: {  	_ =	swait.ge [sflag:s3], $0x10000  }
0x32: {  	s17 =	sadd.s32 $0xFFFFFFFF, s17;
	[sflag:s3] =	ssyncset.done $0x0  }
.LBB2_1:
0x33: {  	p0 =	sne.s32 s17, $0x1;
	s17 =	sadd.s32 $0xFFFFFFFF, s17;
	[sflag:s3] =	ssyncadd.s32 $0xFFFF0000  }
0x34: {  	[tilespmem:s2], [sflag:$0x2] =	stream.linear.gather [hbm4b:s4+s2], $0xA00, $0x38;
	[tilespmem:$0x10A00] =	vst v63  }
0x35: {  	_ =	swait.ge [sflag:s3], $0xA00  }
0x36: {  	[sflag:s3] =	ssyncset.done $0x0  }
0x37: {  	[sflag:s3] =	ssyncadd.s32 $0xFFFFF600  }
0x38: {  	[tilespmem:s7], [sflag:$0x1] =	stream.indirect.gather [hbm4b:s5+s6], $0x80, s2, s6, $0xb8;
	[tilespmem:$0x10A00] =	vst v63  }
0x39: {  	_ =	swait.ge [sflag:s8], $0x10000  }
0x3a: {  	[sflag:s8] =	ssyncset.done $0x0  }
0x3b: {  	[sflag:s8] =	ssyncadd.s32 $0xFFFF0000  }
0x3c: {  	[hbm4b:s9+s2] =	stream.linear.scatter [tilespmem:s7], [sflag:$0x2], $0x10000, $0x38;
	[tilespmem:$0x10A00] =	vst v63  }
0x3d: {  	_ =	swait.ge [sflag:s3], $0x10000  }
0x3e: {  	[sflag:s3] =	ssyncset.done $0x0  }
0x3f: {  	[sflag:s3] =	ssyncadd.s32 $0xFFFF0000  }
0x40: {  	[tilespmem:s7], [sflag:$0x1] =	stream.indirect.gather [hbm4b:s5+s6], $0x80, s6, s6, $0xb8;
	[tilespmem:$0x10A00] =	vst v63  }
0x41: {  	_ =	swait.ge [sflag:s8], $0x10000  }
0x42: {  	[sflag:s8] =	ssyncset.done $0x0  }
0x43: {  	[sflag:s8] =	ssyncadd.s32 $0xFFFF0000  }
0x44: {  	[hbm4b:s10+s2] =	stream.linear.scatter [tilespmem:s7], [sflag:$0x2], $0x10000, $0x38;
	[tilespmem:$0x10A00] =	vst v63  }
0x45: {  	_ =	swait.ge [sflag:s3], $0x10000  }
0x46: {  	[sflag:s3] =	ssyncset.done $0x0  }
0x47: {  	[sflag:s3] =	ssyncadd.s32 $0xFFFF0000  }
0x48: {  	[tilespmem:s7], [sflag:$0x1] =	stream.indirect.gather [hbm4b:s5+s6], $0x80, s11, s6, $0xb8;
	[tilespmem:$0x10A00] =	vst v63  }
0x49: {  	_ =	swait.ge [sflag:s8], $0x10000  }
0x4a: {  	[sflag:s8] =	ssyncset.done $0x0  }
0x4b: {  	[sflag:s8] =	ssyncadd.s32 $0xFFFF0000  }
0x4c: {  	[hbm4b:s12+s2] =	stream.linear.scatter [tilespmem:s7], [sflag:$0x2], $0x10000, $0x38;
	[tilespmem:$0x10A00] =	vst v63  }
0x4d: {  	_ =	swait.ge [sflag:s3], $0x10000  }
0x4e: {  	[sflag:s3] =	ssyncset.done $0x0  }
0x4f: {  	[sflag:s3] =	ssyncadd.s32 $0xFFFF0000  }
0x50: {  	[tilespmem:s7], [sflag:$0x1] =	stream.indirect.gather [hbm4b:s5+s6], $0x80, s13, s6, $0xb8;
	[tilespmem:$0x10A00] =	vst v63  }
0x51: {  	_ =	swait.ge [sflag:s8], $0x10000  }
0x52: {  	[sflag:s8] =	ssyncset.done $0x0  }
0x53: {  	[sflag:s8] =	ssyncadd.s32 $0xFFFF0000  }
0x54: {  	[hbm4b:s14+s2] =	stream.linear.scatter [tilespmem:s7], [sflag:$0x2], $0x10000, $0x38;
	[tilespmem:$0x10A00] =	vst v63  }
0x55: {  	_ =	swait.ge [sflag:s3], $0x10000  }
0x56: {  	[sflag:s3] =	ssyncset.done $0x0  }
0x57: {  	[sflag:s3] =	ssyncadd.s32 $0xFFFF0000  }
0x58: {  	[tilespmem:s7], [sflag:$0x1] =	stream.indirect.gather [hbm4b:s5+s6], $0x80, s15, s6, $0xb8;
	[tilespmem:$0x10A00] =	vst v63  }
0x59: {  	_ =	swait.ge [sflag:s8], $0x10000  }
.Ltmp1:
0x5a: {  	[sflag:s8] =	ssyncset.done $0x0;
	(pc) =	sbr.rel @p0 .LBB2_1-.Ltmp1, $4  }
0x5b: {  	[sflag:s8] =	ssyncadd.s32 $0xFFFF0000  }
0x5c: {  	[hbm4b:s16+s2] =	stream.linear.scatter [tilespmem:s7], [sflag:$0x2], $0x10000, $0x38;
	[tilespmem:$0x10A00] =	vst v63  }
0x5d: {  	_ =	swait.ge [sflag:s3], $0x10000  }
0x5e: {  	[sflag:s3] =	ssyncset.done $0x0  }
.LBB2_2:
0x5f: {  	[sflag:s3] =	ssyncadd.s32 $0xFFFF0000  }
0x60: {  	_ =	sfence.sel $0x180000  }
0x61: {  	[bflag:$0x0] =	sbarrier.arrive $0xFFFF  }
0x62: {  	p0 =	sne.s32 s0, $0x0;
	_ =	strace $0x9000004D  }
0x63: {  	s0 =	sadd.s32 @!p0 $0x100000, s1;
	[bflag:$0x2] =	sbarrier.arrive $0xFFFF  }
0x64: {  	[sflag:s0] =	ssyncadd.tile.s32 @!p0 $0x1;
	_ =	shalt  }
.Lfunc_end2:
_tile_overlayer_lowered:
.L_overlay_start_2:
0x65: {  	(tag) =	ssettag $0x2  }
0x66: {  	s0 =	rddreg [dreg:$0x0];
	s2 =	stileid.u32  }
0x67: {  	s1 =	rddreg [dreg:$0x1];
	p0 =	sne.s32 s2, $0x0  }
0x68: {  	s3 =	rddreg [dreg:$0x2];
	[bflag:$0x3] =	sbarrier.arrive $0xFFFF;
	s2 =	simm.s32 @!p0 $0x1C02  }
0x69: {  	[timem:s3], [sflag:s2] =	dma.local @!p0 [hbm:s0], s1  }
0x6a: {  	s0 =	simm.s32 @!p0 $0x2  }
0x6b: {  	_ =	swait.ge @!p0 [sflag:s0], s1  }
0x6c: {  	s1 =	ssub.s32 @!p0 $0x0, s1;
	[sflag:s0] =	ssyncset.done @!p0 $0x0  }
0x6d: {  	[sflag:s0] =	ssyncadd.s32 @!p0 s1  }
0x6e: {  	[bflag:$0x3] =	sbarrier.arrive $0xFFFF  }
0x6f: {  	_ =	shalt  }

// kernel: kernel.36.cloned.1.call-start
scs
__scs_entry_jumppad:
0x0: {  	(pc) =	sbr.rel $0x88, $3  }
0x1: {  	(tag) =	ssettag $0x0;
	lr =	simm.s32 $0x1  }
0x2: {  	[smem:$0x3F86] =	sst lr;
	_ =	strace $0xD0000000  }
0x3: {  	_ = 	snop  }
0x4: {  	_ = 	snop  }
0x5: {  	_ = 	snop  }
0x6: {  	_ = 	snop  }
0x7: {  	_ = 	snop  }
__scs_overlays_trampoline_lowered:
0x8: {  	[smem:$0x3F95] =	sst s0  }
0x9: {  	[smem:$0x3F96] =	sst s1  }
0xa: {  	[smem:$0x3F97] =	sst s2  }
0xb: {  	[smem:$0x3F98] =	sst s3  }
0xc: {  	[smem:$0x3F99] =	sst s4  }
0xd: {  	[smem:$0x3F9A] =	sst s5  }
0xe: {  	[smem:$0x3F9B] =	sst s6  }
0xf: {  	[smem:$0x3F9C] =	sst s7  }
0x10: {  	[smem:$0x3F9D] =	sst s8  }
0x11: {  	[smem:$0x3F9E] =	sst s9;
	s0 =	simm.s32 @!p0 $0x0  }
0x12: {  	s1 =	sld [smem:$0x3F84];
	s0 =	simm.s32 @p0 $0x1  }
0x13: {  	[smem:$0x3F9F] =	sst s0;
	s0 =	simm.s32 @!p1 $0x0  }
0x14: {  	s2 =	sld [smem:$0x3F83];
	s0 =	simm.s32 @p1 $0x1  }
0x15: {  	[smem:$0x3FA0] =	sst s0;
	s0 =	simm.s32 @!p2 $0x0  }
0x16: {  	s3 =	sld [smem:$0x3FDB];
	s0 =	simm.s32 @p2 $0x1  }
0x17: {  	s4 =	simm.s32 $0x1BF5;
	[smem:$0x3FA2] =	sst s0  }
0x18: {  	s0 =	sld [smem:$0x3F85];
	_ =	swait.ge [sflag:s4], $0x0  }
0x19: {  	s7 =	sld [smem:$0x3F86]  }
0x1a: {  	s8 =	sadd.s32 $0xFFFFE003, lr  }
0x1b: {  	s9 =	sadd.s32 $0xFFFFFEF7, lr;
	s5 =	simm.s32 $0xFFFFFFFF;
	p2 =	slt.u32 s8, $0xFFFFF086  }
0x1c: {  	p1 =	slt.u32 s9, $0xF7A;
	s5 =	simm.s32 @!p2 $0x0  }
0x1d: {  	s5 =	simm.s32 @p1 $0x1;
	p0 =	seq.s32 s7, s2  }
0x1e: {  	s7 =	smul.u32 @!p0 $0xF7A, s2;
	p2 =	seq.s32 @!p0 s5, $0x0  }
0x1f: {  	s9 =	smul.u32 $0xF7A, s1;
	s8 =	simm.s32 @!p0 $0x1BF5;
	p2 =	por !p2, p0  }
0x20: {  	[sflag:s8] =	ssyncset.s32 @!p0 $0xFFFFF086;
	s6 =	sadd.s32 @!p0 s3, s7;
	s7 =	simm.s32 @!p0 $0x108  }
0x21: {  	s3 =	sadd.s32 s3, s9;
	s6 =	sadd.s32 @!p0 $0x88, s6;
	s7 =	simm.s32 @p2 $0x1082  }
0x22: {  	[simem:s7], [sflag:s8] =	dma.local @!p0 [hbm:s6], $0xF7A  }
0x23: {  	s9 =	sor.u32 $0xD0000000, s2;
	s6 =	simm.s32 $0x108;
	_ =	swait.ge @!p0 [sflag:s8], $0x0  }
0x24: {  	s3 =	sadd.s32 $0x88, s3;
	s6 =	simm.s32 @!p1 $0x1082;
	[sflag:s4] =	ssyncset.s32 $0xFFFFF086  }
0x25: {  	[simem:s6], [sflag:s4] =	dma.local [hbm:s3], $0xF7A  }
0x26: {  	[smem:$0x3F86] =	sst s1;
	(tag) =	ssettag s2;
	_ =	strace s9  }
0x27: {  	s1 =	sld [smem:$0x3F96]  }
0x28: {  	s2 =	sld [smem:$0x3F97]  }
0x29: {  	s4 =	sld [smem:$0x3F99]  }
0x2a: {  	p0 =	seq.s32 s5, $0x0;
	s5 =	sld [smem:$0x3F9A]  }
0x2b: {  	s6 =	sld [smem:$0x3F9B]  }
0x2c: {  	s7 =	sld [smem:$0x3F9C]  }
0x2d: {  	s3 =	simm.s32 $0x108;
	s8 =	sld [smem:$0x3F9D]  }
0x2e: {  	s3 =	simm.s32 @!p0 $0x1082;
	s9 =	sld [smem:$0x3F9E]  }
0x2f: {  	lr =	sadd.s32 s0, s3;
	s0 =	sld [smem:$0x3F95]  }
0x30: {  	s3 =	sld [smem:$0x3F98]  }
0x31: {  	[smem:$0x3FA1] =	sst s10  }
0x32: {  	s10 =	sld [smem:$0x3F9F];
	_ =	sdelay $0x3  }
0x33: {  	p0 =	seq.s32 s10, $0x1;
	s10 =	sld [smem:$0x3FA1];
	_ =	sdelay $0x3  }
0x34: {  	[smem:$0x3FA1] =	sst s10  }
0x35: {  	s10 =	sld [smem:$0x3FA0];
	_ =	sdelay $0x3  }
0x36: {  	p1 =	seq.s32 s10, $0x1;
	s10 =	sld [smem:$0x3FA1];
	_ =	sdelay $0x3  }
0x37: {  	[smem:$0x3FA1] =	sst s10  }
0x38: {  	s10 =	sld [smem:$0x3FA2]  }
0x39: {  	_ = 	snop;
	(pc) =	sbr.ind lr, $3  }
0x3a: {  	_ = 	snop  }
0x3b: {  	_ = 	snop  }
0x3c: {  	p2 =	seq.s32 s10, $0x1;
	s10 =	sld [smem:$0x3FA1]  }
0x3d: {  	_ =	shalt  }
0x3e: {  	_ =	shalt  }
0x3f: {  	_ =	shalt  }
0x40: {  	_ =	shalt  }
0x41: {  	_ =	shalt  }
0x42: {  	_ =	shalt  }
0x43: {  	_ =	shalt  }
0x44: {  	_ =	shalt  }
0x45: {  	_ =	shalt  }
0x46: {  	_ =	shalt  }
0x47: {  	_ =	shalt  }
0x48: {  	_ =	shalt  }
0x49: {  	_ =	shalt  }
0x4a: {  	_ =	shalt  }
0x4b: {  	_ =	shalt  }
0x4c: {  	_ =	shalt  }
0x4d: {  	_ =	shalt  }
0x4e: {  	_ =	shalt  }
0x4f: {  	_ =	shalt  }
0x50: {  	_ =	shalt  }
0x51: {  	_ =	shalt  }
0x52: {  	_ =	shalt  }
0x53: {  	_ =	shalt  }
0x54: {  	_ =	shalt  }
0x55: {  	_ =	shalt  }
0x56: {  	_ =	shalt  }
0x57: {  	_ =	shalt  }
0x58: {  	_ =	shalt  }
0x59: {  	_ =	shalt  }
0x5a: {  	_ =	shalt  }
0x5b: {  	_ =	shalt  }
0x5c: {  	_ =	shalt  }
0x5d: {  	_ =	shalt  }
0x5e: {  	_ =	shalt  }
0x5f: {  	_ =	shalt  }
0x60: {  	_ =	shalt  }
0x61: {  	_ =	shalt  }
0x62: {  	_ =	shalt  }
0x63: {  	_ =	shalt  }
0x64: {  	_ =	shalt  }
0x65: {  	_ =	shalt  }
0x66: {  	_ =	shalt  }
0x67: {  	_ =	shalt  }
0x68: {  	_ =	shalt  }
0x69: {  	_ =	shalt  }
0x6a: {  	_ =	shalt  }
0x6b: {  	_ =	shalt  }
0x6c: {  	_ =	shalt  }
0x6d: {  	_ =	shalt  }
0x6e: {  	_ =	shalt  }
0x6f: {  	_ =	shalt  }
0x70: {  	_ =	shalt  }
0x71: {  	_ =	shalt  }
0x72: {  	_ =	shalt  }
0x73: {  	_ =	shalt  }
0x74: {  	_ =	shalt  }
0x75: {  	_ =	shalt  }
0x76: {  	_ =	shalt  }
0x77: {  	_ =	shalt  }
0x78: {  	_ =	shalt  }
0x79: {  	_ =	shalt  }
0x7a: {  	_ =	shalt  }
0x7b: {  	_ =	shalt  }
0x7c: {  	_ =	shalt  }
0x7d: {  	_ =	shalt  }
0x7e: {  	_ =	shalt  }
0x7f: {  	_ =	shalt  }
0x80: {  	_ =	shalt  }
0x81: {  	_ =	shalt  }
0x82: {  	_ =	shalt  }
0x83: {  	_ =	shalt  }
0x84: {  	_ =	shalt  }
0x85: {  	_ =	shalt  }
0x86: {  	_ =	shalt  }
0x87: {  	_ =	shalt  }
.Lfunc_end0:
.L_simem_size_0:
called_computation.3_lowered:
.L_overlay_start_0:
0x88: {  	s2 =	sld [smem:$0x3FD9]  }
0x89: {  	s3 =	sld [smem:$0x3FFE];
	_ =	sdelay $0x1  }
0x8a: {  	s1 =	srdreg.scid  }
0x8b: {  	s0 =	sand.u32 $0x1, s1  }
0x8c: {  	s16 =	sshll.u32 s0, $0xA;
	s2 =	sadd.s32 s3, s2  }
0x8d: {  	s2 =	sadd.s32 s2, s16  }
0x8e: {  	[smem:$0x3FAD] =	sst s2  }
0x8f: {  	_ = 	snop  }
0x90: {  	(tm) =	ssettm $0x1  }
0x91: {  	s17 =	sld [smem:$0x3FFB];
	_ =	sdelay $0x3  }
0x92: {  	_ =	strace s17  }
0x93: {  	s2 =	sld [smem:$0x3FFC];
	_ =	sdelay $0x3  }
0x94: {  	_ =	strace s2  }
0x95: {  	s2 =	sld [smem:$0x3FFD];
	_ =	sdelay $0x3  }
0x96: {  	_ =	strace s2  }
0x97: {  	_ =	strace $0x8FFFFFFF  }
0x98: {  	s18 =	sld [smem:$0x3FDB];
	_ =	sdelay $0x1  }
0x99: {  	s19 =	simm.s32 $_scs_section_size  }
0x9a: {  	s4 =	simm.s32 $_size__tile_overlayer_lowered;
	s5 =	simm.s32 $_tile_overlayer_lowered  }
0x9b: {  	s22 =	simm.s32 $0x1BFF;
	s21 =	sshll.u32 s5, $0x1;
	s2 =	sadd.s32 s19, s18  }
0x9c: {  	s6 =	simm.s32 $0x0;
	s20 =	sshll.u32 s4, $0x1;
	s4 =	sadd.s32 s21, s2  }
0x9d: {  	[timem:s6], [sflag:s22] =	dma.local [hbm:s4], s20  }
0x9e: {  	_ =	swait.ge [sflag:s22], s20  }
0x9f: {  	s3 =	ssub.s32 $0x0, s20;
	[sflag:s22] =	ssyncset.done $0x0  }
0xa0: {  	[sflag:s22] =	ssyncadd.s32 s3;
	_ =	sdelay $0x1  }
0xa1: {  	s23 =	simm.s32 $0x1B8B  }
0xa2: {  	_ =	swait.ge [sflag:s23], $0x1  }
0xa3: {  	[sflag:s23] =	ssyncset.done $0x0  }
0xa4: {  	s25 =	simm.s32 $0x1B8E;
	s24 =	sld [smem:$0x3FFE];
	[sflag:s23] =	ssyncadd.s32 $0xFFFFFFFF  }
0xa5: {  	s26 =	simm.s32 $execute0_lowered;
	[smem:$0x3FD2] =	sst s25  }
0xa6: {  	s4 =	sshll.u32 s26, $0x1;
	_ =	strace $0x8000004F;
	[dreg:$0x1] =	wrdreg $0xFFFFFFFF  }
0xa7: {  	s28 =	simm.s32 $_size_execute0_lowered;
	s2 =	sadd.s32 s2, s4;
	[dreg:$0x0] =	wrdreg $0x0  }
0xa8: {  	s4 =	sshll.u32 s28, $0x1;
	[dreg:$0x2] =	wrdreg s2  }
0xa9: {  	[dreg:$0x3] =	wrdreg s4  }
0xaa: {  	[dreg:$0x4] =	wrdreg $0xC0  }
0xab: {  	_ =	task [dreg:s6], $0x5FFFF  }
0xac: {  	[dreg:$0x1] =	wrdreg $0xFFFFFFFF  }
0xad: {  	[dreg:$0x0] =	wrdreg $0x60  }
0xae: {  	[dreg:$0x2] =	wrdreg s24  }
0xaf: {  	[dreg:$0x3] =	wrdreg $0x9  }
0xb0: {  	_ =	task.clear_ibuf [dreg:s6], $0x4FFFF;
	_ =	strace $0x9000004F  }
0xb1: {  	s29 =	simm.s32 $0x9;
	_ =	strace $0x80000051  }
0xb2: {  	_ =	swait.ge [sflag:s29], $0x1  }
0xb3: {  	[sflag:s29] =	ssyncadd.s32 $0xFFFFFFFF  }
0xb4: {  	_ =	strace $0x90000051  }
0xb5: {  	_ =	sfence  }
0xb6: {  	s30 =	sld [smem:$0x0];
	_ =	sdelay $0x2  }
0xb7: {  	s31 =	sshll.u32 s1, $0xD;
	s1 =	sshrl.u32 s1, $0x2  }
0xb8: {  	s3 =	sand.u32 $0x4000, s31;
	s1 =	sadd.s32 s1, s30  }
0xb9: {  	s0 =	sor.u32 s3, s0;
	s1 =	sshll.u32 s1, $0x11  }
0xba: {  	s0 =	sor.u32 s1, s0  }
0xbb: {  	s0 =	sadd.s32 $0x8F2B, s0  }
0xbc: {  	[sflag:s0] =	ssyncadd.remote.s32 $0x1  }
0xbd: {  	_ =	sfence.sel $0xFFFF  }
0xbe: {  	[dreg:$0x0] =	wrdreg $0xFFFFFFFF;
	(pc) =	sbr.abs _section_cstart, $3  }
0xbf: {  	[dreg:$0x1] =	wrdreg $0xFFFFFFFF  }
0xc0: {  	_ =	task.clear_ibuf [dreg:s6], $0x2FFFF;
	_ =	strace $0x9FFFFFFF  }
0xc1: {  	(tm) =	ssettm $0x7FFFFFFF  }
tec
execute0_lowered:
.L_overlay_start_1:
0x0: {  	(tag) =	ssettag $0x1  }
0x1: {  	s1 =	srdreg.scid;
	s0 =	stileid.u32  }
0x2: {  	s15 =	sand.u32 $0x1, s1;
	s31 =	sshll.u32 s0, $0x1  }
0x3: {  	s6 =	sor.u32 s15, s31  }
0x4: {  	s9 =	rddreg [dreg:$0x0];
	s3 =	smul.u32 $0x140, s6  }
0x5: {  	s2 =	simm.s32 $0x0;
	s1 =	rddreg [dreg:$0x1]  }
0x6: {  	[smem:$0x7FF] =	sst s2;
	s3 =	sadd.s32 s3, s9  }
0x7: {  	_ =	strace $0x80000050;
	s4 =	sadd.s32 $0x35000, s3;
	s3 =	simm.s32 $0x2  }
0x8: {  	[tilespmem:s2], [sflag:$0x2] =	stream.linear.gather [hbm4b:s4+s2], $0xA00, $0x38;
	[tilespmem:$0x10A00] =	vst v63  }
0x9: {  	s7 =	simm.s32 $0xA00;
	_ =	swait.ge [sflag:s3], $0xA00  }
0xa: {  	s8 =	simm.s32 $0x1;
	s5 =	sadd.s32 $0x25000, s9;
	[sflag:s3] =	ssyncset.done $0x0  }
0xb: {  	s10 =	smul.u32 $0xA000, s6;
	s6 =	simm.s32 $0x200;
	[sflag:s3] =	ssyncadd.s32 $0xFFFFF600  }
0xc: {  	[tilespmem:s7], [sflag:$0x1] =	stream.indirect.gather [hbm4b:s5+s6], $0x80, s2, s6, $0xb8;
	[tilespmem:$0x10A00] =	vst v63  }
0xd: {  	_ =	swait.ge [sflag:s8], $0x10000  }
0xe: {  	s16 =	sadd.s32 s10, s9;
	[sflag:s8] =	ssyncset.done $0x0  }
0xf: {  	s9 =	sadd.s32 $0x37800, s16;
	[sflag:s8] =	ssyncadd.s32 $0xFFFF0000  }
0x10: {  	[hbm4b:s9+s2] =	stream.linear.scatter [tilespmem:s7], [sflag:$0x2], $0x10000, $0x38;
	[tilespmem:$0x10A00] =	vst v63  }
0x11: {  	_ =	swait.ge [sflag:s3], $0x10000  }
0x12: {  	[sflag:s3] =	ssyncset.done $0x0  }
0x13: {  	[sflag:s3] =	ssyncadd.s32 $0xFFFF0000  }
0x14: {  	[tilespmem:s7], [sflag:$0x1] =	stream.indirect.gather [hbm4b:s5+s6], $0x80, s6, s6, $0xb8;
	[tilespmem:$0x10A00] =	vst v63  }
0x15: {  	_ =	swait.ge [sflag:s8], $0x10000  }
0x16: {  	[sflag:s8] =	ssyncset.done $0x0  }
0x17: {  	s10 =	sadd.s32 $0x39800, s16;
	[sflag:s8] =	ssyncadd.s32 $0xFFFF0000  }
0x18: {  	[hbm4b:s10+s2] =	stream.linear.scatter [tilespmem:s7], [sflag:$0x2], $0x10000, $0x38;
	[tilespmem:$0x10A00] =	vst v63  }
0x19: {  	_ =	swait.ge [sflag:s3], $0x10000  }
0x1a: {  	[sflag:s3] =	ssyncset.done $0x0  }
0x1b: {  	s11 =	simm.s32 $0x400;
	[sflag:s3] =	ssyncadd.s32 $0xFFFF0000  }
0x1c: {  	[tilespmem:s7], [sflag:$0x1] =	stream.indirect.gather [hbm4b:s5+s6], $0x80, s11, s6, $0xb8;
	[tilespmem:$0x10A00] =	vst v63  }
0x1d: {  	_ =	swait.ge [sflag:s8], $0x10000  }
0x1e: {  	[sflag:s8] =	ssyncset.done $0x0  }
0x1f: {  	s12 =	sadd.s32 $0x3B800, s16;
	[sflag:s8] =	ssyncadd.s32 $0xFFFF0000  }
0x20: {  	[hbm4b:s12+s2] =	stream.linear.scatter [tilespmem:s7], [sflag:$0x2], $0x10000, $0x38;
	[tilespmem:$0x10A00] =	vst v63  }
0x21: {  	_ =	swait.ge [sflag:s3], $0x10000  }
0x22: {  	[sflag:s3] =	ssyncset.done $0x0  }
0x23: {  	s13 =	simm.s32 $0x600;
	[sflag:s3] =	ssyncadd.s32 $0xFFFF0000  }
0x24: {  	[tilespmem:s7], [sflag:$0x1] =	stream.indirect.gather [hbm4b:s5+s6], $0x80, s13, s6, $0xb8;
	[tilespmem:$0x10A00] =	vst v63  }
0x25: {  	_ =	swait.ge [sflag:s8], $0x10000  }
0x26: {  	[sflag:s8] =	ssyncset.done $0x0  }
0x27: {  	s17 =	ssub.s32 $0x2, s15;
	s14 =	sadd.s32 $0x3D800, s16;
	[sflag:s8] =	ssyncadd.s32 $0xFFFF0000  }
0x28: {  	[hbm4b:s14+s2] =	stream.linear.scatter [tilespmem:s7], [sflag:$0x2], $0x10000, $0x38;
	[tilespmem:$0x10A00] =	vst v63  }
0x29: {  	s18 =	sshrl.u32 s17, $0x1;
	_ =	swait.ge [sflag:s3], $0x10000  }
0x2a: {  	s17 =	ssub.s32 s17, s18;
	[sflag:s3] =	ssyncset.done $0x0  }
0x2b: {  	s15 =	simm.s32 $0x800;
	s17 =	smax.u32 s17, $0x1;
	[sflag:s3] =	ssyncadd.s32 $0xFFFF0000  }
0x2c: {  	[tilespmem:s7], [sflag:$0x1] =	stream.indirect.gather [hbm4b:s5+s6], $0x80, s15, s6, $0xb8;
	[tilespmem:$0x10A00] =	vst v63  }
0x2d: {  	p0 =	sne.s32 s17, $0x1;
	_ =	swait.ge [sflag:s8], $0x10000  }
.Ltmp0:
0x2e: {  	[sflag:s8] =	ssyncset.done $0x0;
	(pc) =	sbr.rel @!p0 .LBB2_2-.Ltmp0, $4  }
0x2f: {  	s16 =	sadd.s32 $0x3F800, s16;
	[sflag:s8] =	ssyncadd.s32 $0xFFFF0000  }
0x30: {  	[hbm4b:s16+s2] =	stream.linear.scatter [tilespmem:s7], [sflag:$0x2], $0x10000, $0x38;
	[tilespmem:$0x10A00] =	vst v63  }
0x31: {  	_ =	swait.ge [sflag:s3], $0x10000  }
0x32: {  	s17 =	sadd.s32 $0xFFFFFFFF, s17;
	[sflag:s3] =	ssyncset.done $0x0  }
.LBB2_1:
0x33: {  	p0 =	sne.s32 s17, $0x1;
	s17 =	sadd.s32 $0xFFFFFFFF, s17;
	[sflag:s3] =	ssyncadd.s32 $0xFFFF0000  }
0x34: {  	[tilespmem:s2], [sflag:$0x2] =	stream.linear.gather [hbm4b:s4+s2], $0xA00, $0x38;
	[tilespmem:$0x10A00] =	vst v63  }
0x35: {  	_ =	swait.ge [sflag:s3], $0xA00  }
0x36: {  	[sflag:s3] =	ssyncset.done $0x0  }
0x37: {  	[sflag:s3] =	ssyncadd.s32 $0xFFFFF600  }
0x38: {  	[tilespmem:s7], [sflag:$0x1] =	stream.indirect.gather [hbm4b:s5+s6], $0x80, s2, s6, $0xb8;
	[tilespmem:$0x10A00] =	vst v63  }
0x39: {  	_ =	swait.ge [sflag:s8], $0x10000  }
0x3a: {  	[sflag:s8] =	ssyncset.done $0x0  }
0x3b: {  	[sflag:s8] =	ssyncadd.s32 $0xFFFF0000  }
0x3c: {  	[hbm4b:s9+s2] =	stream.linear.scatter [tilespmem:s7], [sflag:$0x2], $0x10000, $0x38;
	[tilespmem:$0x10A00] =	vst v63  }
0x3d: {  	_ =	swait.ge [sflag:s3], $0x10000  }
0x3e: {  	[sflag:s3] =	ssyncset.done $0x0  }
0x3f: {  	[sflag:s3] =	ssyncadd.s32 $0xFFFF0000  }
0x40: {  	[tilespmem:s7], [sflag:$0x1] =	stream.indirect.gather [hbm4b:s5+s6], $0x80, s6, s6, $0xb8;
	[tilespmem:$0x10A00] =	vst v63  }
0x41: {  	_ =	swait.ge [sflag:s8], $0x10000  }
0x42: {  	[sflag:s8] =	ssyncset.done $0x0  }
0x43: {  	[sflag:s8] =	ssyncadd.s32 $0xFFFF0000  }
0x44: {  	[hbm4b:s10+s2] =	stream.linear.scatter [tilespmem:s7], [sflag:$0x2], $0x10000, $0x38;
	[tilespmem:$0x10A00] =	vst v63  }
0x45: {  	_ =	swait.ge [sflag:s3], $0x10000  }
0x46: {  	[sflag:s3] =	ssyncset.done $0x0  }
0x47: {  	[sflag:s3] =	ssyncadd.s32 $0xFFFF0000  }
0x48: {  	[tilespmem:s7], [sflag:$0x1] =	stream.indirect.gather [hbm4b:s5+s6], $0x80, s11, s6, $0xb8;
	[tilespmem:$0x10A00] =	vst v63  }
0x49: {  	_ =	swait.ge [sflag:s8], $0x10000  }
0x4a: {  	[sflag:s8] =	ssyncset.done $0x0  }
0x4b: {  	[sflag:s8] =	ssyncadd.s32 $0xFFFF0000  }
0x4c: {  	[hbm4b:s12+s2] =	stream.linear.scatter [tilespmem:s7], [sflag:$0x2], $0x10000, $0x38;
	[tilespmem:$0x10A00] =	vst v63  }
0x4d: {  	_ =	swait.ge [sflag:s3], $0x10000  }
0x4e: {  	[sflag:s3] =	ssyncset.done $0x0  }
0x4f: {  	[sflag:s3] =	ssyncadd.s32 $0xFFFF0000  }
0x50: {  	[tilespmem:s7], [sflag:$0x1] =	stream.indirect.gather [hbm4b:s5+s6], $0x80, s13, s6, $0xb8;
	[tilespmem:$0x10A00] =	vst v63  }
0x51: {  	_ =	swait.ge [sflag:s8], $0x10000  }
0x52: {  	[sflag:s8] =	ssyncset.done $0x0  }
0x53: {  	[sflag:s8] =	ssyncadd.s32 $0xFFFF0000  }
0x54: {  	[hbm4b:s14+s2] =	stream.linear.scatter [tilespmem:s7], [sflag:$0x2], $0x10000, $0x38;
	[tilespmem:$0x10A00] =	vst v63  }
0x55: {  	_ =	swait.ge [sflag:s3], $0x10000  }
0x56: {  	[sflag:s3] =	ssyncset.done $0x0  }
0x57: {  	[sflag:s3] =	ssyncadd.s32 $0xFFFF0000  }
0x58: {  	[tilespmem:s7], [sflag:$0x1] =	stream.indirect.gather [hbm4b:s5+s6], $0x80, s15, s6, $0xb8;
	[tilespmem:$0x10A00] =	vst v63  }
0x59: {  	_ =	swait.ge [sflag:s8], $0x10000  }
.Ltmp1:
0x5a: {  	[sflag:s8] =	ssyncset.done $0x0;
	(pc) =	sbr.rel @p0 .LBB2_1-.Ltmp1, $4  }
0x5b: {  	[sflag:s8] =	ssyncadd.s32 $0xFFFF0000  }
0x5c: {  	[hbm4b:s16+s2] =	stream.linear.scatter [tilespmem:s7], [sflag:$0x2], $0x10000, $0x38;
	[tilespmem:$0x10A00] =	vst v63  }
0x5d: {  	_ =	swait.ge [sflag:s3], $0x10000  }
0x5e: {  	[sflag:s3] =	ssyncset.done $0x0  }
.LBB2_2:
0x5f: {  	[sflag:s3] =	ssyncadd.s32 $0xFFFF0000  }
0x60: {  	_ =	sfence.sel $0x180000  }
0x61: {  	[bflag:$0x0] =	sbarrier.arrive $0xFFFF  }
0x62: {  	p0 =	sne.s32 s0, $0x0;
	_ =	strace $0x90000050  }
0x63: {  	s0 =	sadd.s32 @!p0 $0x100000, s1;
	[bflag:$0x2] =	sbarrier.arrive $0xFFFF  }
0x64: {  	[sflag:s0] =	ssyncadd.tile.s32 @!p0 $0x1;
	_ =	shalt  }
.Lfunc_end2:
_tile_overlayer_lowered:
.L_overlay_start_2:
0x65: {  	(tag) =	ssettag $0x2  }
0x66: {  	s0 =	rddreg [dreg:$0x0];
	s2 =	stileid.u32  }
0x67: {  	s1 =	rddreg [dreg:$0x1];
	p0 =	sne.s32 s2, $0x0  }
0x68: {  	s3 =	rddreg [dreg:$0x2];
	[bflag:$0x3] =	sbarrier.arrive $0xFFFF;
	s2 =	simm.s32 @!p0 $0x1C02  }
0x69: {  	[timem:s3], [sflag:s2] =	dma.local @!p0 [hbm:s0], s1  }
0x6a: {  	s0 =	simm.s32 @!p0 $0x2  }
0x6b: {  	_ =	swait.ge @!p0 [sflag:s0], s1  }
0x6c: {  	s1 =	ssub.s32 @!p0 $0x0, s1;
	[sflag:s0] =	ssyncset.done @!p0 $0x0  }
0x6d: {  	[sflag:s0] =	ssyncadd.s32 @!p0 s1  }
0x6e: {  	[bflag:$0x3] =	sbarrier.arrive $0xFFFF  }
0x6f: {  	_ =	shalt  }

</sc_bundles>
